<compile_context>
chip_gen: v7x
topology: tpu7x:2x2x1
jax: 0.10.2.dev20260603
libtpu: 0.0.44.dev20260713+nightly
codegen_flags: <defaults>
</compile_context>

<pallas_src>
import functools

import jax
import jax.numpy as jnp
from jax import lax
from jax.experimental import pallas as pl
from jax.experimental.pallas import tpu as pltpu
from jax.experimental.pallas import tpu_sc as plsc

D_MODEL = 64
SCALE = 8.0

NUM_CORES = 2
NUM_SUBCORES = 16
NUM_WORKERS = NUM_CORES * NUM_SUBCORES

CHUNK = 160
NBUF = 2
LANES = 16


def _sc_gather_scale(idx, table_pad):
    batch = idx.shape[0]
    b_per_w = batch // NUM_WORKERS
    n_chunks = b_per_w // CHUNK
    assert n_chunks % NBUF == 0 and n_chunks >= 2 * NBUF

    mesh = plsc.VectorSubcoreMesh(core_axis_name="c", subcore_axis_name="s")

    @functools.partial(
        pl.kernel,
        out_type=jax.ShapeDtypeStruct((batch, D_MODEL), jnp.float32),
        mesh=mesh,
        scratch_types=[
            [pltpu.VMEM((CHUNK,), jnp.int32) for _ in range(NBUF)],
            [pltpu.VMEM((CHUNK, 128), jnp.float32) for _ in range(NBUF)],
            [pltpu.VMEM((CHUNK, D_MODEL), jnp.float32) for _ in range(NBUF)],
            [pltpu.SemaphoreType.DMA for _ in range(NBUF)],
            [pltpu.SemaphoreType.DMA for _ in range(NBUF)],
        ],
    )
    def k(idx_hbm, table_hbm, out_hbm, idx_v, rows_v, out_v, gsem, osem):
        wid = lax.axis_index("s") * NUM_CORES + lax.axis_index("c")
        base = wid * b_per_w

        def load_and_gather(g, b):
            off = base + g * CHUNK
            pltpu.sync_copy(idx_hbm.at[pl.ds(off, CHUNK)], idx_v[b])
            pltpu.async_copy(table_hbm.at[idx_v[b]], rows_v[b], gsem[b])

        for b in range(NBUF):
            load_and_gather(b, b)

        @pl.loop(0, n_chunks // NBUF)
        def _outer(gg):
            for b in range(NBUF):
                g = gg * NBUF + b
                off = base + g * CHUNK
                pltpu.make_async_copy(
                    table_hbm.at[idx_v[b]], rows_v[b], gsem[b]).wait()
                @pl.when(gg > 0)
                def _():
                    pltpu.make_async_copy(
                        out_v[b], out_hbm.at[pl.ds(off, CHUNK)],
                        osem[b]).wait()

                @pl.loop(0, CHUNK // LANES)
                def _rows(h):
                    i16 = h * LANES
                    for l in range(LANES):
                        for j in range(D_MODEL // LANES):
                            v = rows_v[b].at[
                                i16 + l, pl.ds(j * LANES, LANES)][...]
                            out_v[b].at[
                                i16 + l, pl.ds(j * LANES, LANES)][...] = (
                                    v * SCALE)

                pltpu.async_copy(
                    out_v[b], out_hbm.at[pl.ds(off, CHUNK)], osem[b])

                @pl.when(g + NBUF < n_chunks)
                def _():
                    load_and_gather(g + NBUF, b)

        for b in range(NBUF):
            g = n_chunks - NBUF + b
            off = base + g * CHUNK
            pltpu.make_async_copy(
                out_v[b], out_hbm.at[pl.ds(off, CHUNK)], osem[b]).wait()

    return k(idx, table_pad)


def kernel(x, table):
    idx = x.reshape(-1)
    table_pad = jnp.pad(table, ((0, 0), (0, 128 - D_MODEL)))
    out = _sc_gather_scale(idx, table_pad)
    return out.reshape(x.shape[0], x.shape[1], D_MODEL)

# --- scband reference (transcript-rebuilt; emitter-appended) ---
"""Pipeline reference for scband-token-embedding-36206574305421 (READ-ONLY COPY).

The authoritative reference and input builder live on the scoring server;
editing this copy changes nothing except your own understanding.
"""

import jax, jax.numpy as jnp
import numpy as np
import math

VOCAB = 1000000
D_MODEL = 64
PADDING_IDX = 0


def setup_inputs(seed: int = 0) -> dict:
    key = jax.random.key(seed)
    k1, k2 = jax.random.split(key)
    table = jax.random.normal(k1, (VOCAB, D_MODEL), dtype=jnp.float32)
    # nn.Embedding with padding_idx zeroes that row at init
    table = table.at[PADDING_IDX].set(0.0)
    x = jax.random.randint(k2, (4096, 200), 0, VOCAB, dtype=jnp.int32)
    return {"x": x, "table": table}


def reference(x, table):
    # TokenEmbedding.forward: embedding(x) * sqrt(d_model)
    emb = jnp.take(table, x, axis=0)
    return emb * math.sqrt(D_MODEL)

if __name__ == "__main__":
    import jax
    _d = setup_inputs()
    print(jax.jit(kernel)(*tuple(_d.values())))

</pallas_src>

<mosaic_0001>
#map = affine_map<(d0, d1) -> (0)>
#map1 = affine_map<(d0, d1) -> (0, 0)>
module attributes {stable_mosaic.version = 14 : i64} {
  func.func @k(%arg0: i32, %arg1: i32, %arg2: memref<819200xi32, #tpu.memory_space<hbm>>, %arg3: memref<1000000x128xf32, #tpu.memory_space<hbm>>, %arg4: memref<819200x64xf32, #tpu.memory_space<hbm>>, %arg5: memref<160xi32, #tpu.memory_space<vmem>>, %arg6: memref<160xi32, #tpu.memory_space<vmem>>, %arg7: memref<160x128xf32, #tpu.memory_space<vmem>>, %arg8: memref<160x128xf32, #tpu.memory_space<vmem>>, %arg9: memref<160x64xf32, #tpu.memory_space<vmem>>, %arg10: memref<160x64xf32, #tpu.memory_space<vmem>>, %arg11: memref<!tpu.dma_semaphore, #tpu.memory_space<semaphore_mem>>, %arg12: memref<!tpu.dma_semaphore, #tpu.memory_space<semaphore_mem>>, %arg13: memref<!tpu.dma_semaphore, #tpu.memory_space<semaphore_mem>>, %arg14: memref<!tpu.dma_semaphore, #tpu.memory_space<semaphore_mem>>) attributes {dimension_semantics = [#tpu.dimension_semantics<core_parallel>, #tpu.dimension_semantics<subcore_parallel>], iteration_bounds = array<i64: 2, 16>, scalar_prefetch = 0 : i64, scratch_operands = 10 : i64, tpu.core_type = #tpu.core_type<sc_vector_subcore>, window_params = [{transform_indices = #map}, {transform_indices = #map1}, {transform_indices = #map1}]} {
    %mul3A = arith.constant 2 : i32
    %mul3A_0 = arith.muli %arg1, %mul3A : i32
    %add3A = arith.addi %mul3A_0, %arg0 : i32
    %mul3A_1 = arith.constant 25600 : i32
    %mul3A_2 = arith.muli %add3A, %mul3A_1 : i32
    %add3A_3 = arith.constant 0 : i32
    %add3A_4 = arith.addi %mul3A_2, %add3A_3 : i32
    "tpu.region"() ({
      %run_scoped3A = tpu.sem_alloc : memref<!tpu.dma_semaphore, #tpu.memory_space<semaphore_mem>>
      %dma_start3A_27 = tpu.memref_slice %arg2[%add3A_4] : memref<819200xi32, #tpu.memory_space<hbm>> -> memref<160xi32, #tpu.memory_space<hbm>>
      %dma_start3A_28 = tpu.memref_slice %arg2[%add3A_4] : memref<819200xi32, #tpu.memory_space<hbm>> -> memref<160xi32, #tpu.memory_space<hbm>>
      tpu.enqueue_dma source(%dma_start3A_28 : memref<160xi32, #tpu.memory_space<hbm>>) target(%arg5 : memref<160xi32, #tpu.memory_space<vmem>>) target_semaphore(%run_scoped3A : memref<!tpu.dma_semaphore, #tpu.memory_space<semaphore_mem>>)
      %dma_wait3A_29 = tpu.memref_slice %arg2[%add3A_4] : memref<819200xi32, #tpu.memory_space<hbm>> -> memref<160xi32, #tpu.memory_space<hbm>>
      %dma_wait3A_30 = tpu.memref_slice %arg2[%add3A_4] : memref<819200xi32, #tpu.memory_space<hbm>> -> memref<160xi32, #tpu.memory_space<hbm>>
      tpu.wait_dma2 semaphore(%run_scoped3A : memref<!tpu.dma_semaphore, #tpu.memory_space<semaphore_mem>>) src(%dma_wait3A_30 : memref<160xi32, #tpu.memory_space<hbm>>) dst(%arg5 : memref<160xi32, #tpu.memory_space<vmem>>)
      tpu.yield
    }) : () -> ()
    %dma_start3A = arith.constant 0 : i32
    %dma_start3A_5 = arith.constant 0 : i32
    %dma_start3A_6 = tpu.memref_slice %arg3[%dma_start3A, %dma_start3A_5] : memref<1000000x128xf32, #tpu.memory_space<hbm>> -> memref<1000000x128xf32, #tpu.memory_space<hbm>>
    tpu.enqueue_indirect_dma source(%dma_start3A_6 : memref<1000000x128xf32, #tpu.memory_space<hbm>>) target(%arg7 : memref<160x128xf32, #tpu.memory_space<vmem>>) offsets(%arg5 : memref<160xi32, #tpu.memory_space<vmem>>) semaphore(%arg11 : memref<!tpu.dma_semaphore, #tpu.memory_space<semaphore_mem>>)
    %add3A_7 = arith.constant 160 : i32
    %add3A_8 = arith.addi %mul3A_2, %add3A_7 : i32
    "tpu.region"() ({
      %run_scoped3A = tpu.sem_alloc : memref<!tpu.dma_semaphore, #tpu.memory_space<semaphore_mem>>
      %dma_start3A_27 = tpu.memref_slice %arg2[%add3A_8] : memref<819200xi32, #tpu.memory_space<hbm>> -> memref<160xi32, #tpu.memory_space<hbm>>
      %dma_start3A_28 = tpu.memref_slice %arg2[%add3A_8] : memref<819200xi32, #tpu.memory_space<hbm>> -> memref<160xi32, #tpu.memory_space<hbm>>
      tpu.enqueue_dma source(%dma_start3A_28 : memref<160xi32, #tpu.memory_space<hbm>>) target(%arg6 : memref<160xi32, #tpu.memory_space<vmem>>) target_semaphore(%run_scoped3A : memref<!tpu.dma_semaphore, #tpu.memory_space<semaphore_mem>>)
      %dma_wait3A_29 = tpu.memref_slice %arg2[%add3A_8] : memref<819200xi32, #tpu.memory_space<hbm>> -> memref<160xi32, #tpu.memory_space<hbm>>
      %dma_wait3A_30 = tpu.memref_slice %arg2[%add3A_8] : memref<819200xi32, #tpu.memory_space<hbm>> -> memref<160xi32, #tpu.memory_space<hbm>>
      tpu.wait_dma2 semaphore(%run_scoped3A : memref<!tpu.dma_semaphore, #tpu.memory_space<semaphore_mem>>) src(%dma_wait3A_30 : memref<160xi32, #tpu.memory_space<hbm>>) dst(%arg6 : memref<160xi32, #tpu.memory_space<vmem>>)
      tpu.yield
    }) : () -> ()
    %dma_start3A_9 = arith.constant 0 : i32
    %dma_start3A_10 = arith.constant 0 : i32
    %dma_start3A_11 = tpu.memref_slice %arg3[%dma_start3A_9, %dma_start3A_10] : memref<1000000x128xf32, #tpu.memory_space<hbm>> -> memref<1000000x128xf32, #tpu.memory_space<hbm>>
    tpu.enqueue_indirect_dma source(%dma_start3A_11 : memref<1000000x128xf32, #tpu.memory_space<hbm>>) target(%arg8 : memref<160x128xf32, #tpu.memory_space<vmem>>) offsets(%arg6 : memref<160xi32, #tpu.memory_space<vmem>>) semaphore(%arg12 : memref<!tpu.dma_semaphore, #tpu.memory_space<semaphore_mem>>)
    %scan3A = arith.constant 0 : i32
    %scan3A_12 = arith.constant 80 : i32
    %scan3A_13 = arith.addi %scan3A, %scan3A_12 : i32
    %scan3A_14 = arith.constant 1 : i32
    scf.for %scan3A_27 = %scan3A to %scan3A_13 step %scan3A_14  : i32 {
      %mul3A_28 = arith.constant 1 : i32
      %mul3A_29 = arith.muli %scan3A_27, %mul3A_28 : i32
      %add3A_30 = arith.constant 0 : i32
      %add3A_31 = arith.addi %add3A_30, %mul3A_29 : i32
      %mul3A_32 = arith.constant 2 : i32
      %mul3A_33 = arith.muli %add3A_31, %mul3A_32 : i32
      %add3A_34 = arith.constant 0 : i32
      %add3A_35 = arith.addi %mul3A_33, %add3A_34 : i32
      %mul3A_36 = arith.constant 160 : i32
      %mul3A_37 = arith.muli %add3A_35, %mul3A_36 : i32
      %add3A_38 = arith.addi %mul3A_2, %mul3A_37 : i32
      %dma_wait3A_39 = arith.constant 0 : i32
      %dma_wait3A_40 = arith.constant 0 : i32
      %dma_wait3A_41 = tpu.memref_slice %arg3[%dma_wait3A_39, %dma_wait3A_40] : memref<1000000x128xf32, #tpu.memory_space<hbm>> -> memref<1000000x128xf32, #tpu.memory_space<hbm>>
      tpu.wait_indirect_dma semaphore(%arg11 : memref<!tpu.dma_semaphore, #tpu.memory_space<semaphore_mem>>) src(%dma_wait3A_41 : memref<1000000x128xf32, #tpu.memory_space<hbm>>) dst(%arg7 : memref<160x128xf32, #tpu.memory_space<vmem>>)
      %gt3A = arith.constant 0 : i32
      %gt3A_42 = arith.cmpi sgt, %add3A_31, %gt3A : i32
      %convert_element_type3A = arith.extui %gt3A_42 : i1 to i32
      %cond3A = arith.constant 0 : i32
      %cond3A_43 = arith.cmpi ne, %convert_element_type3A, %cond3A : i32
      scf.if %cond3A_43 {
        %dma_wait3A_90 = arith.constant 0 : i32
        %dma_wait3A_91 = tpu.memref_slice %arg4[%add3A_38, %dma_wait3A_90] : memref<819200x64xf32, #tpu.memory_space<hbm>> -> memref<160x64xf32, #tpu.memory_space<hbm>>
        %dma_wait3A_92 = arith.constant 0 : i32
        %dma_wait3A_93 = tpu.memref_slice %arg4[%add3A_38, %dma_wait3A_92] : memref<819200x64xf32, #tpu.memory_space<hbm>> -> memref<160x64xf32, #tpu.memory_space<hbm>>
        tpu.wait_dma2 semaphore(%arg13 : memref<!tpu.dma_semaphore, #tpu.memory_space<semaphore_mem>>) src(%arg9 : memref<160x64xf32, #tpu.memory_space<vmem>>) dst(%dma_wait3A_93 : memref<160x64xf32, #tpu.memory_space<hbm>>)
      } else {
      }
      %scan3A_44 = arith.constant 0 : i32
      %scan3A_45 = arith.constant 10 : i32
      %scan3A_46 = arith.addi %scan3A_44, %scan3A_45 : i32
      %scan3A_47 = arith.constant 1 : i32
      scf.for %scan3A_90 = %scan3A_44 to %scan3A_46 step %scan3A_47  : i32 {
        %mul3A_91 = arith.constant 1 : i32
        %mul3A_92 = arith.muli %scan3A_90, %mul3A_91 : i32
        %add3A_93 = arith.constant 0 : i32
        %add3A_94 = arith.addi %add3A_93, %mul3A_92 : i32
        %mul3A_95 = arith.constant 16 : i32
        %mul3A_96 = arith.muli %add3A_94, %mul3A_95 : i32
        %add3A_97 = arith.constant 0 : i32
        %add3A_98 = arith.addi %mul3A_96, %add3A_97 : i32
        %get3A = arith.index_cast %add3A_98 : i32 to index
        %get3A_99 = arith.constant 0 : index
        %get3A_100 = tpu.vector_load %arg7[%get3A, %get3A_99] {strides = array<i32>} : memref<160x128xf32, #tpu.memory_space<vmem>>, vector<1x16xf32>,
        %get3A_101 = vector.shape_cast %get3A_100 : vector<1x16xf32> to vector<16xf32>
        %mul3A_102 = arith.constant 8.000000e+00 : f32
        %mul3A_103 = vector.broadcast %mul3A_102 : f32 to vector<16xf32>
        %mul3A_104 = arith.mulf %get3A_101, %mul3A_103 : vector<16xf32>
        %add3A_105 = arith.constant 0 : i32
        %add3A_106 = arith.addi %mul3A_96, %add3A_105 : i32
        %swap3A = arith.index_cast %add3A_106 : i32 to index
        %swap3A_107 = arith.constant 0 : index
        %swap3A_108 = tpu.vector_load %arg9[%swap3A, %swap3A_107] {strides = array<i32>} : memref<160x64xf32, #tpu.memory_space<vmem>>, vector<1x16xf32>,
        %swap3A_109 = vector.shape_cast %swap3A_108 : vector<1x16xf32> to vector<16xf32>
        %swap3A_110 = vector.shape_cast %mul3A_104 : vector<16xf32> to vector<1x16xf32>
        tpu.vector_store %arg9[%swap3A, %swap3A_107], %swap3A_110 {strides = array<i32>} : memref<160x64xf32, #tpu.memory_space<vmem>>, vector<1x16xf32>,
        %add3A_111 = arith.constant 0 : i32
        %add3A_112 = arith.addi %mul3A_96, %add3A_111 : i32
        %get3A_113 = arith.index_cast %add3A_112 : i32 to index
        %get3A_114 = arith.constant 16 : index
        %get3A_115 = tpu.vector_load %arg7[%get3A_113, %get3A_114] {strides = array<i32>} : memref<160x128xf32, #tpu.memory_space<vmem>>, vector<1x16xf32>,
        %get3A_116 = vector.shape_cast %get3A_115 : vector<1x16xf32> to vector<16xf32>
        %mul3A_117 = arith.constant 8.000000e+00 : f32
        %mul3A_118 = vector.broadcast %mul3A_117 : f32 to vector<16xf32>
        %mul3A_119 = arith.mulf %get3A_116, %mul3A_118 : vector<16xf32>
        %add3A_120 = arith.constant 0 : i32
        %add3A_121 = arith.addi %mul3A_96, %add3A_120 : i32
        %swap3A_122 = arith.index_cast %add3A_121 : i32 to index
        %swap3A_123 = arith.constant 16 : index
        %swap3A_124 = tpu.vector_load %arg9[%swap3A_122, %swap3A_123] {strides = array<i32>} : memref<160x64xf32, #tpu.memory_space<vmem>>, vector<1x16xf32>,
        %swap3A_125 = vector.shape_cast %swap3A_124 : vector<1x16xf32> to vector<16xf32>
        %swap3A_126 = vector.shape_cast %mul3A_119 : vector<16xf32> to vector<1x16xf32>
        tpu.vector_store %arg9[%swap3A_122, %swap3A_123], %swap3A_126 {strides = array<i32>} : memref<160x64xf32, #tpu.memory_space<vmem>>, vector<1x16xf32>,
        %add3A_127 = arith.constant 0 : i32
        %add3A_128 = arith.addi %mul3A_96, %add3A_127 : i32
        %get3A_129 = arith.index_cast %add3A_128 : i32 to index
        %get3A_130 = arith.constant 32 : index
        %get3A_131 = tpu.vector_load %arg7[%get3A_129, %get3A_130] {strides = array<i32>} : memref<160x128xf32, #tpu.memory_space<vmem>>, vector<1x16xf32>,
        %get3A_132 = vector.shape_cast %get3A_131 : vector<1x16xf32> to vector<16xf32>
        %mul3A_133 = arith.constant 8.000000e+00 : f32
        %mul3A_134 = vector.broadcast %mul3A_133 : f32 to vector<16xf32>
        %mul3A_135 = arith.mulf %get3A_132, %mul3A_134 : vector<16xf32>
        %add3A_136 = arith.constant 0 : i32
        %add3A_137 = arith.addi %mul3A_96, %add3A_136 : i32
        %swap3A_138 = arith.index_cast %add3A_137 : i32 to index
        %swap3A_139 = arith.constant 32 : index
        %swap3A_140 = tpu.vector_load %arg9[%swap3A_138, %swap3A_139] {strides = array<i32>} : memref<160x64xf32, #tpu.memory_space<vmem>>, vector<1x16xf32>,
        %swap3A_141 = vector.shape_cast %swap3A_140 : vector<1x16xf32> to vector<16xf32>
        %swap3A_142 = vector.shape_cast %mul3A_135 : vector<16xf32> to vector<1x16xf32>
        tpu.vector_store %arg9[%swap3A_138, %swap3A_139], %swap3A_142 {strides = array<i32>} : memref<160x64xf32, #tpu.memory_space<vmem>>, vector<1x16xf32>,
        %add3A_143 = arith.constant 0 : i32
        %add3A_144 = arith.addi %mul3A_96, %add3A_143 : i32
        %get3A_145 = arith.index_cast %add3A_144 : i32 to index
        %get3A_146 = arith.constant 48 : index
        %get3A_147 = tpu.vector_load %arg7[%get3A_145, %get3A_146] {strides = array<i32>} : memref<160x128xf32, #tpu.memory_space<vmem>>, vector<1x16xf32>,
        %get3A_148 = vector.shape_cast %get3A_147 : vector<1x16xf32> to vector<16xf32>
        %mul3A_149 = arith.constant 8.000000e+00 : f32
        %mul3A_150 = vector.broadcast %mul3A_149 : f32 to vector<16xf32>
        %mul3A_151 = arith.mulf %get3A_148, %mul3A_150 : vector<16xf32>
        %add3A_152 = arith.constant 0 : i32
        %add3A_153 = arith.addi %mul3A_96, %add3A_152 : i32
        %swap3A_154 = arith.index_cast %add3A_153 : i32 to index
        %swap3A_155 = arith.constant 48 : index
        %swap3A_156 = tpu.vector_load %arg9[%swap3A_154, %swap3A_155] {strides = array<i32>} : memref<160x64xf32, #tpu.memory_space<vmem>>, vector<1x16xf32>,
        %swap3A_157 = vector.shape_cast %swap3A_156 : vector<1x16xf32> to vector<16xf32>
        %swap3A_158 = vector.shape_cast %mul3A_151 : vector<16xf32> to vector<1x16xf32>
        tpu.vector_store %arg9[%swap3A_154, %swap3A_155], %swap3A_158 {strides = array<i32>} : memref<160x64xf32, #tpu.memory_space<vmem>>, vector<1x16xf32>,
        %add3A_159 = arith.constant 1 : i32
        %add3A_160 = arith.addi %mul3A_96, %add3A_159 : i32
        %get3A_161 = arith.index_cast %add3A_160 : i32 to index
        %get3A_162 = arith.constant 0 : index
        %get3A_163 = tpu.vector_load %arg7[%get3A_161, %get3A_162] {strides = array<i32>} : memref<160x128xf32, #tpu.memory_space<vmem>>, vector<1x16xf32>,
        %get3A_164 = vector.shape_cast %get3A_163 : vector<1x16xf32> to vector<16xf32>
        %mul3A_165 = arith.constant 8.000000e+00 : f32
        %mul3A_166 = vector.broadcast %mul3A_165 : f32 to vector<16xf32>
        %mul3A_167 = arith.mulf %get3A_164, %mul3A_166 : vector<16xf32>
        %add3A_168 = arith.constant 1 : i32
        %add3A_169 = arith.addi %mul3A_96, %add3A_168 : i32
        %swap3A_170 = arith.index_cast %add3A_169 : i32 to index
        %swap3A_171 = arith.constant 0 : index
        %swap3A_172 = tpu.vector_load %arg9[%swap3A_170, %swap3A_171] {strides = array<i32>} : memref<160x64xf32, #tpu.memory_space<vmem>>, vector<1x16xf32>,
        %swap3A_173 = vector.shape_cast %swap3A_172 : vector<1x16xf32> to vector<16xf32>
        %swap3A_174 = vector.shape_cast %mul3A_167 : vector<16xf32> to vector<1x16xf32>
        tpu.vector_store %arg9[%swap3A_170, %swap3A_171], %swap3A_174 {strides = array<i32>} : memref<160x64xf32, #tpu.memory_space<vmem>>, vector<1x16xf32>,
        %add3A_175 = arith.constant 1 : i32
        %add3A_176 = arith.addi %mul3A_96, %add3A_175 : i32
        %get3A_177 = arith.index_cast %add3A_176 : i32 to index
        %get3A_178 = arith.constant 16 : index
        %get3A_179 = tpu.vector_load %arg7[%get3A_177, %get3A_178] {strides = array<i32>} : memref<160x128xf32, #tpu.memory_space<vmem>>, vector<1x16xf32>,
        %get3A_180 = vector.shape_cast %get3A_179 : vector<1x16xf32> to vector<16xf32>
        %mul3A_181 = arith.constant 8.000000e+00 : f32
        %mul3A_182 = vector.broadcast %mul3A_181 : f32 to vector<16xf32>
        %mul3A_183 = arith.mulf %get3A_180, %mul3A_182 : vector<16xf32>
        %add3A_184 = arith.constant 1 : i32
        %add3A_185 = arith.addi %mul3A_96, %add3A_184 : i32
        %swap3A_186 = arith.index_cast %add3A_185 : i32 to index
        %swap3A_187 = arith.constant 16 : index
        %swap3A_188 = tpu.vector_load %arg9[%swap3A_186, %swap3A_187] {strides = array<i32>} : memref<160x64xf32, #tpu.memory_space<vmem>>, vector<1x16xf32>,
        %swap3A_189 = vector.shape_cast %swap3A_188 : vector<1x16xf32> to vector<16xf32>
        %swap3A_190 = vector.shape_cast %mul3A_183 : vector<16xf32> to vector<1x16xf32>
        tpu.vector_store %arg9[%swap3A_186, %swap3A_187], %swap3A_190 {strides = array<i32>} : memref<160x64xf32, #tpu.memory_space<vmem>>, vector<1x16xf32>,
        %add3A_191 = arith.constant 1 : i32
        %add3A_192 = arith.addi %mul3A_96, %add3A_191 : i32
        %get3A_193 = arith.index_cast %add3A_192 : i32 to index
        %get3A_194 = arith.constant 32 : index
        %get3A_195 = tpu.vector_load %arg7[%get3A_193, %get3A_194] {strides = array<i32>} : memref<160x128xf32, #tpu.memory_space<vmem>>, vector<1x16xf32>,
        %get3A_196 = vector.shape_cast %get3A_195 : vector<1x16xf32> to vector<16xf32>
        %mul3A_197 = arith.constant 8.000000e+00 : f32
        %mul3A_198 = vector.broadcast %mul3A_197 : f32 to vector<16xf32>
        %mul3A_199 = arith.mulf %get3A_196, %mul3A_198 : vector<16xf32>
        %add3A_200 = arith.constant 1 : i32
        %add3A_201 = arith.addi %mul3A_96, %add3A_200 : i32
        %swap3A_202 = arith.index_cast %add3A_201 : i32 to index
        %swap3A_203 = arith.constant 32 : index
        %swap3A_204 = tpu.vector_load %arg9[%swap3A_202, %swap3A_203] {strides = array<i32>} : memref<160x64xf32, #tpu.memory_space<vmem>>, vector<1x16xf32>,
        %swap3A_205 = vector.shape_cast %swap3A_204 : vector<1x16xf32> to vector<16xf32>
        %swap3A_206 = vector.shape_cast %mul3A_199 : vector<16xf32> to vector<1x16xf32>
        tpu.vector_store %arg9[%swap3A_202, %swap3A_203], %swap3A_206 {strides = array<i32>} : memref<160x64xf32, #tpu.memory_space<vmem>>, vector<1x16xf32>,
        %add3A_207 = arith.constant 1 : i32
        %add3A_208 = arith.addi %mul3A_96, %add3A_207 : i32
        %get3A_209 = arith.index_cast %add3A_208 : i32 to index
        %get3A_210 = arith.constant 48 : index
        %get3A_211 = tpu.vector_load %arg7[%get3A_209, %get3A_210] {strides = array<i32>} : memref<160x128xf32, #tpu.memory_space<vmem>>, vector<1x16xf32>,
        %get3A_212 = vector.shape_cast %get3A_211 : vector<1x16xf32> to vector<16xf32>
        %mul3A_213 = arith.constant 8.000000e+00 : f32
        %mul3A_214 = vector.broadcast %mul3A_213 : f32 to vector<16xf32>
        %mul3A_215 = arith.mulf %get3A_212, %mul3A_214 : vector<16xf32>
        %add3A_216 = arith.constant 1 : i32
        %add3A_217 = arith.addi %mul3A_96, %add3A_216 : i32
        %swap3A_218 = arith.index_cast %add3A_217 : i32 to index
        %swap3A_219 = arith.constant 48 : index
        %swap3A_220 = tpu.vector_load %arg9[%swap3A_218, %swap3A_219] {strides = array<i32>} : memref<160x64xf32, #tpu.memory_space<vmem>>, vector<1x16xf32>,
        %swap3A_221 = vector.shape_cast %swap3A_220 : vector<1x16xf32> to vector<16xf32>
        %swap3A_222 = vector.shape_cast %mul3A_215 : vector<16xf32> to vector<1x16xf32>
        tpu.vector_store %arg9[%swap3A_218, %swap3A_219], %swap3A_222 {strides = array<i32>} : memref<160x64xf32, #tpu.memory_space<vmem>>, vector<1x16xf32>,
        %add3A_223 = arith.constant 2 : i32
        %add3A_224 = arith.addi %mul3A_96, %add3A_223 : i32
        %get3A_225 = arith.index_cast %add3A_224 : i32 to index
        %get3A_226 = arith.constant 0 : index
        %get3A_227 = tpu.vector_load %arg7[%get3A_225, %get3A_226] {strides = array<i32>} : memref<160x128xf32, #tpu.memory_space<vmem>>, vector<1x16xf32>,
        %get3A_228 = vector.shape_cast %get3A_227 : vector<1x16xf32> to vector<16xf32>
        %mul3A_229 = arith.constant 8.000000e+00 : f32
        %mul3A_230 = vector.broadcast %mul3A_229 : f32 to vector<16xf32>
        %mul3A_231 = arith.mulf %get3A_228, %mul3A_230 : vector<16xf32>
        %add3A_232 = arith.constant 2 : i32
        %add3A_233 = arith.addi %mul3A_96, %add3A_232 : i32
        %swap3A_234 = arith.index_cast %add3A_233 : i32 to index
        %swap3A_235 = arith.constant 0 : index
        %swap3A_236 = tpu.vector_load %arg9[%swap3A_234, %swap3A_235] {strides = array<i32>} : memref<160x64xf32, #tpu.memory_space<vmem>>, vector<1x16xf32>,
        %swap3A_237 = vector.shape_cast %swap3A_236 : vector<1x16xf32> to vector<16xf32>
        %swap3A_238 = vector.shape_cast %mul3A_231 : vector<16xf32> to vector<1x16xf32>
        tpu.vector_store %arg9[%swap3A_234, %swap3A_235], %swap3A_238 {strides = array<i32>} : memref<160x64xf32, #tpu.memory_space<vmem>>, vector<1x16xf32>,
        %add3A_239 = arith.constant 2 : i32
        %add3A_240 = arith.addi %mul3A_96, %add3A_239 : i32
        %get3A_241 = arith.index_cast %add3A_240 : i32 to index
        %get3A_242 = arith.constant 16 : index
        %get3A_243 = tpu.vector_load %arg7[%get3A_241, %get3A_242] {strides = array<i32>} : memref<160x128xf32, #tpu.memory_space<vmem>>, vector<1x16xf32>,
        %get3A_244 = vector.shape_cast %get3A_243 : vector<1x16xf32> to vector<16xf32>
        %mul3A_245 = arith.constant 8.000000e+00 : f32
        %mul3A_246 = vector.broadcast %mul3A_245 : f32 to vector<16xf32>
        %mul3A_247 = arith.mulf %get3A_244, %mul3A_246 : vector<16xf32>
        %add3A_248 = arith.constant 2 : i32
        %add3A_249 = arith.addi %mul3A_96, %add3A_248 : i32
        %swap3A_250 = arith.index_cast %add3A_249 : i32 to index
        %swap3A_251 = arith.constant 16 : index
        %swap3A_252 = tpu.vector_load %arg9[%swap3A_250, %swap3A_251] {strides = array<i32>} : memref<160x64xf32, #tpu.memory_space<vmem>>, vector<1x16xf32>,
        %swap3A_253 = vector.shape_cast %swap3A_252 : vector<1x16xf32> to vector<16xf32>
        %swap3A_254 = vector.shape_cast %mul3A_247 : vector<16xf32> to vector<1x16xf32>
        tpu.vector_store %arg9[%swap3A_250, %swap3A_251], %swap3A_254 {strides = array<i32>} : memref<160x64xf32, #tpu.memory_space<vmem>>, vector<1x16xf32>,
        %add3A_255 = arith.constant 2 : i32
        %add3A_256 = arith.addi %mul3A_96, %add3A_255 : i32
        %get3A_257 = arith.index_cast %add3A_256 : i32 to index
        %get3A_258 = arith.constant 32 : index
        %get3A_259 = tpu.vector_load %arg7[%get3A_257, %get3A_258] {strides = array<i32>} : memref<160x128xf32, #tpu.memory_space<vmem>>, vector<1x16xf32>,
        %get3A_260 = vector.shape_cast %get3A_259 : vector<1x16xf32> to vector<16xf32>
        %mul3A_261 = arith.constant 8.000000e+00 : f32
        %mul3A_262 = vector.broadcast %mul3A_261 : f32 to vector<16xf32>
        %mul3A_263 = arith.mulf %get3A_260, %mul3A_262 : vector<16xf32>
        %add3A_264 = arith.constant 2 : i32
        %add3A_265 = arith.addi %mul3A_96, %add3A_264 : i32
        %swap3A_266 = arith.index_cast %add3A_265 : i32 to index
        %swap3A_267 = arith.constant 32 : index
        %swap3A_268 = tpu.vector_load %arg9[%swap3A_266, %swap3A_267] {strides = array<i32>} : memref<160x64xf32, #tpu.memory_space<vmem>>, vector<1x16xf32>,
        %swap3A_269 = vector.shape_cast %swap3A_268 : vector<1x16xf32> to vector<16xf32>
        %swap3A_270 = vector.shape_cast %mul3A_263 : vector<16xf32> to vector<1x16xf32>
        tpu.vector_store %arg9[%swap3A_266, %swap3A_267], %swap3A_270 {strides = array<i32>} : memref<160x64xf32, #tpu.memory_space<vmem>>, vector<1x16xf32>,
        %add3A_271 = arith.constant 2 : i32
        %add3A_272 = arith.addi %mul3A_96, %add3A_271 : i32
        %get3A_273 = arith.index_cast %add3A_272 : i32 to index
        %get3A_274 = arith.constant 48 : index
        %get3A_275 = tpu.vector_load %arg7[%get3A_273, %get3A_274] {strides = array<i32>} : memref<160x128xf32, #tpu.memory_space<vmem>>, vector<1x16xf32>,
        %get3A_276 = vector.shape_cast %get3A_275 : vector<1x16xf32> to vector<16xf32>
        %mul3A_277 = arith.constant 8.000000e+00 : f32
        %mul3A_278 = vector.broadcast %mul3A_277 : f32 to vector<16xf32>
        %mul3A_279 = arith.mulf %get3A_276, %mul3A_278 : vector<16xf32>
        %add3A_280 = arith.constant 2 : i32
        %add3A_281 = arith.addi %mul3A_96, %add3A_280 : i32
        %swap3A_282 = arith.index_cast %add3A_281 : i32 to index
        %swap3A_283 = arith.constant 48 : index
        %swap3A_284 = tpu.vector_load %arg9[%swap3A_282, %swap3A_283] {strides = array<i32>} : memref<160x64xf32, #tpu.memory_space<vmem>>, vector<1x16xf32>,
        %swap3A_285 = vector.shape_cast %swap3A_284 : vector<1x16xf32> to vector<16xf32>
        %swap3A_286 = vector.shape_cast %mul3A_279 : vector<16xf32> to vector<1x16xf32>
        tpu.vector_store %arg9[%swap3A_282, %swap3A_283], %swap3A_286 {strides = array<i32>} : memref<160x64xf32, #tpu.memory_space<vmem>>, vector<1x16xf32>,
        %add3A_287 = arith.constant 3 : i32
        %add3A_288 = arith.addi %mul3A_96, %add3A_287 : i32
        %get3A_289 = arith.index_cast %add3A_288 : i32 to index
        %get3A_290 = arith.constant 0 : index
        %get3A_291 = tpu.vector_load %arg7[%get3A_289, %get3A_290] {strides = array<i32>} : memref<160x128xf32, #tpu.memory_space<vmem>>, vector<1x16xf32>,
        %get3A_292 = vector.shape_cast %get3A_291 : vector<1x16xf32> to vector<16xf32>
        %mul3A_293 = arith.constant 8.000000e+00 : f32
        %mul3A_294 = vector.broadcast %mul3A_293 : f32 to vector<16xf32>
        %mul3A_295 = arith.mulf %get3A_292, %mul3A_294 : vector<16xf32>
        %add3A_296 = arith.constant 3 : i32
        %add3A_297 = arith.addi %mul3A_96, %add3A_296 : i32
        %swap3A_298 = arith.index_cast %add3A_297 : i32 to index
        %swap3A_299 = arith.constant 0 : index
        %swap3A_300 = tpu.vector_load %arg9[%swap3A_298, %swap3A_299] {strides = array<i32>} : memref<160x64xf32, #tpu.memory_space<vmem>>, vector<1x16xf32>,
        %swap3A_301 = vector.shape_cast %swap3A_300 : vector<1x16xf32> to vector<16xf32>
        %swap3A_302 = vector.shape_cast %mul3A_295 : vector<16xf32> to vector<1x16xf32>
        tpu.vector_store %arg9[%swap3A_298, %swap3A_299], %swap3A_302 {strides = array<i32>} : memref<160x64xf32, #tpu.memory_space<vmem>>, vector<1x16xf32>,
        %add3A_303 = arith.constant 3 : i32
        %add3A_304 = arith.addi %mul3A_96, %add3A_303 : i32
        %get3A_305 = arith.index_cast %add3A_304 : i32 to index
        %get3A_306 = arith.constant 16 : index
        %get3A_307 = tpu.vector_load %arg7[%get3A_305, %get3A_306] {strides = array<i32>} : memref<160x128xf32, #tpu.memory_space<vmem>>, vector<1x16xf32>,
        %get3A_308 = vector.shape_cast %get3A_307 : vector<1x16xf32> to vector<16xf32>
        %mul3A_309 = arith.constant 8.000000e+00 : f32
        %mul3A_310 = vector.broadcast %mul3A_309 : f32 to vector<16xf32>
        %mul3A_311 = arith.mulf %get3A_308, %mul3A_310 : vector<16xf32>
        %add3A_312 = arith.constant 3 : i32
        %add3A_313 = arith.addi %mul3A_96, %add3A_312 : i32
        %swap3A_314 = arith.index_cast %add3A_313 : i32 to index
        %swap3A_315 = arith.constant 16 : index
        %swap3A_316 = tpu.vector_load %arg9[%swap3A_314, %swap3A_315] {strides = array<i32>} : memref<160x64xf32, #tpu.memory_space<vmem>>, vector<1x16xf32>,
        %swap3A_317 = vector.shape_cast %swap3A_316 : vector<1x16xf32> to vector<16xf32>
        %swap3A_318 = vector.shape_cast %mul3A_311 : vector<16xf32> to vector<1x16xf32>
        tpu.vector_store %arg9[%swap3A_314, %swap3A_315], %swap3A_318 {strides = array<i32>} : memref<160x64xf32, #tpu.memory_space<vmem>>, vector<1x16xf32>,
        %add3A_319 = arith.constant 3 : i32
        %add3A_320 = arith.addi %mul3A_96, %add3A_319 : i32
        %get3A_321 = arith.index_cast %add3A_320 : i32 to index
        %get3A_322 = arith.constant 32 : index
        %get3A_323 = tpu.vector_load %arg7[%get3A_321, %get3A_322] {strides = array<i32>} : memref<160x128xf32, #tpu.memory_space<vmem>>, vector<1x16xf32>,
        %get3A_324 = vector.shape_cast %get3A_323 : vector<1x16xf32> to vector<16xf32>
        %mul3A_325 = arith.constant 8.000000e+00 : f32
        %mul3A_326 = vector.broadcast %mul3A_325 : f32 to vector<16xf32>
        %mul3A_327 = arith.mulf %get3A_324, %mul3A_326 : vector<16xf32>
        %add3A_328 = arith.constant 3 : i32
        %add3A_329 = arith.addi %mul3A_96, %add3A_328 : i32
        %swap3A_330 = arith.index_cast %add3A_329 : i32 to index
        %swap3A_331 = arith.constant 32 : index
        %swap3A_332 = tpu.vector_load %arg9[%swap3A_330, %swap3A_331] {strides = array<i32>} : memref<160x64xf32, #tpu.memory_space<vmem>>, vector<1x16xf32>,
        %swap3A_333 = vector.shape_cast %swap3A_332 : vector<1x16xf32> to vector<16xf32>
        %swap3A_334 = vector.shape_cast %mul3A_327 : vector<16xf32> to vector<1x16xf32>
        tpu.vector_store %arg9[%swap3A_330, %swap3A_331], %swap3A_334 {strides = array<i32>} : memref<160x64xf32, #tpu.memory_space<vmem>>, vector<1x16xf32>,
        %add3A_335 = arith.constant 3 : i32
        %add3A_336 = arith.addi %mul3A_96, %add3A_335 : i32
        %get3A_337 = arith.index_cast %add3A_336 : i32 to index
        %get3A_338 = arith.constant 48 : index
        %get3A_339 = tpu.vector_load %arg7[%get3A_337, %get3A_338] {strides = array<i32>} : memref<160x128xf32, #tpu.memory_space<vmem>>, vector<1x16xf32>,
        %get3A_340 = vector.shape_cast %get3A_339 : vector<1x16xf32> to vector<16xf32>
        %mul3A_341 = arith.constant 8.000000e+00 : f32
        %mul3A_342 = vector.broadcast %mul3A_341 : f32 to vector<16xf32>
        %mul3A_343 = arith.mulf %get3A_340, %mul3A_342 : vector<16xf32>
        %add3A_344 = arith.constant 3 : i32
        %add3A_345 = arith.addi %mul3A_96, %add3A_344 : i32
        %swap3A_346 = arith.index_cast %add3A_345 : i32 to index
        %swap3A_347 = arith.constant 48 : index
        %swap3A_348 = tpu.vector_load %arg9[%swap3A_346, %swap3A_347] {strides = array<i32>} : memref<160x64xf32, #tpu.memory_space<vmem>>, vector<1x16xf32>,
        %swap3A_349 = vector.shape_cast %swap3A_348 : vector<1x16xf32> to vector<16xf32>
        %swap3A_350 = vector.shape_cast %mul3A_343 : vector<16xf32> to vector<1x16xf32>
        tpu.vector_store %arg9[%swap3A_346, %swap3A_347], %swap3A_350 {strides = array<i32>} : memref<160x64xf32, #tpu.memory_space<vmem>>, vector<1x16xf32>,
        %add3A_351 = arith.constant 4 : i32
        %add3A_352 = arith.addi %mul3A_96, %add3A_351 : i32
        %get3A_353 = arith.index_cast %add3A_352 : i32 to index
        %get3A_354 = arith.constant 0 : index
        %get3A_355 = tpu.vector_load %arg7[%get3A_353, %get3A_354] {strides = array<i32>} : memref<160x128xf32, #tpu.memory_space<vmem>>, vector<1x16xf32>,
        %get3A_356 = vector.shape_cast %get3A_355 : vector<1x16xf32> to vector<16xf32>
        %mul3A_357 = arith.constant 8.000000e+00 : f32
        %mul3A_358 = vector.broadcast %mul3A_357 : f32 to vector<16xf32>
        %mul3A_359 = arith.mulf %get3A_356, %mul3A_358 : vector<16xf32>
        %add3A_360 = arith.constant 4 : i32
        %add3A_361 = arith.addi %mul3A_96, %add3A_360 : i32
        %swap3A_362 = arith.index_cast %add3A_361 : i32 to index
        %swap3A_363 = arith.constant 0 : index
        %swap3A_364 = tpu.vector_load %arg9[%swap3A_362, %swap3A_363] {strides = array<i32>} : memref<160x64xf32, #tpu.memory_space<vmem>>, vector<1x16xf32>,
        %swap3A_365 = vector.shape_cast %swap3A_364 : vector<1x16xf32> to vector<16xf32>
        %swap3A_366 = vector.shape_cast %mul3A_359 : vector<16xf32> to vector<1x16xf32>
        tpu.vector_store %arg9[%swap3A_362, %swap3A_363], %swap3A_366 {strides = array<i32>} : memref<160x64xf32, #tpu.memory_space<vmem>>, vector<1x16xf32>,
        %add3A_367 = arith.constant 4 : i32
        %add3A_368 = arith.addi %mul3A_96, %add3A_367 : i32
        %get3A_369 = arith.index_cast %add3A_368 : i32 to index
        %get3A_370 = arith.constant 16 : index
        %get3A_371 = tpu.vector_load %arg7[%get3A_369, %get3A_370] {strides = array<i32>} : memref<160x128xf32, #tpu.memory_space<vmem>>, vector<1x16xf32>,
        %get3A_372 = vector.shape_cast %get3A_371 : vector<1x16xf32> to vector<16xf32>
        %mul3A_373 = arith.constant 8.000000e+00 : f32
        %mul3A_374 = vector.broadcast %mul3A_373 : f32 to vector<16xf32>
        %mul3A_375 = arith.mulf %get3A_372, %mul3A_374 : vector<16xf32>
        %add3A_376 = arith.constant 4 : i32
        %add3A_377 = arith.addi %mul3A_96, %add3A_376 : i32
        %swap3A_378 = arith.index_cast %add3A_377 : i32 to index
        %swap3A_379 = arith.constant 16 : index
        %swap3A_380 = tpu.vector_load %arg9[%swap3A_378, %swap3A_379] {strides = array<i32>} : memref<160x64xf32, #tpu.memory_space<vmem>>, vector<1x16xf32>,
        %swap3A_381 = vector.shape_cast %swap3A_380 : vector<1x16xf32> to vector<16xf32>
        %swap3A_382 = vector.shape_cast %mul3A_375 : vector<16xf32> to vector<1x16xf32>
        tpu.vector_store %arg9[%swap3A_378, %swap3A_379], %swap3A_382 {strides = array<i32>} : memref<160x64xf32, #tpu.memory_space<vmem>>, vector<1x16xf32>,
        %add3A_383 = arith.constant 4 : i32
        %add3A_384 = arith.addi %mul3A_96, %add3A_383 : i32
        %get3A_385 = arith.index_cast %add3A_384 : i32 to index
        %get3A_386 = arith.constant 32 : index
        %get3A_387 = tpu.vector_load %arg7[%get3A_385, %get3A_386] {strides = array<i32>} : memref<160x128xf32, #tpu.memory_space<vmem>>, vector<1x16xf32>,
        %get3A_388 = vector.shape_cast %get3A_387 : vector<1x16xf32> to vector<16xf32>
        %mul3A_389 = arith.constant 8.000000e+00 : f32
        %mul3A_390 = vector.broadcast %mul3A_389 : f32 to vector<16xf32>
        %mul3A_391 = arith.mulf %get3A_388, %mul3A_390 : vector<16xf32>
        %add3A_392 = arith.constant 4 : i32
        %add3A_393 = arith.addi %mul3A_96, %add3A_392 : i32
        %swap3A_394 = arith.index_cast %add3A_393 : i32 to index
        %swap3A_395 = arith.constant 32 : index
        %swap3A_396 = tpu.vector_load %arg9[%swap3A_394, %swap3A_395] {strides = array<i32>} : memref<160x64xf32, #tpu.memory_space<vmem>>, vector<1x16xf32>,
        %swap3A_397 = vector.shape_cast %swap3A_396 : vector<1x16xf32> to vector<16xf32>
        %swap3A_398 = vector.shape_cast %mul3A_391 : vector<16xf32> to vector<1x16xf32>
        tpu.vector_store %arg9[%swap3A_394, %swap3A_395], %swap3A_398 {strides = array<i32>} : memref<160x64xf32, #tpu.memory_space<vmem>>, vector<1x16xf32>,
        %add3A_399 = arith.constant 4 : i32
        %add3A_400 = arith.addi %mul3A_96, %add3A_399 : i32
        %get3A_401 = arith.index_cast %add3A_400 : i32 to index
        %get3A_402 = arith.constant 48 : index
        %get3A_403 = tpu.vector_load %arg7[%get3A_401, %get3A_402] {strides = array<i32>} : memref<160x128xf32, #tpu.memory_space<vmem>>, vector<1x16xf32>,
        %get3A_404 = vector.shape_cast %get3A_403 : vector<1x16xf32> to vector<16xf32>
        %mul3A_405 = arith.constant 8.000000e+00 : f32
        %mul3A_406 = vector.broadcast %mul3A_405 : f32 to vector<16xf32>
        %mul3A_407 = arith.mulf %get3A_404, %mul3A_406 : vector<16xf32>
        %add3A_408 = arith.constant 4 : i32
        %add3A_409 = arith.addi %mul3A_96, %add3A_408 : i32
        %swap3A_410 = arith.index_cast %add3A_409 : i32 to index
        %swap3A_411 = arith.constant 48 : index
        %swap3A_412 = tpu.vector_load %arg9[%swap3A_410, %swap3A_411] {strides = array<i32>} : memref<160x64xf32, #tpu.memory_space<vmem>>, vector<1x16xf32>,
        %swap3A_413 = vector.shape_cast %swap3A_412 : vector<1x16xf32> to vector<16xf32>
        %swap3A_414 = vector.shape_cast %mul3A_407 : vector<16xf32> to vector<1x16xf32>
        tpu.vector_store %arg9[%swap3A_410, %swap3A_411], %swap3A_414 {strides = array<i32>} : memref<160x64xf32, #tpu.memory_space<vmem>>, vector<1x16xf32>,
        %add3A_415 = arith.constant 5 : i32
        %add3A_416 = arith.addi %mul3A_96, %add3A_415 : i32
        %get3A_417 = arith.index_cast %add3A_416 : i32 to index
        %get3A_418 = arith.constant 0 : index
        %get3A_419 = tpu.vector_load %arg7[%get3A_417, %get3A_418] {strides = array<i32>} : memref<160x128xf32, #tpu.memory_space<vmem>>, vector<1x16xf32>,
        %get3A_420 = vector.shape_cast %get3A_419 : vector<1x16xf32> to vector<16xf32>
        %mul3A_421 = arith.constant 8.000000e+00 : f32
        %mul3A_422 = vector.broadcast %mul3A_421 : f32 to vector<16xf32>
        %mul3A_423 = arith.mulf %get3A_420, %mul3A_422 : vector<16xf32>
        %add3A_424 = arith.constant 5 : i32
        %add3A_425 = arith.addi %mul3A_96, %add3A_424 : i32
        %swap3A_426 = arith.index_cast %add3A_425 : i32 to index
        %swap3A_427 = arith.constant 0 : index
        %swap3A_428 = tpu.vector_load %arg9[%swap3A_426, %swap3A_427] {strides = array<i32>} : memref<160x64xf32, #tpu.memory_space<vmem>>, vector<1x16xf32>,
        %swap3A_429 = vector.shape_cast %swap3A_428 : vector<1x16xf32> to vector<16xf32>
        %swap3A_430 = vector.shape_cast %mul3A_423 : vector<16xf32> to vector<1x16xf32>
        tpu.vector_store %arg9[%swap3A_426, %swap3A_427], %swap3A_430 {strides = array<i32>} : memref<160x64xf32, #tpu.memory_space<vmem>>, vector<1x16xf32>,
        %add3A_431 = arith.constant 5 : i32
        %add3A_432 = arith.addi %mul3A_96, %add3A_431 : i32
        %get3A_433 = arith.index_cast %add3A_432 : i32 to index
        %get3A_434 = arith.constant 16 : index
        %get3A_435 = tpu.vector_load %arg7[%get3A_433, %get3A_434] {strides = array<i32>} : memref<160x128xf32, #tpu.memory_space<vmem>>, vector<1x16xf32>,
        %get3A_436 = vector.shape_cast %get3A_435 : vector<1x16xf32> to vector<16xf32>
        %mul3A_437 = arith.constant 8.000000e+00 : f32
        %mul3A_438 = vector.broadcast %mul3A_437 : f32 to vector<16xf32>
        %mul3A_439 = arith.mulf %get3A_436, %mul3A_438 : vector<16xf32>
        %add3A_440 = arith.constant 5 : i32
        %add3A_441 = arith.addi %mul3A_96, %add3A_440 : i32
        %swap3A_442 = arith.index_cast %add3A_441 : i32 to index
        %swap3A_443 = arith.constant 16 : index
        %swap3A_444 = tpu.vector_load %arg9[%swap3A_442, %swap3A_443] {strides = array<i32>} : memref<160x64xf32, #tpu.memory_space<vmem>>, vector<1x16xf32>,
        %swap3A_445 = vector.shape_cast %swap3A_444 : vector<1x16xf32> to vector<16xf32>
        %swap3A_446 = vector.shape_cast %mul3A_439 : vector<16xf32> to vector<1x16xf32>
        tpu.vector_store %arg9[%swap3A_442, %swap3A_443], %swap3A_446 {strides = array<i32>} : memref<160x64xf32, #tpu.memory_space<vmem>>, vector<1x16xf32>,
        %add3A_447 = arith.constant 5 : i32
        %add3A_448 = arith.addi %mul3A_96, %add3A_447 : i32
        %get3A_449 = arith.index_cast %add3A_448 : i32 to index
        %get3A_450 = arith.constant 32 : index
        %get3A_451 = tpu.vector_load %arg7[%get3A_449, %get3A_450] {strides = array<i32>} : memref<160x128xf32, #tpu.memory_space<vmem>>, vector<1x16xf32>,
        %get3A_452 = vector.shape_cast %get3A_451 : vector<1x16xf32> to vector<16xf32>
        %mul3A_453 = arith.constant 8.000000e+00 : f32
        %mul3A_454 = vector.broadcast %mul3A_453 : f32 to vector<16xf32>
        %mul3A_455 = arith.mulf %get3A_452, %mul3A_454 : vector<16xf32>
        %add3A_456 = arith.constant 5 : i32
        %add3A_457 = arith.addi %mul3A_96, %add3A_456 : i32
        %swap3A_458 = arith.index_cast %add3A_457 : i32 to index
        %swap3A_459 = arith.constant 32 : index
        %swap3A_460 = tpu.vector_load %arg9[%swap3A_458, %swap3A_459] {strides = array<i32>} : memref<160x64xf32, #tpu.memory_space<vmem>>, vector<1x16xf32>,
        %swap3A_461 = vector.shape_cast %swap3A_460 : vector<1x16xf32> to vector<16xf32>
        %swap3A_462 = vector.shape_cast %mul3A_455 : vector<16xf32> to vector<1x16xf32>
        tpu.vector_store %arg9[%swap3A_458, %swap3A_459], %swap3A_462 {strides = array<i32>} : memref<160x64xf32, #tpu.memory_space<vmem>>, vector<1x16xf32>,
        %add3A_463 = arith.constant 5 : i32
        %add3A_464 = arith.addi %mul3A_96, %add3A_463 : i32
        %get3A_465 = arith.index_cast %add3A_464 : i32 to index
        %get3A_466 = arith.constant 48 : index
        %get3A_467 = tpu.vector_load %arg7[%get3A_465, %get3A_466] {strides = array<i32>} : memref<160x128xf32, #tpu.memory_space<vmem>>, vector<1x16xf32>,
        %get3A_468 = vector.shape_cast %get3A_467 : vector<1x16xf32> to vector<16xf32>
        %mul3A_469 = arith.constant 8.000000e+00 : f32
        %mul3A_470 = vector.broadcast %mul3A_469 : f32 to vector<16xf32>
        %mul3A_471 = arith.mulf %get3A_468, %mul3A_470 : vector<16xf32>
        %add3A_472 = arith.constant 5 : i32
        %add3A_473 = arith.addi %mul3A_96, %add3A_472 : i32
        %swap3A_474 = arith.index_cast %add3A_473 : i32 to index
        %swap3A_475 = arith.constant 48 : index
        %swap3A_476 = tpu.vector_load %arg9[%swap3A_474, %swap3A_475] {strides = array<i32>} : memref<160x64xf32, #tpu.memory_space<vmem>>, vector<1x16xf32>,
        %swap3A_477 = vector.shape_cast %swap3A_476 : vector<1x16xf32> to vector<16xf32>
        %swap3A_478 = vector.shape_cast %mul3A_471 : vector<16xf32> to vector<1x16xf32>
        tpu.vector_store %arg9[%swap3A_474, %swap3A_475], %swap3A_478 {strides = array<i32>} : memref<160x64xf32, #tpu.memory_space<vmem>>, vector<1x16xf32>,
        %add3A_479 = arith.constant 6 : i32
        %add3A_480 = arith.addi %mul3A_96, %add3A_479 : i32
        %get3A_481 = arith.index_cast %add3A_480 : i32 to index
        %get3A_482 = arith.constant 0 : index
        %get3A_483 = tpu.vector_load %arg7[%get3A_481, %get3A_482] {strides = array<i32>} : memref<160x128xf32, #tpu.memory_space<vmem>>, vector<1x16xf32>,
        %get3A_484 = vector.shape_cast %get3A_483 : vector<1x16xf32> to vector<16xf32>
        %mul3A_485 = arith.constant 8.000000e+00 : f32
        %mul3A_486 = vector.broadcast %mul3A_485 : f32 to vector<16xf32>
        %mul3A_487 = arith.mulf %get3A_484, %mul3A_486 : vector<16xf32>
        %add3A_488 = arith.constant 6 : i32
        %add3A_489 = arith.addi %mul3A_96, %add3A_488 : i32
        %swap3A_490 = arith.index_cast %add3A_489 : i32 to index
        %swap3A_491 = arith.constant 0 : index
        %swap3A_492 = tpu.vector_load %arg9[%swap3A_490, %swap3A_491] {strides = array<i32>} : memref<160x64xf32, #tpu.memory_space<vmem>>, vector<1x16xf32>,
        %swap3A_493 = vector.shape_cast %swap3A_492 : vector<1x16xf32> to vector<16xf32>
        %swap3A_494 = vector.shape_cast %mul3A_487 : vector<16xf32> to vector<1x16xf32>
        tpu.vector_store %arg9[%swap3A_490, %swap3A_491], %swap3A_494 {strides = array<i32>} : memref<160x64xf32, #tpu.memory_space<vmem>>, vector<1x16xf32>,
        %add3A_495 = arith.constant 6 : i32
        %add3A_496 = arith.addi %mul3A_96, %add3A_495 : i32
        %get3A_497 = arith.index_cast %add3A_496 : i32 to index
        %get3A_498 = arith.constant 16 : index
        %get3A_499 = tpu.vector_load %arg7[%get3A_497, %get3A_498] {strides = array<i32>} : memref<160x128xf32, #tpu.memory_space<vmem>>, vector<1x16xf32>,
        %get3A_500 = vector.shape_cast %get3A_499 : vector<1x16xf32> to vector<16xf32>
        %mul3A_501 = arith.constant 8.000000e+00 : f32
        %mul3A_502 = vector.broadcast %mul3A_501 : f32 to vector<16xf32>
        %mul3A_503 = arith.mulf %get3A_500, %mul3A_502 : vector<16xf32>
        %add3A_504 = arith.constant 6 : i32
        %add3A_505 = arith.addi %mul3A_96, %add3A_504 : i32
        %swap3A_506 = arith.index_cast %add3A_505 : i32 to index
        %swap3A_507 = arith.constant 16 : index
        %swap3A_508 = tpu.vector_load %arg9[%swap3A_506, %swap3A_507] {strides = array<i32>} : memref<160x64xf32, #tpu.memory_space<vmem>>, vector<1x16xf32>,
        %swap3A_509 = vector.shape_cast %swap3A_508 : vector<1x16xf32> to vector<16xf32>
        %swap3A_510 = vector.shape_cast %mul3A_503 : vector<16xf32> to vector<1x16xf32>
        tpu.vector_store %arg9[%swap3A_506, %swap3A_507], %swap3A_510 {strides = array<i32>} : memref<160x64xf32, #tpu.memory_space<vmem>>, vector<1x16xf32>,
        %add3A_511 = arith.constant 6 : i32
        %add3A_512 = arith.addi %mul3A_96, %add3A_511 : i32
        %get3A_513 = arith.index_cast %add3A_512 : i32 to index
        %get3A_514 = arith.constant 32 : index
        %get3A_515 = tpu.vector_load %arg7[%get3A_513, %get3A_514] {strides = array<i32>} : memref<160x128xf32, #tpu.memory_space<vmem>>, vector<1x16xf32>,
        %get3A_516 = vector.shape_cast %get3A_515 : vector<1x16xf32> to vector<16xf32>
        %mul3A_517 = arith.constant 8.000000e+00 : f32
        %mul3A_518 = vector.broadcast %mul3A_517 : f32 to vector<16xf32>
        %mul3A_519 = arith.mulf %get3A_516, %mul3A_518 : vector<16xf32>
        %add3A_520 = arith.constant 6 : i32
        %add3A_521 = arith.addi %mul3A_96, %add3A_520 : i32
        %swap3A_522 = arith.index_cast %add3A_521 : i32 to index
        %swap3A_523 = arith.constant 32 : index
        %swap3A_524 = tpu.vector_load %arg9[%swap3A_522, %swap3A_523] {strides = array<i32>} : memref<160x64xf32, #tpu.memory_space<vmem>>, vector<1x16xf32>,
        %swap3A_525 = vector.shape_cast %swap3A_524 : vector<1x16xf32> to vector<16xf32>
        %swap3A_526 = vector.shape_cast %mul3A_519 : vector<16xf32> to vector<1x16xf32>
        tpu.vector_store %arg9[%swap3A_522, %swap3A_523], %swap3A_526 {strides = array<i32>} : memref<160x64xf32, #tpu.memory_space<vmem>>, vector<1x16xf32>,
        %add3A_527 = arith.constant 6 : i32
        %add3A_528 = arith.addi %mul3A_96, %add3A_527 : i32
        %get3A_529 = arith.index_cast %add3A_528 : i32 to index
        %get3A_530 = arith.constant 48 : index
        %get3A_531 = tpu.vector_load %arg7[%get3A_529, %get3A_530] {strides = array<i32>} : memref<160x128xf32, #tpu.memory_space<vmem>>, vector<1x16xf32>,
        %get3A_532 = vector.shape_cast %get3A_531 : vector<1x16xf32> to vector<16xf32>
        %mul3A_533 = arith.constant 8.000000e+00 : f32
        %mul3A_534 = vector.broadcast %mul3A_533 : f32 to vector<16xf32>
        %mul3A_535 = arith.mulf %get3A_532, %mul3A_534 : vector<16xf32>
        %add3A_536 = arith.constant 6 : i32
        %add3A_537 = arith.addi %mul3A_96, %add3A_536 : i32
        %swap3A_538 = arith.index_cast %add3A_537 : i32 to index
        %swap3A_539 = arith.constant 48 : index
        %swap3A_540 = tpu.vector_load %arg9[%swap3A_538, %swap3A_539] {strides = array<i32>} : memref<160x64xf32, #tpu.memory_space<vmem>>, vector<1x16xf32>,
        %swap3A_541 = vector.shape_cast %swap3A_540 : vector<1x16xf32> to vector<16xf32>
        %swap3A_542 = vector.shape_cast %mul3A_535 : vector<16xf32> to vector<1x16xf32>
        tpu.vector_store %arg9[%swap3A_538, %swap3A_539], %swap3A_542 {strides = array<i32>} : memref<160x64xf32, #tpu.memory_space<vmem>>, vector<1x16xf32>,
        %add3A_543 = arith.constant 7 : i32
        %add3A_544 = arith.addi %mul3A_96, %add3A_543 : i32
        %get3A_545 = arith.index_cast %add3A_544 : i32 to index
        %get3A_546 = arith.constant 0 : index
        %get3A_547 = tpu.vector_load %arg7[%get3A_545, %get3A_546] {strides = array<i32>} : memref<160x128xf32, #tpu.memory_space<vmem>>, vector<1x16xf32>,
        %get3A_548 = vector.shape_cast %get3A_547 : vector<1x16xf32> to vector<16xf32>
        %mul3A_549 = arith.constant 8.000000e+00 : f32
        %mul3A_550 = vector.broadcast %mul3A_549 : f32 to vector<16xf32>
        %mul3A_551 = arith.mulf %get3A_548, %mul3A_550 : vector<16xf32>
        %add3A_552 = arith.constant 7 : i32
        %add3A_553 = arith.addi %mul3A_96, %add3A_552 : i32
        %swap3A_554 = arith.index_cast %add3A_553 : i32 to index
        %swap3A_555 = arith.constant 0 : index
        %swap3A_556 = tpu.vector_load %arg9[%swap3A_554, %swap3A_555] {strides = array<i32>} : memref<160x64xf32, #tpu.memory_space<vmem>>, vector<1x16xf32>,
        %swap3A_557 = vector.shape_cast %swap3A_556 : vector<1x16xf32> to vector<16xf32>
        %swap3A_558 = vector.shape_cast %mul3A_551 : vector<16xf32> to vector<1x16xf32>
        tpu.vector_store %arg9[%swap3A_554, %swap3A_555], %swap3A_558 {strides = array<i32>} : memref<160x64xf32, #tpu.memory_space<vmem>>, vector<1x16xf32>,
        %add3A_559 = arith.constant 7 : i32
        %add3A_560 = arith.addi %mul3A_96, %add3A_559 : i32
        %get3A_561 = arith.index_cast %add3A_560 : i32 to index
        %get3A_562 = arith.constant 16 : index
        %get3A_563 = tpu.vector_load %arg7[%get3A_561, %get3A_562] {strides = array<i32>} : memref<160x128xf32, #tpu.memory_space<vmem>>, vector<1x16xf32>,
        %get3A_564 = vector.shape_cast %get3A_563 : vector<1x16xf32> to vector<16xf32>
        %mul3A_565 = arith.constant 8.000000e+00 : f32
        %mul3A_566 = vector.broadcast %mul3A_565 : f32 to vector<16xf32>
        %mul3A_567 = arith.mulf %get3A_564, %mul3A_566 : vector<16xf32>
        %add3A_568 = arith.constant 7 : i32
        %add3A_569 = arith.addi %mul3A_96, %add3A_568 : i32
        %swap3A_570 = arith.index_cast %add3A_569 : i32 to index
        %swap3A_571 = arith.constant 16 : index
        %swap3A_572 = tpu.vector_load %arg9[%swap3A_570, %swap3A_571] {strides = array<i32>} : memref<160x64xf32, #tpu.memory_space<vmem>>, vector<1x16xf32>,
        %swap3A_573 = vector.shape_cast %swap3A_572 : vector<1x16xf32> to vector<16xf32>
        %swap3A_574 = vector.shape_cast %mul3A_567 : vector<16xf32> to vector<1x16xf32>
        tpu.vector_store %arg9[%swap3A_570, %swap3A_571], %swap3A_574 {strides = array<i32>} : memref<160x64xf32, #tpu.memory_space<vmem>>, vector<1x16xf32>,
        %add3A_575 = arith.constant 7 : i32
        %add3A_576 = arith.addi %mul3A_96, %add3A_575 : i32
        %get3A_577 = arith.index_cast %add3A_576 : i32 to index
        %get3A_578 = arith.constant 32 : index
        %get3A_579 = tpu.vector_load %arg7[%get3A_577, %get3A_578] {strides = array<i32>} : memref<160x128xf32, #tpu.memory_space<vmem>>, vector<1x16xf32>,
        %get3A_580 = vector.shape_cast %get3A_579 : vector<1x16xf32> to vector<16xf32>
        %mul3A_581 = arith.constant 8.000000e+00 : f32
        %mul3A_582 = vector.broadcast %mul3A_581 : f32 to vector<16xf32>
        %mul3A_583 = arith.mulf %get3A_580, %mul3A_582 : vector<16xf32>
        %add3A_584 = arith.constant 7 : i32
        %add3A_585 = arith.addi %mul3A_96, %add3A_584 : i32
        %swap3A_586 = arith.index_cast %add3A_585 : i32 to index
        %swap3A_587 = arith.constant 32 : index
        %swap3A_588 = tpu.vector_load %arg9[%swap3A_586, %swap3A_587] {strides = array<i32>} : memref<160x64xf32, #tpu.memory_space<vmem>>, vector<1x16xf32>,
        %swap3A_589 = vector.shape_cast %swap3A_588 : vector<1x16xf32> to vector<16xf32>
        %swap3A_590 = vector.shape_cast %mul3A_583 : vector<16xf32> to vector<1x16xf32>
        tpu.vector_store %arg9[%swap3A_586, %swap3A_587], %swap3A_590 {strides = array<i32>} : memref<160x64xf32, #tpu.memory_space<vmem>>, vector<1x16xf32>,
        %add3A_591 = arith.constant 7 : i32
        %add3A_592 = arith.addi %mul3A_96, %add3A_591 : i32
        %get3A_593 = arith.index_cast %add3A_592 : i32 to index
        %get3A_594 = arith.constant 48 : index
        %get3A_595 = tpu.vector_load %arg7[%get3A_593, %get3A_594] {strides = array<i32>} : memref<160x128xf32, #tpu.memory_space<vmem>>, vector<1x16xf32>,
        %get3A_596 = vector.shape_cast %get3A_595 : vector<1x16xf32> to vector<16xf32>
        %mul3A_597 = arith.constant 8.000000e+00 : f32
        %mul3A_598 = vector.broadcast %mul3A_597 : f32 to vector<16xf32>
        %mul3A_599 = arith.mulf %get3A_596, %mul3A_598 : vector<16xf32>
        %add3A_600 = arith.constant 7 : i32
        %add3A_601 = arith.addi %mul3A_96, %add3A_600 : i32
        %swap3A_602 = arith.index_cast %add3A_601 : i32 to index
        %swap3A_603 = arith.constant 48 : index
        %swap3A_604 = tpu.vector_load %arg9[%swap3A_602, %swap3A_603] {strides = array<i32>} : memref<160x64xf32, #tpu.memory_space<vmem>>, vector<1x16xf32>,
        %swap3A_605 = vector.shape_cast %swap3A_604 : vector<1x16xf32> to vector<16xf32>
        %swap3A_606 = vector.shape_cast %mul3A_599 : vector<16xf32> to vector<1x16xf32>
        tpu.vector_store %arg9[%swap3A_602, %swap3A_603], %swap3A_606 {strides = array<i32>} : memref<160x64xf32, #tpu.memory_space<vmem>>, vector<1x16xf32>,
        %add3A_607 = arith.constant 8 : i32
        %add3A_608 = arith.addi %mul3A_96, %add3A_607 : i32
        %get3A_609 = arith.index_cast %add3A_608 : i32 to index
        %get3A_610 = arith.constant 0 : index
        %get3A_611 = tpu.vector_load %arg7[%get3A_609, %get3A_610] {strides = array<i32>} : memref<160x128xf32, #tpu.memory_space<vmem>>, vector<1x16xf32>,
        %get3A_612 = vector.shape_cast %get3A_611 : vector<1x16xf32> to vector<16xf32>
        %mul3A_613 = arith.constant 8.000000e+00 : f32
        %mul3A_614 = vector.broadcast %mul3A_613 : f32 to vector<16xf32>
        %mul3A_615 = arith.mulf %get3A_612, %mul3A_614 : vector<16xf32>
        %add3A_616 = arith.constant 8 : i32
        %add3A_617 = arith.addi %mul3A_96, %add3A_616 : i32
        %swap3A_618 = arith.index_cast %add3A_617 : i32 to index
        %swap3A_619 = arith.constant 0 : index
        %swap3A_620 = tpu.vector_load %arg9[%swap3A_618, %swap3A_619] {strides = array<i32>} : memref<160x64xf32, #tpu.memory_space<vmem>>, vector<1x16xf32>,
        %swap3A_621 = vector.shape_cast %swap3A_620 : vector<1x16xf32> to vector<16xf32>
        %swap3A_622 = vector.shape_cast %mul3A_615 : vector<16xf32> to vector<1x16xf32>
        tpu.vector_store %arg9[%swap3A_618, %swap3A_619], %swap3A_622 {strides = array<i32>} : memref<160x64xf32, #tpu.memory_space<vmem>>, vector<1x16xf32>,
        %add3A_623 = arith.constant 8 : i32
        %add3A_624 = arith.addi %mul3A_96, %add3A_623 : i32
        %get3A_625 = arith.index_cast %add3A_624 : i32 to index
        %get3A_626 = arith.constant 16 : index
        %get3A_627 = tpu.vector_load %arg7[%get3A_625, %get3A_626] {strides = array<i32>} : memref<160x128xf32, #tpu.memory_space<vmem>>, vector<1x16xf32>,
        %get3A_628 = vector.shape_cast %get3A_627 : vector<1x16xf32> to vector<16xf32>
        %mul3A_629 = arith.constant 8.000000e+00 : f32
        %mul3A_630 = vector.broadcast %mul3A_629 : f32 to vector<16xf32>
        %mul3A_631 = arith.mulf %get3A_628, %mul3A_630 : vector<16xf32>
        %add3A_632 = arith.constant 8 : i32
        %add3A_633 = arith.addi %mul3A_96, %add3A_632 : i32
        %swap3A_634 = arith.index_cast %add3A_633 : i32 to index
        %swap3A_635 = arith.constant 16 : index
        %swap3A_636 = tpu.vector_load %arg9[%swap3A_634, %swap3A_635] {strides = array<i32>} : memref<160x64xf32, #tpu.memory_space<vmem>>, vector<1x16xf32>,
        %swap3A_637 = vector.shape_cast %swap3A_636 : vector<1x16xf32> to vector<16xf32>
        %swap3A_638 = vector.shape_cast %mul3A_631 : vector<16xf32> to vector<1x16xf32>
        tpu.vector_store %arg9[%swap3A_634, %swap3A_635], %swap3A_638 {strides = array<i32>} : memref<160x64xf32, #tpu.memory_space<vmem>>, vector<1x16xf32>,
        %add3A_639 = arith.constant 8 : i32
        %add3A_640 = arith.addi %mul3A_96, %add3A_639 : i32
        %get3A_641 = arith.index_cast %add3A_640 : i32 to index
        %get3A_642 = arith.constant 32 : index
        %get3A_643 = tpu.vector_load %arg7[%get3A_641, %get3A_642] {strides = array<i32>} : memref<160x128xf32, #tpu.memory_space<vmem>>, vector<1x16xf32>,
        %get3A_644 = vector.shape_cast %get3A_643 : vector<1x16xf32> to vector<16xf32>
        %mul3A_645 = arith.constant 8.000000e+00 : f32
        %mul3A_646 = vector.broadcast %mul3A_645 : f32 to vector<16xf32>
        %mul3A_647 = arith.mulf %get3A_644, %mul3A_646 : vector<16xf32>
        %add3A_648 = arith.constant 8 : i32
        %add3A_649 = arith.addi %mul3A_96, %add3A_648 : i32
        %swap3A_650 = arith.index_cast %add3A_649 : i32 to index
        %swap3A_651 = arith.constant 32 : index
        %swap3A_652 = tpu.vector_load %arg9[%swap3A_650, %swap3A_651] {strides = array<i32>} : memref<160x64xf32, #tpu.memory_space<vmem>>, vector<1x16xf32>,
        %swap3A_653 = vector.shape_cast %swap3A_652 : vector<1x16xf32> to vector<16xf32>
        %swap3A_654 = vector.shape_cast %mul3A_647 : vector<16xf32> to vector<1x16xf32>
        tpu.vector_store %arg9[%swap3A_650, %swap3A_651], %swap3A_654 {strides = array<i32>} : memref<160x64xf32, #tpu.memory_space<vmem>>, vector<1x16xf32>,
        %add3A_655 = arith.constant 8 : i32
        %add3A_656 = arith.addi %mul3A_96, %add3A_655 : i32
        %get3A_657 = arith.index_cast %add3A_656 : i32 to index
        %get3A_658 = arith.constant 48 : index
        %get3A_659 = tpu.vector_load %arg7[%get3A_657, %get3A_658] {strides = array<i32>} : memref<160x128xf32, #tpu.memory_space<vmem>>, vector<1x16xf32>,
        %get3A_660 = vector.shape_cast %get3A_659 : vector<1x16xf32> to vector<16xf32>
        %mul3A_661 = arith.constant 8.000000e+00 : f32
        %mul3A_662 = vector.broadcast %mul3A_661 : f32 to vector<16xf32>
        %mul3A_663 = arith.mulf %get3A_660, %mul3A_662 : vector<16xf32>
        %add3A_664 = arith.constant 8 : i32
        %add3A_665 = arith.addi %mul3A_96, %add3A_664 : i32
        %swap3A_666 = arith.index_cast %add3A_665 : i32 to index
        %swap3A_667 = arith.constant 48 : index
        %swap3A_668 = tpu.vector_load %arg9[%swap3A_666, %swap3A_667] {strides = array<i32>} : memref<160x64xf32, #tpu.memory_space<vmem>>, vector<1x16xf32>,
        %swap3A_669 = vector.shape_cast %swap3A_668 : vector<1x16xf32> to vector<16xf32>
        %swap3A_670 = vector.shape_cast %mul3A_663 : vector<16xf32> to vector<1x16xf32>
        tpu.vector_store %arg9[%swap3A_666, %swap3A_667], %swap3A_670 {strides = array<i32>} : memref<160x64xf32, #tpu.memory_space<vmem>>, vector<1x16xf32>,
        %add3A_671 = arith.constant 9 : i32
        %add3A_672 = arith.addi %mul3A_96, %add3A_671 : i32
        %get3A_673 = arith.index_cast %add3A_672 : i32 to index
        %get3A_674 = arith.constant 0 : index
        %get3A_675 = tpu.vector_load %arg7[%get3A_673, %get3A_674] {strides = array<i32>} : memref<160x128xf32, #tpu.memory_space<vmem>>, vector<1x16xf32>,
        %get3A_676 = vector.shape_cast %get3A_675 : vector<1x16xf32> to vector<16xf32>
        %mul3A_677 = arith.constant 8.000000e+00 : f32
        %mul3A_678 = vector.broadcast %mul3A_677 : f32 to vector<16xf32>
        %mul3A_679 = arith.mulf %get3A_676, %mul3A_678 : vector<16xf32>
        %add3A_680 = arith.constant 9 : i32
        %add3A_681 = arith.addi %mul3A_96, %add3A_680 : i32
        %swap3A_682 = arith.index_cast %add3A_681 : i32 to index
        %swap3A_683 = arith.constant 0 : index
        %swap3A_684 = tpu.vector_load %arg9[%swap3A_682, %swap3A_683] {strides = array<i32>} : memref<160x64xf32, #tpu.memory_space<vmem>>, vector<1x16xf32>,
        %swap3A_685 = vector.shape_cast %swap3A_684 : vector<1x16xf32> to vector<16xf32>
        %swap3A_686 = vector.shape_cast %mul3A_679 : vector<16xf32> to vector<1x16xf32>
        tpu.vector_store %arg9[%swap3A_682, %swap3A_683], %swap3A_686 {strides = array<i32>} : memref<160x64xf32, #tpu.memory_space<vmem>>, vector<1x16xf32>,
        %add3A_687 = arith.constant 9 : i32
        %add3A_688 = arith.addi %mul3A_96, %add3A_687 : i32
        %get3A_689 = arith.index_cast %add3A_688 : i32 to index
        %get3A_690 = arith.constant 16 : index
        %get3A_691 = tpu.vector_load %arg7[%get3A_689, %get3A_690] {strides = array<i32>} : memref<160x128xf32, #tpu.memory_space<vmem>>, vector<1x16xf32>,
        %get3A_692 = vector.shape_cast %get3A_691 : vector<1x16xf32> to vector<16xf32>
        %mul3A_693 = arith.constant 8.000000e+00 : f32
        %mul3A_694 = vector.broadcast %mul3A_693 : f32 to vector<16xf32>
        %mul3A_695 = arith.mulf %get3A_692, %mul3A_694 : vector<16xf32>
        %add3A_696 = arith.constant 9 : i32
        %add3A_697 = arith.addi %mul3A_96, %add3A_696 : i32
        %swap3A_698 = arith.index_cast %add3A_697 : i32 to index
        %swap3A_699 = arith.constant 16 : index
        %swap3A_700 = tpu.vector_load %arg9[%swap3A_698, %swap3A_699] {strides = array<i32>} : memref<160x64xf32, #tpu.memory_space<vmem>>, vector<1x16xf32>,
        %swap3A_701 = vector.shape_cast %swap3A_700 : vector<1x16xf32> to vector<16xf32>
        %swap3A_702 = vector.shape_cast %mul3A_695 : vector<16xf32> to vector<1x16xf32>
        tpu.vector_store %arg9[%swap3A_698, %swap3A_699], %swap3A_702 {strides = array<i32>} : memref<160x64xf32, #tpu.memory_space<vmem>>, vector<1x16xf32>,
        %add3A_703 = arith.constant 9 : i32
        %add3A_704 = arith.addi %mul3A_96, %add3A_703 : i32
        %get3A_705 = arith.index_cast %add3A_704 : i32 to index
        %get3A_706 = arith.constant 32 : index
        %get3A_707 = tpu.vector_load %arg7[%get3A_705, %get3A_706] {strides = array<i32>} : memref<160x128xf32, #tpu.memory_space<vmem>>, vector<1x16xf32>,
        %get3A_708 = vector.shape_cast %get3A_707 : vector<1x16xf32> to vector<16xf32>
        %mul3A_709 = arith.constant 8.000000e+00 : f32
        %mul3A_710 = vector.broadcast %mul3A_709 : f32 to vector<16xf32>
        %mul3A_711 = arith.mulf %get3A_708, %mul3A_710 : vector<16xf32>
        %add3A_712 = arith.constant 9 : i32
        %add3A_713 = arith.addi %mul3A_96, %add3A_712 : i32
        %swap3A_714 = arith.index_cast %add3A_713 : i32 to index
        %swap3A_715 = arith.constant 32 : index
        %swap3A_716 = tpu.vector_load %arg9[%swap3A_714, %swap3A_715] {strides = array<i32>} : memref<160x64xf32, #tpu.memory_space<vmem>>, vector<1x16xf32>,
        %swap3A_717 = vector.shape_cast %swap3A_716 : vector<1x16xf32> to vector<16xf32>
        %swap3A_718 = vector.shape_cast %mul3A_711 : vector<16xf32> to vector<1x16xf32>
        tpu.vector_store %arg9[%swap3A_714, %swap3A_715], %swap3A_718 {strides = array<i32>} : memref<160x64xf32, #tpu.memory_space<vmem>>, vector<1x16xf32>,
        %add3A_719 = arith.constant 9 : i32
        %add3A_720 = arith.addi %mul3A_96, %add3A_719 : i32
        %get3A_721 = arith.index_cast %add3A_720 : i32 to index
        %get3A_722 = arith.constant 48 : index
        %get3A_723 = tpu.vector_load %arg7[%get3A_721, %get3A_722] {strides = array<i32>} : memref<160x128xf32, #tpu.memory_space<vmem>>, vector<1x16xf32>,
        %get3A_724 = vector.shape_cast %get3A_723 : vector<1x16xf32> to vector<16xf32>
        %mul3A_725 = arith.constant 8.000000e+00 : f32
        %mul3A_726 = vector.broadcast %mul3A_725 : f32 to vector<16xf32>
        %mul3A_727 = arith.mulf %get3A_724, %mul3A_726 : vector<16xf32>
        %add3A_728 = arith.constant 9 : i32
        %add3A_729 = arith.addi %mul3A_96, %add3A_728 : i32
        %swap3A_730 = arith.index_cast %add3A_729 : i32 to index
        %swap3A_731 = arith.constant 48 : index
        %swap3A_732 = tpu.vector_load %arg9[%swap3A_730, %swap3A_731] {strides = array<i32>} : memref<160x64xf32, #tpu.memory_space<vmem>>, vector<1x16xf32>,
        %swap3A_733 = vector.shape_cast %swap3A_732 : vector<1x16xf32> to vector<16xf32>
        %swap3A_734 = vector.shape_cast %mul3A_727 : vector<16xf32> to vector<1x16xf32>
        tpu.vector_store %arg9[%swap3A_730, %swap3A_731], %swap3A_734 {strides = array<i32>} : memref<160x64xf32, #tpu.memory_space<vmem>>, vector<1x16xf32>,
        %add3A_735 = arith.constant 10 : i32
        %add3A_736 = arith.addi %mul3A_96, %add3A_735 : i32
        %get3A_737 = arith.index_cast %add3A_736 : i32 to index
        %get3A_738 = arith.constant 0 : index
        %get3A_739 = tpu.vector_load %arg7[%get3A_737, %get3A_738] {strides = array<i32>} : memref<160x128xf32, #tpu.memory_space<vmem>>, vector<1x16xf32>,
        %get3A_740 = vector.shape_cast %get3A_739 : vector<1x16xf32> to vector<16xf32>
        %mul3A_741 = arith.constant 8.000000e+00 : f32
        %mul3A_742 = vector.broadcast %mul3A_741 : f32 to vector<16xf32>
        %mul3A_743 = arith.mulf %get3A_740, %mul3A_742 : vector<16xf32>
        %add3A_744 = arith.constant 10 : i32
        %add3A_745 = arith.addi %mul3A_96, %add3A_744 : i32
        %swap3A_746 = arith.index_cast %add3A_745 : i32 to index
        %swap3A_747 = arith.constant 0 : index
        %swap3A_748 = tpu.vector_load %arg9[%swap3A_746, %swap3A_747] {strides = array<i32>} : memref<160x64xf32, #tpu.memory_space<vmem>>, vector<1x16xf32>,
        %swap3A_749 = vector.shape_cast %swap3A_748 : vector<1x16xf32> to vector<16xf32>
        %swap3A_750 = vector.shape_cast %mul3A_743 : vector<16xf32> to vector<1x16xf32>
        tpu.vector_store %arg9[%swap3A_746, %swap3A_747], %swap3A_750 {strides = array<i32>} : memref<160x64xf32, #tpu.memory_space<vmem>>, vector<1x16xf32>,
        %add3A_751 = arith.constant 10 : i32
        %add3A_752 = arith.addi %mul3A_96, %add3A_751 : i32
        %get3A_753 = arith.index_cast %add3A_752 : i32 to index
        %get3A_754 = arith.constant 16 : index
        %get3A_755 = tpu.vector_load %arg7[%get3A_753, %get3A_754] {strides = array<i32>} : memref<160x128xf32, #tpu.memory_space<vmem>>, vector<1x16xf32>,
        %get3A_756 = vector.shape_cast %get3A_755 : vector<1x16xf32> to vector<16xf32>
        %mul3A_757 = arith.constant 8.000000e+00 : f32
        %mul3A_758 = vector.broadcast %mul3A_757 : f32 to vector<16xf32>
        %mul3A_759 = arith.mulf %get3A_756, %mul3A_758 : vector<16xf32>
        %add3A_760 = arith.constant 10 : i32
        %add3A_761 = arith.addi %mul3A_96, %add3A_760 : i32
        %swap3A_762 = arith.index_cast %add3A_761 : i32 to index
        %swap3A_763 = arith.constant 16 : index
        %swap3A_764 = tpu.vector_load %arg9[%swap3A_762, %swap3A_763] {strides = array<i32>} : memref<160x64xf32, #tpu.memory_space<vmem>>, vector<1x16xf32>,
        %swap3A_765 = vector.shape_cast %swap3A_764 : vector<1x16xf32> to vector<16xf32>
        %swap3A_766 = vector.shape_cast %mul3A_759 : vector<16xf32> to vector<1x16xf32>
        tpu.vector_store %arg9[%swap3A_762, %swap3A_763], %swap3A_766 {strides = array<i32>} : memref<160x64xf32, #tpu.memory_space<vmem>>, vector<1x16xf32>,
        %add3A_767 = arith.constant 10 : i32
        %add3A_768 = arith.addi %mul3A_96, %add3A_767 : i32
        %get3A_769 = arith.index_cast %add3A_768 : i32 to index
        %get3A_770 = arith.constant 32 : index
        %get3A_771 = tpu.vector_load %arg7[%get3A_769, %get3A_770] {strides = array<i32>} : memref<160x128xf32, #tpu.memory_space<vmem>>, vector<1x16xf32>,
        %get3A_772 = vector.shape_cast %get3A_771 : vector<1x16xf32> to vector<16xf32>
        %mul3A_773 = arith.constant 8.000000e+00 : f32
        %mul3A_774 = vector.broadcast %mul3A_773 : f32 to vector<16xf32>
        %mul3A_775 = arith.mulf %get3A_772, %mul3A_774 : vector<16xf32>
        %add3A_776 = arith.constant 10 : i32
        %add3A_777 = arith.addi %mul3A_96, %add3A_776 : i32
        %swap3A_778 = arith.index_cast %add3A_777 : i32 to index
        %swap3A_779 = arith.constant 32 : index
        %swap3A_780 = tpu.vector_load %arg9[%swap3A_778, %swap3A_779] {strides = array<i32>} : memref<160x64xf32, #tpu.memory_space<vmem>>, vector<1x16xf32>,
        %swap3A_781 = vector.shape_cast %swap3A_780 : vector<1x16xf32> to vector<16xf32>
        %swap3A_782 = vector.shape_cast %mul3A_775 : vector<16xf32> to vector<1x16xf32>
        tpu.vector_store %arg9[%swap3A_778, %swap3A_779], %swap3A_782 {strides = array<i32>} : memref<160x64xf32, #tpu.memory_space<vmem>>, vector<1x16xf32>,
        %add3A_783 = arith.constant 10 : i32
        %add3A_784 = arith.addi %mul3A_96, %add3A_783 : i32
        %get3A_785 = arith.index_cast %add3A_784 : i32 to index
        %get3A_786 = arith.constant 48 : index
        %get3A_787 = tpu.vector_load %arg7[%get3A_785, %get3A_786] {strides = array<i32>} : memref<160x128xf32, #tpu.memory_space<vmem>>, vector<1x16xf32>,
        %get3A_788 = vector.shape_cast %get3A_787 : vector<1x16xf32> to vector<16xf32>
        %mul3A_789 = arith.constant 8.000000e+00 : f32
        %mul3A_790 = vector.broadcast %mul3A_789 : f32 to vector<16xf32>
        %mul3A_791 = arith.mulf %get3A_788, %mul3A_790 : vector<16xf32>
        %add3A_792 = arith.constant 10 : i32
        %add3A_793 = arith.addi %mul3A_96, %add3A_792 : i32
        %swap3A_794 = arith.index_cast %add3A_793 : i32 to index
        %swap3A_795 = arith.constant 48 : index
        %swap3A_796 = tpu.vector_load %arg9[%swap3A_794, %swap3A_795] {strides = array<i32>} : memref<160x64xf32, #tpu.memory_space<vmem>>, vector<1x16xf32>,
        %swap3A_797 = vector.shape_cast %swap3A_796 : vector<1x16xf32> to vector<16xf32>
        %swap3A_798 = vector.shape_cast %mul3A_791 : vector<16xf32> to vector<1x16xf32>
        tpu.vector_store %arg9[%swap3A_794, %swap3A_795], %swap3A_798 {strides = array<i32>} : memref<160x64xf32, #tpu.memory_space<vmem>>, vector<1x16xf32>,
        %add3A_799 = arith.constant 11 : i32
        %add3A_800 = arith.addi %mul3A_96, %add3A_799 : i32
        %get3A_801 = arith.index_cast %add3A_800 : i32 to index
        %get3A_802 = arith.constant 0 : index
        %get3A_803 = tpu.vector_load %arg7[%get3A_801, %get3A_802] {strides = array<i32>} : memref<160x128xf32, #tpu.memory_space<vmem>>, vector<1x16xf32>,
        %get3A_804 = vector.shape_cast %get3A_803 : vector<1x16xf32> to vector<16xf32>
        %mul3A_805 = arith.constant 8.000000e+00 : f32
        %mul3A_806 = vector.broadcast %mul3A_805 : f32 to vector<16xf32>
        %mul3A_807 = arith.mulf %get3A_804, %mul3A_806 : vector<16xf32>
        %add3A_808 = arith.constant 11 : i32
        %add3A_809 = arith.addi %mul3A_96, %add3A_808 : i32
        %swap3A_810 = arith.index_cast %add3A_809 : i32 to index
        %swap3A_811 = arith.constant 0 : index
        %swap3A_812 = tpu.vector_load %arg9[%swap3A_810, %swap3A_811] {strides = array<i32>} : memref<160x64xf32, #tpu.memory_space<vmem>>, vector<1x16xf32>,
        %swap3A_813 = vector.shape_cast %swap3A_812 : vector<1x16xf32> to vector<16xf32>
        %swap3A_814 = vector.shape_cast %mul3A_807 : vector<16xf32> to vector<1x16xf32>
        tpu.vector_store %arg9[%swap3A_810, %swap3A_811], %swap3A_814 {strides = array<i32>} : memref<160x64xf32, #tpu.memory_space<vmem>>, vector<1x16xf32>,
        %add3A_815 = arith.constant 11 : i32
        %add3A_816 = arith.addi %mul3A_96, %add3A_815 : i32
        %get3A_817 = arith.index_cast %add3A_816 : i32 to index
        %get3A_818 = arith.constant 16 : index
        %get3A_819 = tpu.vector_load %arg7[%get3A_817, %get3A_818] {strides = array<i32>} : memref<160x128xf32, #tpu.memory_space<vmem>>, vector<1x16xf32>,
        %get3A_820 = vector.shape_cast %get3A_819 : vector<1x16xf32> to vector<16xf32>
        %mul3A_821 = arith.constant 8.000000e+00 : f32
        %mul3A_822 = vector.broadcast %mul3A_821 : f32 to vector<16xf32>
        %mul3A_823 = arith.mulf %get3A_820, %mul3A_822 : vector<16xf32>
        %add3A_824 = arith.constant 11 : i32
        %add3A_825 = arith.addi %mul3A_96, %add3A_824 : i32
        %swap3A_826 = arith.index_cast %add3A_825 : i32 to index
        %swap3A_827 = arith.constant 16 : index
        %swap3A_828 = tpu.vector_load %arg9[%swap3A_826, %swap3A_827] {strides = array<i32>} : memref<160x64xf32, #tpu.memory_space<vmem>>, vector<1x16xf32>,
        %swap3A_829 = vector.shape_cast %swap3A_828 : vector<1x16xf32> to vector<16xf32>
        %swap3A_830 = vector.shape_cast %mul3A_823 : vector<16xf32> to vector<1x16xf32>
        tpu.vector_store %arg9[%swap3A_826, %swap3A_827], %swap3A_830 {strides = array<i32>} : memref<160x64xf32, #tpu.memory_space<vmem>>, vector<1x16xf32>,
        %add3A_831 = arith.constant 11 : i32
        %add3A_832 = arith.addi %mul3A_96, %add3A_831 : i32
        %get3A_833 = arith.index_cast %add3A_832 : i32 to index
        %get3A_834 = arith.constant 32 : index
        %get3A_835 = tpu.vector_load %arg7[%get3A_833, %get3A_834] {strides = array<i32>} : memref<160x128xf32, #tpu.memory_space<vmem>>, vector<1x16xf32>,
        %get3A_836 = vector.shape_cast %get3A_835 : vector<1x16xf32> to vector<16xf32>
        %mul3A_837 = arith.constant 8.000000e+00 : f32
        %mul3A_838 = vector.broadcast %mul3A_837 : f32 to vector<16xf32>
        %mul3A_839 = arith.mulf %get3A_836, %mul3A_838 : vector<16xf32>
        %add3A_840 = arith.constant 11 : i32
        %add3A_841 = arith.addi %mul3A_96, %add3A_840 : i32
        %swap3A_842 = arith.index_cast %add3A_841 : i32 to index
        %swap3A_843 = arith.constant 32 : index
        %swap3A_844 = tpu.vector_load %arg9[%swap3A_842, %swap3A_843] {strides = array<i32>} : memref<160x64xf32, #tpu.memory_space<vmem>>, vector<1x16xf32>,
        %swap3A_845 = vector.shape_cast %swap3A_844 : vector<1x16xf32> to vector<16xf32>
        %swap3A_846 = vector.shape_cast %mul3A_839 : vector<16xf32> to vector<1x16xf32>
        tpu.vector_store %arg9[%swap3A_842, %swap3A_843], %swap3A_846 {strides = array<i32>} : memref<160x64xf32, #tpu.memory_space<vmem>>, vector<1x16xf32>,
        %add3A_847 = arith.constant 11 : i32
        %add3A_848 = arith.addi %mul3A_96, %add3A_847 : i32
        %get3A_849 = arith.index_cast %add3A_848 : i32 to index
        %get3A_850 = arith.constant 48 : index
        %get3A_851 = tpu.vector_load %arg7[%get3A_849, %get3A_850] {strides = array<i32>} : memref<160x128xf32, #tpu.memory_space<vmem>>, vector<1x16xf32>,
        %get3A_852 = vector.shape_cast %get3A_851 : vector<1x16xf32> to vector<16xf32>
        %mul3A_853 = arith.constant 8.000000e+00 : f32
        %mul3A_854 = vector.broadcast %mul3A_853 : f32 to vector<16xf32>
        %mul3A_855 = arith.mulf %get3A_852, %mul3A_854 : vector<16xf32>
        %add3A_856 = arith.constant 11 : i32
        %add3A_857 = arith.addi %mul3A_96, %add3A_856 : i32
        %swap3A_858 = arith.index_cast %add3A_857 : i32 to index
        %swap3A_859 = arith.constant 48 : index
        %swap3A_860 = tpu.vector_load %arg9[%swap3A_858, %swap3A_859] {strides = array<i32>} : memref<160x64xf32, #tpu.memory_space<vmem>>, vector<1x16xf32>,
        %swap3A_861 = vector.shape_cast %swap3A_860 : vector<1x16xf32> to vector<16xf32>
        %swap3A_862 = vector.shape_cast %mul3A_855 : vector<16xf32> to vector<1x16xf32>
        tpu.vector_store %arg9[%swap3A_858, %swap3A_859], %swap3A_862 {strides = array<i32>} : memref<160x64xf32, #tpu.memory_space<vmem>>, vector<1x16xf32>,
        %add3A_863 = arith.constant 12 : i32
        %add3A_864 = arith.addi %mul3A_96, %add3A_863 : i32
        %get3A_865 = arith.index_cast %add3A_864 : i32 to index
        %get3A_866 = arith.constant 0 : index
        %get3A_867 = tpu.vector_load %arg7[%get3A_865, %get3A_866] {strides = array<i32>} : memref<160x128xf32, #tpu.memory_space<vmem>>, vector<1x16xf32>,
        %get3A_868 = vector.shape_cast %get3A_867 : vector<1x16xf32> to vector<16xf32>
        %mul3A_869 = arith.constant 8.000000e+00 : f32
        %mul3A_870 = vector.broadcast %mul3A_869 : f32 to vector<16xf32>
        %mul3A_871 = arith.mulf %get3A_868, %mul3A_870 : vector<16xf32>
        %add3A_872 = arith.constant 12 : i32
        %add3A_873 = arith.addi %mul3A_96, %add3A_872 : i32
        %swap3A_874 = arith.index_cast %add3A_873 : i32 to index
        %swap3A_875 = arith.constant 0 : index
        %swap3A_876 = tpu.vector_load %arg9[%swap3A_874, %swap3A_875] {strides = array<i32>} : memref<160x64xf32, #tpu.memory_space<vmem>>, vector<1x16xf32>,
        %swap3A_877 = vector.shape_cast %swap3A_876 : vector<1x16xf32> to vector<16xf32>
        %swap3A_878 = vector.shape_cast %mul3A_871 : vector<16xf32> to vector<1x16xf32>
        tpu.vector_store %arg9[%swap3A_874, %swap3A_875], %swap3A_878 {strides = array<i32>} : memref<160x64xf32, #tpu.memory_space<vmem>>, vector<1x16xf32>,
        %add3A_879 = arith.constant 12 : i32
        %add3A_880 = arith.addi %mul3A_96, %add3A_879 : i32
        %get3A_881 = arith.index_cast %add3A_880 : i32 to index
        %get3A_882 = arith.constant 16 : index
        %get3A_883 = tpu.vector_load %arg7[%get3A_881, %get3A_882] {strides = array<i32>} : memref<160x128xf32, #tpu.memory_space<vmem>>, vector<1x16xf32>,
        %get3A_884 = vector.shape_cast %get3A_883 : vector<1x16xf32> to vector<16xf32>
        %mul3A_885 = arith.constant 8.000000e+00 : f32
        %mul3A_886 = vector.broadcast %mul3A_885 : f32 to vector<16xf32>
        %mul3A_887 = arith.mulf %get3A_884, %mul3A_886 : vector<16xf32>
        %add3A_888 = arith.constant 12 : i32
        %add3A_889 = arith.addi %mul3A_96, %add3A_888 : i32
        %swap3A_890 = arith.index_cast %add3A_889 : i32 to index
        %swap3A_891 = arith.constant 16 : index
        %swap3A_892 = tpu.vector_load %arg9[%swap3A_890, %swap3A_891] {strides = array<i32>} : memref<160x64xf32, #tpu.memory_space<vmem>>, vector<1x16xf32>,
        %swap3A_893 = vector.shape_cast %swap3A_892 : vector<1x16xf32> to vector<16xf32>
        %swap3A_894 = vector.shape_cast %mul3A_887 : vector<16xf32> to vector<1x16xf32>
        tpu.vector_store %arg9[%swap3A_890, %swap3A_891], %swap3A_894 {strides = array<i32>} : memref<160x64xf32, #tpu.memory_space<vmem>>, vector<1x16xf32>,
        %add3A_895 = arith.constant 12 : i32
        %add3A_896 = arith.addi %mul3A_96, %add3A_895 : i32
        %get3A_897 = arith.index_cast %add3A_896 : i32 to index
        %get3A_898 = arith.constant 32 : index
        %get3A_899 = tpu.vector_load %arg7[%get3A_897, %get3A_898] {strides = array<i32>} : memref<160x128xf32, #tpu.memory_space<vmem>>, vector<1x16xf32>,
        %get3A_900 = vector.shape_cast %get3A_899 : vector<1x16xf32> to vector<16xf32>
        %mul3A_901 = arith.constant 8.000000e+00 : f32
        %mul3A_902 = vector.broadcast %mul3A_901 : f32 to vector<16xf32>
        %mul3A_903 = arith.mulf %get3A_900, %mul3A_902 : vector<16xf32>
        %add3A_904 = arith.constant 12 : i32
        %add3A_905 = arith.addi %mul3A_96, %add3A_904 : i32
        %swap3A_906 = arith.index_cast %add3A_905 : i32 to index
        %swap3A_907 = arith.constant 32 : index
        %swap3A_908 = tpu.vector_load %arg9[%swap3A_906, %swap3A_907] {strides = array<i32>} : memref<160x64xf32, #tpu.memory_space<vmem>>, vector<1x16xf32>,
        %swap3A_909 = vector.shape_cast %swap3A_908 : vector<1x16xf32> to vector<16xf32>
        %swap3A_910 = vector.shape_cast %mul3A_903 : vector<16xf32> to vector<1x16xf32>
        tpu.vector_store %arg9[%swap3A_906, %swap3A_907], %swap3A_910 {strides = array<i32>} : memref<160x64xf32, #tpu.memory_space<vmem>>, vector<1x16xf32>,
        %add3A_911 = arith.constant 12 : i32
        %add3A_912 = arith.addi %mul3A_96, %add3A_911 : i32
        %get3A_913 = arith.index_cast %add3A_912 : i32 to index
        %get3A_914 = arith.constant 48 : index
        %get3A_915 = tpu.vector_load %arg7[%get3A_913, %get3A_914] {strides = array<i32>} : memref<160x128xf32, #tpu.memory_space<vmem>>, vector<1x16xf32>,
        %get3A_916 = vector.shape_cast %get3A_915 : vector<1x16xf32> to vector<16xf32>
        %mul3A_917 = arith.constant 8.000000e+00 : f32
        %mul3A_918 = vector.broadcast %mul3A_917 : f32 to vector<16xf32>
        %mul3A_919 = arith.mulf %get3A_916, %mul3A_918 : vector<16xf32>
        %add3A_920 = arith.constant 12 : i32
        %add3A_921 = arith.addi %mul3A_96, %add3A_920 : i32
        %swap3A_922 = arith.index_cast %add3A_921 : i32 to index
        %swap3A_923 = arith.constant 48 : index
        %swap3A_924 = tpu.vector_load %arg9[%swap3A_922, %swap3A_923] {strides = array<i32>} : memref<160x64xf32, #tpu.memory_space<vmem>>, vector<1x16xf32>,
        %swap3A_925 = vector.shape_cast %swap3A_924 : vector<1x16xf32> to vector<16xf32>
        %swap3A_926 = vector.shape_cast %mul3A_919 : vector<16xf32> to vector<1x16xf32>
        tpu.vector_store %arg9[%swap3A_922, %swap3A_923], %swap3A_926 {strides = array<i32>} : memref<160x64xf32, #tpu.memory_space<vmem>>, vector<1x16xf32>,
        %add3A_927 = arith.constant 13 : i32
        %add3A_928 = arith.addi %mul3A_96, %add3A_927 : i32
        %get3A_929 = arith.index_cast %add3A_928 : i32 to index
        %get3A_930 = arith.constant 0 : index
        %get3A_931 = tpu.vector_load %arg7[%get3A_929, %get3A_930] {strides = array<i32>} : memref<160x128xf32, #tpu.memory_space<vmem>>, vector<1x16xf32>,
        %get3A_932 = vector.shape_cast %get3A_931 : vector<1x16xf32> to vector<16xf32>
        %mul3A_933 = arith.constant 8.000000e+00 : f32
        %mul3A_934 = vector.broadcast %mul3A_933 : f32 to vector<16xf32>
        %mul3A_935 = arith.mulf %get3A_932, %mul3A_934 : vector<16xf32>
        %add3A_936 = arith.constant 13 : i32
        %add3A_937 = arith.addi %mul3A_96, %add3A_936 : i32
        %swap3A_938 = arith.index_cast %add3A_937 : i32 to index
        %swap3A_939 = arith.constant 0 : index
        %swap3A_940 = tpu.vector_load %arg9[%swap3A_938, %swap3A_939] {strides = array<i32>} : memref<160x64xf32, #tpu.memory_space<vmem>>, vector<1x16xf32>,
        %swap3A_941 = vector.shape_cast %swap3A_940 : vector<1x16xf32> to vector<16xf32>
        %swap3A_942 = vector.shape_cast %mul3A_935 : vector<16xf32> to vector<1x16xf32>
        tpu.vector_store %arg9[%swap3A_938, %swap3A_939], %swap3A_942 {strides = array<i32>} : memref<160x64xf32, #tpu.memory_space<vmem>>, vector<1x16xf32>,
        %add3A_943 = arith.constant 13 : i32
        %add3A_944 = arith.addi %mul3A_96, %add3A_943 : i32
        %get3A_945 = arith.index_cast %add3A_944 : i32 to index
        %get3A_946 = arith.constant 16 : index
        %get3A_947 = tpu.vector_load %arg7[%get3A_945, %get3A_946] {strides = array<i32>} : memref<160x128xf32, #tpu.memory_space<vmem>>, vector<1x16xf32>,
        %get3A_948 = vector.shape_cast %get3A_947 : vector<1x16xf32> to vector<16xf32>
        %mul3A_949 = arith.constant 8.000000e+00 : f32
        %mul3A_950 = vector.broadcast %mul3A_949 : f32 to vector<16xf32>
        %mul3A_951 = arith.mulf %get3A_948, %mul3A_950 : vector<16xf32>
        %add3A_952 = arith.constant 13 : i32
        %add3A_953 = arith.addi %mul3A_96, %add3A_952 : i32
        %swap3A_954 = arith.index_cast %add3A_953 : i32 to index
        %swap3A_955 = arith.constant 16 : index
        %swap3A_956 = tpu.vector_load %arg9[%swap3A_954, %swap3A_955] {strides = array<i32>} : memref<160x64xf32, #tpu.memory_space<vmem>>, vector<1x16xf32>,
        %swap3A_957 = vector.shape_cast %swap3A_956 : vector<1x16xf32> to vector<16xf32>
        %swap3A_958 = vector.shape_cast %mul3A_951 : vector<16xf32> to vector<1x16xf32>
        tpu.vector_store %arg9[%swap3A_954, %swap3A_955], %swap3A_958 {strides = array<i32>} : memref<160x64xf32, #tpu.memory_space<vmem>>, vector<1x16xf32>,
        %add3A_959 = arith.constant 13 : i32
        %add3A_960 = arith.addi %mul3A_96, %add3A_959 : i32
        %get3A_961 = arith.index_cast %add3A_960 : i32 to index
        %get3A_962 = arith.constant 32 : index
        %get3A_963 = tpu.vector_load %arg7[%get3A_961, %get3A_962] {strides = array<i32>} : memref<160x128xf32, #tpu.memory_space<vmem>>, vector<1x16xf32>,
        %get3A_964 = vector.shape_cast %get3A_963 : vector<1x16xf32> to vector<16xf32>
        %mul3A_965 = arith.constant 8.000000e+00 : f32
        %mul3A_966 = vector.broadcast %mul3A_965 : f32 to vector<16xf32>
        %mul3A_967 = arith.mulf %get3A_964, %mul3A_966 : vector<16xf32>
        %add3A_968 = arith.constant 13 : i32
        %add3A_969 = arith.addi %mul3A_96, %add3A_968 : i32
        %swap3A_970 = arith.index_cast %add3A_969 : i32 to index
        %swap3A_971 = arith.constant 32 : index
        %swap3A_972 = tpu.vector_load %arg9[%swap3A_970, %swap3A_971] {strides = array<i32>} : memref<160x64xf32, #tpu.memory_space<vmem>>, vector<1x16xf32>,
        %swap3A_973 = vector.shape_cast %swap3A_972 : vector<1x16xf32> to vector<16xf32>
        %swap3A_974 = vector.shape_cast %mul3A_967 : vector<16xf32> to vector<1x16xf32>
        tpu.vector_store %arg9[%swap3A_970, %swap3A_971], %swap3A_974 {strides = array<i32>} : memref<160x64xf32, #tpu.memory_space<vmem>>, vector<1x16xf32>,
        %add3A_975 = arith.constant 13 : i32
        %add3A_976 = arith.addi %mul3A_96, %add3A_975 : i32
        %get3A_977 = arith.index_cast %add3A_976 : i32 to index
        %get3A_978 = arith.constant 48 : index
        %get3A_979 = tpu.vector_load %arg7[%get3A_977, %get3A_978] {strides = array<i32>} : memref<160x128xf32, #tpu.memory_space<vmem>>, vector<1x16xf32>,
        %get3A_980 = vector.shape_cast %get3A_979 : vector<1x16xf32> to vector<16xf32>
        %mul3A_981 = arith.constant 8.000000e+00 : f32
        %mul3A_982 = vector.broadcast %mul3A_981 : f32 to vector<16xf32>
        %mul3A_983 = arith.mulf %get3A_980, %mul3A_982 : vector<16xf32>
        %add3A_984 = arith.constant 13 : i32
        %add3A_985 = arith.addi %mul3A_96, %add3A_984 : i32
        %swap3A_986 = arith.index_cast %add3A_985 : i32 to index
        %swap3A_987 = arith.constant 48 : index
        %swap3A_988 = tpu.vector_load %arg9[%swap3A_986, %swap3A_987] {strides = array<i32>} : memref<160x64xf32, #tpu.memory_space<vmem>>, vector<1x16xf32>,
        %swap3A_989 = vector.shape_cast %swap3A_988 : vector<1x16xf32> to vector<16xf32>
        %swap3A_990 = vector.shape_cast %mul3A_983 : vector<16xf32> to vector<1x16xf32>
        tpu.vector_store %arg9[%swap3A_986, %swap3A_987], %swap3A_990 {strides = array<i32>} : memref<160x64xf32, #tpu.memory_space<vmem>>, vector<1x16xf32>,
        %add3A_991 = arith.constant 14 : i32
        %add3A_992 = arith.addi %mul3A_96, %add3A_991 : i32
        %get3A_993 = arith.index_cast %add3A_992 : i32 to index
        %get3A_994 = arith.constant 0 : index
        %get3A_995 = tpu.vector_load %arg7[%get3A_993, %get3A_994] {strides = array<i32>} : memref<160x128xf32, #tpu.memory_space<vmem>>, vector<1x16xf32>,
        %get3A_996 = vector.shape_cast %get3A_995 : vector<1x16xf32> to vector<16xf32>
        %mul3A_997 = arith.constant 8.000000e+00 : f32
        %mul3A_998 = vector.broadcast %mul3A_997 : f32 to vector<16xf32>
        %mul3A_999 = arith.mulf %get3A_996, %mul3A_998 : vector<16xf32>
        %add3A_1000 = arith.constant 14 : i32
        %add3A_1001 = arith.addi %mul3A_96, %add3A_1000 : i32
        %swap3A_1002 = arith.index_cast %add3A_1001 : i32 to index
        %swap3A_1003 = arith.constant 0 : index
        %swap3A_1004 = tpu.vector_load %arg9[%swap3A_1002, %swap3A_1003] {strides = array<i32>} : memref<160x64xf32, #tpu.memory_space<vmem>>, vector<1x16xf32>,
        %swap3A_1005 = vector.shape_cast %swap3A_1004 : vector<1x16xf32> to vector<16xf32>
        %swap3A_1006 = vector.shape_cast %mul3A_999 : vector<16xf32> to vector<1x16xf32>
        tpu.vector_store %arg9[%swap3A_1002, %swap3A_1003], %swap3A_1006 {strides = array<i32>} : memref<160x64xf32, #tpu.memory_space<vmem>>, vector<1x16xf32>,
        %add3A_1007 = arith.constant 14 : i32
        %add3A_1008 = arith.addi %mul3A_96, %add3A_1007 : i32
        %get3A_1009 = arith.index_cast %add3A_1008 : i32 to index
        %get3A_1010 = arith.constant 16 : index
        %get3A_1011 = tpu.vector_load %arg7[%get3A_1009, %get3A_1010] {strides = array<i32>} : memref<160x128xf32, #tpu.memory_space<vmem>>, vector<1x16xf32>,
        %get3A_1012 = vector.shape_cast %get3A_1011 : vector<1x16xf32> to vector<16xf32>
        %mul3A_1013 = arith.constant 8.000000e+00 : f32
        %mul3A_1014 = vector.broadcast %mul3A_1013 : f32 to vector<16xf32>
        %mul3A_1015 = arith.mulf %get3A_1012, %mul3A_1014 : vector<16xf32>
        %add3A_1016 = arith.constant 14 : i32
        %add3A_1017 = arith.addi %mul3A_96, %add3A_1016 : i32
        %swap3A_1018 = arith.index_cast %add3A_1017 : i32 to index
        %swap3A_1019 = arith.constant 16 : index
        %swap3A_1020 = tpu.vector_load %arg9[%swap3A_1018, %swap3A_1019] {strides = array<i32>} : memref<160x64xf32, #tpu.memory_space<vmem>>, vector<1x16xf32>,
        %swap3A_1021 = vector.shape_cast %swap3A_1020 : vector<1x16xf32> to vector<16xf32>
        %swap3A_1022 = vector.shape_cast %mul3A_1015 : vector<16xf32> to vector<1x16xf32>
        tpu.vector_store %arg9[%swap3A_1018, %swap3A_1019], %swap3A_1022 {strides = array<i32>} : memref<160x64xf32, #tpu.memory_space<vmem>>, vector<1x16xf32>,
        %add3A_1023 = arith.constant 14 : i32
        %add3A_1024 = arith.addi %mul3A_96, %add3A_1023 : i32
        %get3A_1025 = arith.index_cast %add3A_1024 : i32 to index
        %get3A_1026 = arith.constant 32 : index
        %get3A_1027 = tpu.vector_load %arg7[%get3A_1025, %get3A_1026] {strides = array<i32>} : memref<160x128xf32, #tpu.memory_space<vmem>>, vector<1x16xf32>,
        %get3A_1028 = vector.shape_cast %get3A_1027 : vector<1x16xf32> to vector<16xf32>
        %mul3A_1029 = arith.constant 8.000000e+00 : f32
        %mul3A_1030 = vector.broadcast %mul3A_1029 : f32 to vector<16xf32>
        %mul3A_1031 = arith.mulf %get3A_1028, %mul3A_1030 : vector<16xf32>
        %add3A_1032 = arith.constant 14 : i32
        %add3A_1033 = arith.addi %mul3A_96, %add3A_1032 : i32
        %swap3A_1034 = arith.index_cast %add3A_1033 : i32 to index
        %swap3A_1035 = arith.constant 32 : index
        %swap3A_1036 = tpu.vector_load %arg9[%swap3A_1034, %swap3A_1035] {strides = array<i32>} : memref<160x64xf32, #tpu.memory_space<vmem>>, vector<1x16xf32>,
        %swap3A_1037 = vector.shape_cast %swap3A_1036 : vector<1x16xf32> to vector<16xf32>
        %swap3A_1038 = vector.shape_cast %mul3A_1031 : vector<16xf32> to vector<1x16xf32>
        tpu.vector_store %arg9[%swap3A_1034, %swap3A_1035], %swap3A_1038 {strides = array<i32>} : memref<160x64xf32, #tpu.memory_space<vmem>>, vector<1x16xf32>,
        %add3A_1039 = arith.constant 14 : i32
        %add3A_1040 = arith.addi %mul3A_96, %add3A_1039 : i32
        %get3A_1041 = arith.index_cast %add3A_1040 : i32 to index
        %get3A_1042 = arith.constant 48 : index
        %get3A_1043 = tpu.vector_load %arg7[%get3A_1041, %get3A_1042] {strides = array<i32>} : memref<160x128xf32, #tpu.memory_space<vmem>>, vector<1x16xf32>,
        %get3A_1044 = vector.shape_cast %get3A_1043 : vector<1x16xf32> to vector<16xf32>
        %mul3A_1045 = arith.constant 8.000000e+00 : f32
        %mul3A_1046 = vector.broadcast %mul3A_1045 : f32 to vector<16xf32>
        %mul3A_1047 = arith.mulf %get3A_1044, %mul3A_1046 : vector<16xf32>
        %add3A_1048 = arith.constant 14 : i32
        %add3A_1049 = arith.addi %mul3A_96, %add3A_1048 : i32
        %swap3A_1050 = arith.index_cast %add3A_1049 : i32 to index
        %swap3A_1051 = arith.constant 48 : index
        %swap3A_1052 = tpu.vector_load %arg9[%swap3A_1050, %swap3A_1051] {strides = array<i32>} : memref<160x64xf32, #tpu.memory_space<vmem>>, vector<1x16xf32>,
        %swap3A_1053 = vector.shape_cast %swap3A_1052 : vector<1x16xf32> to vector<16xf32>
        %swap3A_1054 = vector.shape_cast %mul3A_1047 : vector<16xf32> to vector<1x16xf32>
        tpu.vector_store %arg9[%swap3A_1050, %swap3A_1051], %swap3A_1054 {strides = array<i32>} : memref<160x64xf32, #tpu.memory_space<vmem>>, vector<1x16xf32>,
        %add3A_1055 = arith.constant 15 : i32
        %add3A_1056 = arith.addi %mul3A_96, %add3A_1055 : i32
        %get3A_1057 = arith.index_cast %add3A_1056 : i32 to index
        %get3A_1058 = arith.constant 0 : index
        %get3A_1059 = tpu.vector_load %arg7[%get3A_1057, %get3A_1058] {strides = array<i32>} : memref<160x128xf32, #tpu.memory_space<vmem>>, vector<1x16xf32>,
        %get3A_1060 = vector.shape_cast %get3A_1059 : vector<1x16xf32> to vector<16xf32>
        %mul3A_1061 = arith.constant 8.000000e+00 : f32
        %mul3A_1062 = vector.broadcast %mul3A_1061 : f32 to vector<16xf32>
        %mul3A_1063 = arith.mulf %get3A_1060, %mul3A_1062 : vector<16xf32>
        %add3A_1064 = arith.constant 15 : i32
        %add3A_1065 = arith.addi %mul3A_96, %add3A_1064 : i32
        %swap3A_1066 = arith.index_cast %add3A_1065 : i32 to index
        %swap3A_1067 = arith.constant 0 : index
        %swap3A_1068 = tpu.vector_load %arg9[%swap3A_1066, %swap3A_1067] {strides = array<i32>} : memref<160x64xf32, #tpu.memory_space<vmem>>, vector<1x16xf32>,
        %swap3A_1069 = vector.shape_cast %swap3A_1068 : vector<1x16xf32> to vector<16xf32>
        %swap3A_1070 = vector.shape_cast %mul3A_1063 : vector<16xf32> to vector<1x16xf32>
        tpu.vector_store %arg9[%swap3A_1066, %swap3A_1067], %swap3A_1070 {strides = array<i32>} : memref<160x64xf32, #tpu.memory_space<vmem>>, vector<1x16xf32>,
        %add3A_1071 = arith.constant 15 : i32
        %add3A_1072 = arith.addi %mul3A_96, %add3A_1071 : i32
        %get3A_1073 = arith.index_cast %add3A_1072 : i32 to index
        %get3A_1074 = arith.constant 16 : index
        %get3A_1075 = tpu.vector_load %arg7[%get3A_1073, %get3A_1074] {strides = array<i32>} : memref<160x128xf32, #tpu.memory_space<vmem>>, vector<1x16xf32>,
        %get3A_1076 = vector.shape_cast %get3A_1075 : vector<1x16xf32> to vector<16xf32>
        %mul3A_1077 = arith.constant 8.000000e+00 : f32
        %mul3A_1078 = vector.broadcast %mul3A_1077 : f32 to vector<16xf32>
        %mul3A_1079 = arith.mulf %get3A_1076, %mul3A_1078 : vector<16xf32>
        %add3A_1080 = arith.constant 15 : i32
        %add3A_1081 = arith.addi %mul3A_96, %add3A_1080 : i32
        %swap3A_1082 = arith.index_cast %add3A_1081 : i32 to index
        %swap3A_1083 = arith.constant 16 : index
        %swap3A_1084 = tpu.vector_load %arg9[%swap3A_1082, %swap3A_1083] {strides = array<i32>} : memref<160x64xf32, #tpu.memory_space<vmem>>, vector<1x16xf32>,
        %swap3A_1085 = vector.shape_cast %swap3A_1084 : vector<1x16xf32> to vector<16xf32>
        %swap3A_1086 = vector.shape_cast %mul3A_1079 : vector<16xf32> to vector<1x16xf32>
        tpu.vector_store %arg9[%swap3A_1082, %swap3A_1083], %swap3A_1086 {strides = array<i32>} : memref<160x64xf32, #tpu.memory_space<vmem>>, vector<1x16xf32>,
        %add3A_1087 = arith.constant 15 : i32
        %add3A_1088 = arith.addi %mul3A_96, %add3A_1087 : i32
        %get3A_1089 = arith.index_cast %add3A_1088 : i32 to index
        %get3A_1090 = arith.constant 32 : index
        %get3A_1091 = tpu.vector_load %arg7[%get3A_1089, %get3A_1090] {strides = array<i32>} : memref<160x128xf32, #tpu.memory_space<vmem>>, vector<1x16xf32>,
        %get3A_1092 = vector.shape_cast %get3A_1091 : vector<1x16xf32> to vector<16xf32>
        %mul3A_1093 = arith.constant 8.000000e+00 : f32
        %mul3A_1094 = vector.broadcast %mul3A_1093 : f32 to vector<16xf32>
        %mul3A_1095 = arith.mulf %get3A_1092, %mul3A_1094 : vector<16xf32>
        %add3A_1096 = arith.constant 15 : i32
        %add3A_1097 = arith.addi %mul3A_96, %add3A_1096 : i32
        %swap3A_1098 = arith.index_cast %add3A_1097 : i32 to index
        %swap3A_1099 = arith.constant 32 : index
        %swap3A_1100 = tpu.vector_load %arg9[%swap3A_1098, %swap3A_1099] {strides = array<i32>} : memref<160x64xf32, #tpu.memory_space<vmem>>, vector<1x16xf32>,
        %swap3A_1101 = vector.shape_cast %swap3A_1100 : vector<1x16xf32> to vector<16xf32>
        %swap3A_1102 = vector.shape_cast %mul3A_1095 : vector<16xf32> to vector<1x16xf32>
        tpu.vector_store %arg9[%swap3A_1098, %swap3A_1099], %swap3A_1102 {strides = array<i32>} : memref<160x64xf32, #tpu.memory_space<vmem>>, vector<1x16xf32>,
        %add3A_1103 = arith.constant 15 : i32
        %add3A_1104 = arith.addi %mul3A_96, %add3A_1103 : i32
        %get3A_1105 = arith.index_cast %add3A_1104 : i32 to index
        %get3A_1106 = arith.constant 48 : index
        %get3A_1107 = tpu.vector_load %arg7[%get3A_1105, %get3A_1106] {strides = array<i32>} : memref<160x128xf32, #tpu.memory_space<vmem>>, vector<1x16xf32>,
        %get3A_1108 = vector.shape_cast %get3A_1107 : vector<1x16xf32> to vector<16xf32>
        %mul3A_1109 = arith.constant 8.000000e+00 : f32
        %mul3A_1110 = vector.broadcast %mul3A_1109 : f32 to vector<16xf32>
        %mul3A_1111 = arith.mulf %get3A_1108, %mul3A_1110 : vector<16xf32>
        %add3A_1112 = arith.constant 15 : i32
        %add3A_1113 = arith.addi %mul3A_96, %add3A_1112 : i32
        %swap3A_1114 = arith.index_cast %add3A_1113 : i32 to index
        %swap3A_1115 = arith.constant 48 : index
        %swap3A_1116 = tpu.vector_load %arg9[%swap3A_1114, %swap3A_1115] {strides = array<i32>} : memref<160x64xf32, #tpu.memory_space<vmem>>, vector<1x16xf32>,
        %swap3A_1117 = vector.shape_cast %swap3A_1116 : vector<1x16xf32> to vector<16xf32>
        %swap3A_1118 = vector.shape_cast %mul3A_1111 : vector<16xf32> to vector<1x16xf32>
        tpu.vector_store %arg9[%swap3A_1114, %swap3A_1115], %swap3A_1118 {strides = array<i32>} : memref<160x64xf32, #tpu.memory_space<vmem>>, vector<1x16xf32>,
      }
      %scan3A_48 = arith.constant 10 : i32
      %dma_start3A_49 = arith.constant 0 : i32
      %dma_start3A_50 = tpu.memref_slice %arg4[%add3A_38, %dma_start3A_49] : memref<819200x64xf32, #tpu.memory_space<hbm>> -> memref<160x64xf32, #tpu.memory_space<hbm>>
      %dma_start3A_51 = arith.constant 0 : i32
      %dma_start3A_52 = tpu.memref_slice %arg4[%add3A_38, %dma_start3A_51] : memref<819200x64xf32, #tpu.memory_space<hbm>> -> memref<160x64xf32, #tpu.memory_space<hbm>>
      tpu.enqueue_dma source(%arg9 : memref<160x64xf32, #tpu.memory_space<vmem>>) target(%dma_start3A_52 : memref<160x64xf32, #tpu.memory_space<hbm>>) target_semaphore(%arg13 : memref<!tpu.dma_semaphore, #tpu.memory_space<semaphore_mem>>)
      %add3A_53 = arith.constant 2 : i32
      %add3A_54 = arith.addi %add3A_35, %add3A_53 : i32
      %lt3A = arith.constant 160 : i32
      %lt3A_55 = arith.cmpi slt, %add3A_54, %lt3A : i32
      %convert_element_type3A_56 = arith.extui %lt3A_55 : i1 to i32
      %cond3A_57 = arith.constant 0 : i32
      %cond3A_58 = arith.cmpi ne, %convert_element_type3A_56, %cond3A_57 : i32
      scf.if %cond3A_58 {
        %add3A_90 = arith.constant 2 : i32
        %add3A_91 = arith.addi %add3A_35, %add3A_90 : i32
        %mul3A_92 = arith.constant 160 : i32
        %mul3A_93 = arith.muli %add3A_91, %mul3A_92 : i32
        %add3A_94 = arith.addi %mul3A_2, %mul3A_93 : i32
        "tpu.region"() ({
          %run_scoped3A = tpu.sem_alloc : memref<!tpu.dma_semaphore, #tpu.memory_space<semaphore_mem>>
          %dma_start3A_98 = tpu.memref_slice %arg2[%add3A_94] : memref<819200xi32, #tpu.memory_space<hbm>> -> memref<160xi32, #tpu.memory_space<hbm>>
          %dma_start3A_99 = tpu.memref_slice %arg2[%add3A_94] : memref<819200xi32, #tpu.memory_space<hbm>> -> memref<160xi32, #tpu.memory_space<hbm>>
          tpu.enqueue_dma source(%dma_start3A_99 : memref<160xi32, #tpu.memory_space<hbm>>) target(%arg5 : memref<160xi32, #tpu.memory_space<vmem>>) target_semaphore(%run_scoped3A : memref<!tpu.dma_semaphore, #tpu.memory_space<semaphore_mem>>)
          %dma_wait3A_100 = tpu.memref_slice %arg2[%add3A_94] : memref<819200xi32, #tpu.memory_space<hbm>> -> memref<160xi32, #tpu.memory_space<hbm>>
          %dma_wait3A_101 = tpu.memref_slice %arg2[%add3A_94] : memref<819200xi32, #tpu.memory_space<hbm>> -> memref<160xi32, #tpu.memory_space<hbm>>
          tpu.wait_dma2 semaphore(%run_scoped3A : memref<!tpu.dma_semaphore, #tpu.memory_space<semaphore_mem>>) src(%dma_wait3A_101 : memref<160xi32, #tpu.memory_space<hbm>>) dst(%arg5 : memref<160xi32, #tpu.memory_space<vmem>>)
          tpu.yield
        }) : () -> ()
        %dma_start3A_95 = arith.constant 0 : i32
        %dma_start3A_96 = arith.constant 0 : i32
        %dma_start3A_97 = tpu.memref_slice %arg3[%dma_start3A_95, %dma_start3A_96] : memref<1000000x128xf32, #tpu.memory_space<hbm>> -> memref<1000000x128xf32, #tpu.memory_space<hbm>>
        tpu.enqueue_indirect_dma source(%dma_start3A_97 : memref<1000000x128xf32, #tpu.memory_space<hbm>>) target(%arg7 : memref<160x128xf32, #tpu.memory_space<vmem>>) offsets(%arg5 : memref<160xi32, #tpu.memory_space<vmem>>) semaphore(%arg11 : memref<!tpu.dma_semaphore, #tpu.memory_space<semaphore_mem>>)
      } else {
      }
      %mul3A_59 = arith.constant 2 : i32
      %mul3A_60 = arith.muli %add3A_31, %mul3A_59 : i32
      %add3A_61 = arith.constant 1 : i32
      %add3A_62 = arith.addi %mul3A_60, %add3A_61 : i32
      %mul3A_63 = arith.constant 160 : i32
      %mul3A_64 = arith.muli %add3A_62, %mul3A_63 : i32
      %add3A_65 = arith.addi %mul3A_2, %mul3A_64 : i32
      %dma_wait3A_66 = arith.constant 0 : i32
      %dma_wait3A_67 = arith.constant 0 : i32
      %dma_wait3A_68 = tpu.memref_slice %arg3[%dma_wait3A_66, %dma_wait3A_67] : memref<1000000x128xf32, #tpu.memory_space<hbm>> -> memref<1000000x128xf32, #tpu.memory_space<hbm>>
      tpu.wait_indirect_dma semaphore(%arg12 : memref<!tpu.dma_semaphore, #tpu.memory_space<semaphore_mem>>) src(%dma_wait3A_68 : memref<1000000x128xf32, #tpu.memory_space<hbm>>) dst(%arg8 : memref<160x128xf32, #tpu.memory_space<vmem>>)
      %gt3A_69 = arith.constant 0 : i32
      %gt3A_70 = arith.cmpi sgt, %add3A_31, %gt3A_69 : i32
      %convert_element_type3A_71 = arith.extui %gt3A_70 : i1 to i32
      %cond3A_72 = arith.constant 0 : i32
      %cond3A_73 = arith.cmpi ne, %convert_element_type3A_71, %cond3A_72 : i32
      scf.if %cond3A_73 {
        %dma_wait3A_90 = arith.constant 0 : i32
        %dma_wait3A_91 = tpu.memref_slice %arg4[%add3A_65, %dma_wait3A_90] : memref<819200x64xf32, #tpu.memory_space<hbm>> -> memref<160x64xf32, #tpu.memory_space<hbm>>
        %dma_wait3A_92 = arith.constant 0 : i32
        %dma_wait3A_93 = tpu.memref_slice %arg4[%add3A_65, %dma_wait3A_92] : memref<819200x64xf32, #tpu.memory_space<hbm>> -> memref<160x64xf32, #tpu.memory_space<hbm>>
        tpu.wait_dma2 semaphore(%arg14 : memref<!tpu.dma_semaphore, #tpu.memory_space<semaphore_mem>>) src(%arg10 : memref<160x64xf32, #tpu.memory_space<vmem>>) dst(%dma_wait3A_93 : memref<160x64xf32, #tpu.memory_space<hbm>>)
      } else {
      }
      %scan3A_74 = arith.constant 0 : i32
      %scan3A_75 = arith.constant 10 : i32
      %scan3A_76 = arith.addi %scan3A_74, %scan3A_75 : i32
      %scan3A_77 = arith.constant 1 : i32
      scf.for %scan3A_90 = %scan3A_74 to %scan3A_76 step %scan3A_77  : i32 {
        %mul3A_91 = arith.constant 1 : i32
        %mul3A_92 = arith.muli %scan3A_90, %mul3A_91 : i32
        %add3A_93 = arith.constant 0 : i32
        %add3A_94 = arith.addi %add3A_93, %mul3A_92 : i32
        %mul3A_95 = arith.constant 16 : i32
        %mul3A_96 = arith.muli %add3A_94, %mul3A_95 : i32
        %add3A_97 = arith.constant 0 : i32
        %add3A_98 = arith.addi %mul3A_96, %add3A_97 : i32
        %get3A = arith.index_cast %add3A_98 : i32 to index
        %get3A_99 = arith.constant 0 : index
        %get3A_100 = tpu.vector_load %arg8[%get3A, %get3A_99] {strides = array<i32>} : memref<160x128xf32, #tpu.memory_space<vmem>>, vector<1x16xf32>,
        %get3A_101 = vector.shape_cast %get3A_100 : vector<1x16xf32> to vector<16xf32>
        %mul3A_102 = arith.constant 8.000000e+00 : f32
        %mul3A_103 = vector.broadcast %mul3A_102 : f32 to vector<16xf32>
        %mul3A_104 = arith.mulf %get3A_101, %mul3A_103 : vector<16xf32>
        %add3A_105 = arith.constant 0 : i32
        %add3A_106 = arith.addi %mul3A_96, %add3A_105 : i32
        %swap3A = arith.index_cast %add3A_106 : i32 to index
        %swap3A_107 = arith.constant 0 : index
        %swap3A_108 = tpu.vector_load %arg10[%swap3A, %swap3A_107] {strides = array<i32>} : memref<160x64xf32, #tpu.memory_space<vmem>>, vector<1x16xf32>,
        %swap3A_109 = vector.shape_cast %swap3A_108 : vector<1x16xf32> to vector<16xf32>
        %swap3A_110 = vector.shape_cast %mul3A_104 : vector<16xf32> to vector<1x16xf32>
        tpu.vector_store %arg10[%swap3A, %swap3A_107], %swap3A_110 {strides = array<i32>} : memref<160x64xf32, #tpu.memory_space<vmem>>, vector<1x16xf32>,
        %add3A_111 = arith.constant 0 : i32
        %add3A_112 = arith.addi %mul3A_96, %add3A_111 : i32
        %get3A_113 = arith.index_cast %add3A_112 : i32 to index
        %get3A_114 = arith.constant 16 : index
        %get3A_115 = tpu.vector_load %arg8[%get3A_113, %get3A_114] {strides = array<i32>} : memref<160x128xf32, #tpu.memory_space<vmem>>, vector<1x16xf32>,
        %get3A_116 = vector.shape_cast %get3A_115 : vector<1x16xf32> to vector<16xf32>
        %mul3A_117 = arith.constant 8.000000e+00 : f32
        %mul3A_118 = vector.broadcast %mul3A_117 : f32 to vector<16xf32>
        %mul3A_119 = arith.mulf %get3A_116, %mul3A_118 : vector<16xf32>
        %add3A_120 = arith.constant 0 : i32
        %add3A_121 = arith.addi %mul3A_96, %add3A_120 : i32
        %swap3A_122 = arith.index_cast %add3A_121 : i32 to index
        %swap3A_123 = arith.constant 16 : index
        %swap3A_124 = tpu.vector_load %arg10[%swap3A_122, %swap3A_123] {strides = array<i32>} : memref<160x64xf32, #tpu.memory_space<vmem>>, vector<1x16xf32>,
        %swap3A_125 = vector.shape_cast %swap3A_124 : vector<1x16xf32> to vector<16xf32>
        %swap3A_126 = vector.shape_cast %mul3A_119 : vector<16xf32> to vector<1x16xf32>
        tpu.vector_store %arg10[%swap3A_122, %swap3A_123], %swap3A_126 {strides = array<i32>} : memref<160x64xf32, #tpu.memory_space<vmem>>, vector<1x16xf32>,
        %add3A_127 = arith.constant 0 : i32
        %add3A_128 = arith.addi %mul3A_96, %add3A_127 : i32
        %get3A_129 = arith.index_cast %add3A_128 : i32 to index
        %get3A_130 = arith.constant 32 : index
        %get3A_131 = tpu.vector_load %arg8[%get3A_129, %get3A_130] {strides = array<i32>} : memref<160x128xf32, #tpu.memory_space<vmem>>, vector<1x16xf32>,
        %get3A_132 = vector.shape_cast %get3A_131 : vector<1x16xf32> to vector<16xf32>
        %mul3A_133 = arith.constant 8.000000e+00 : f32
        %mul3A_134 = vector.broadcast %mul3A_133 : f32 to vector<16xf32>
        %mul3A_135 = arith.mulf %get3A_132, %mul3A_134 : vector<16xf32>
        %add3A_136 = arith.constant 0 : i32
        %add3A_137 = arith.addi %mul3A_96, %add3A_136 : i32
        %swap3A_138 = arith.index_cast %add3A_137 : i32 to index
        %swap3A_139 = arith.constant 32 : index
        %swap3A_140 = tpu.vector_load %arg10[%swap3A_138, %swap3A_139] {strides = array<i32>} : memref<160x64xf32, #tpu.memory_space<vmem>>, vector<1x16xf32>,
        %swap3A_141 = vector.shape_cast %swap3A_140 : vector<1x16xf32> to vector<16xf32>
        %swap3A_142 = vector.shape_cast %mul3A_135 : vector<16xf32> to vector<1x16xf32>
        tpu.vector_store %arg10[%swap3A_138, %swap3A_139], %swap3A_142 {strides = array<i32>} : memref<160x64xf32, #tpu.memory_space<vmem>>, vector<1x16xf32>,
        %add3A_143 = arith.constant 0 : i32
        %add3A_144 = arith.addi %mul3A_96, %add3A_143 : i32
        %get3A_145 = arith.index_cast %add3A_144 : i32 to index
        %get3A_146 = arith.constant 48 : index
        %get3A_147 = tpu.vector_load %arg8[%get3A_145, %get3A_146] {strides = array<i32>} : memref<160x128xf32, #tpu.memory_space<vmem>>, vector<1x16xf32>,
        %get3A_148 = vector.shape_cast %get3A_147 : vector<1x16xf32> to vector<16xf32>
        %mul3A_149 = arith.constant 8.000000e+00 : f32
        %mul3A_150 = vector.broadcast %mul3A_149 : f32 to vector<16xf32>
        %mul3A_151 = arith.mulf %get3A_148, %mul3A_150 : vector<16xf32>
        %add3A_152 = arith.constant 0 : i32
        %add3A_153 = arith.addi %mul3A_96, %add3A_152 : i32
        %swap3A_154 = arith.index_cast %add3A_153 : i32 to index
        %swap3A_155 = arith.constant 48 : index
        %swap3A_156 = tpu.vector_load %arg10[%swap3A_154, %swap3A_155] {strides = array<i32>} : memref<160x64xf32, #tpu.memory_space<vmem>>, vector<1x16xf32>,
        %swap3A_157 = vector.shape_cast %swap3A_156 : vector<1x16xf32> to vector<16xf32>
        %swap3A_158 = vector.shape_cast %mul3A_151 : vector<16xf32> to vector<1x16xf32>
        tpu.vector_store %arg10[%swap3A_154, %swap3A_155], %swap3A_158 {strides = array<i32>} : memref<160x64xf32, #tpu.memory_space<vmem>>, vector<1x16xf32>,
        %add3A_159 = arith.constant 1 : i32
        %add3A_160 = arith.addi %mul3A_96, %add3A_159 : i32
        %get3A_161 = arith.index_cast %add3A_160 : i32 to index
        %get3A_162 = arith.constant 0 : index
        %get3A_163 = tpu.vector_load %arg8[%get3A_161, %get3A_162] {strides = array<i32>} : memref<160x128xf32, #tpu.memory_space<vmem>>, vector<1x16xf32>,
        %get3A_164 = vector.shape_cast %get3A_163 : vector<1x16xf32> to vector<16xf32>
        %mul3A_165 = arith.constant 8.000000e+00 : f32
        %mul3A_166 = vector.broadcast %mul3A_165 : f32 to vector<16xf32>
        %mul3A_167 = arith.mulf %get3A_164, %mul3A_166 : vector<16xf32>
        %add3A_168 = arith.constant 1 : i32
        %add3A_169 = arith.addi %mul3A_96, %add3A_168 : i32
        %swap3A_170 = arith.index_cast %add3A_169 : i32 to index
        %swap3A_171 = arith.constant 0 : index
        %swap3A_172 = tpu.vector_load %arg10[%swap3A_170, %swap3A_171] {strides = array<i32>} : memref<160x64xf32, #tpu.memory_space<vmem>>, vector<1x16xf32>,
        %swap3A_173 = vector.shape_cast %swap3A_172 : vector<1x16xf32> to vector<16xf32>
        %swap3A_174 = vector.shape_cast %mul3A_167 : vector<16xf32> to vector<1x16xf32>
        tpu.vector_store %arg10[%swap3A_170, %swap3A_171], %swap3A_174 {strides = array<i32>} : memref<160x64xf32, #tpu.memory_space<vmem>>, vector<1x16xf32>,
        %add3A_175 = arith.constant 1 : i32
        %add3A_176 = arith.addi %mul3A_96, %add3A_175 : i32
        %get3A_177 = arith.index_cast %add3A_176 : i32 to index
        %get3A_178 = arith.constant 16 : index
        %get3A_179 = tpu.vector_load %arg8[%get3A_177, %get3A_178] {strides = array<i32>} : memref<160x128xf32, #tpu.memory_space<vmem>>, vector<1x16xf32>,
        %get3A_180 = vector.shape_cast %get3A_179 : vector<1x16xf32> to vector<16xf32>
        %mul3A_181 = arith.constant 8.000000e+00 : f32
        %mul3A_182 = vector.broadcast %mul3A_181 : f32 to vector<16xf32>
        %mul3A_183 = arith.mulf %get3A_180, %mul3A_182 : vector<16xf32>
        %add3A_184 = arith.constant 1 : i32
        %add3A_185 = arith.addi %mul3A_96, %add3A_184 : i32
        %swap3A_186 = arith.index_cast %add3A_185 : i32 to index
        %swap3A_187 = arith.constant 16 : index
        %swap3A_188 = tpu.vector_load %arg10[%swap3A_186, %swap3A_187] {strides = array<i32>} : memref<160x64xf32, #tpu.memory_space<vmem>>, vector<1x16xf32>,
        %swap3A_189 = vector.shape_cast %swap3A_188 : vector<1x16xf32> to vector<16xf32>
        %swap3A_190 = vector.shape_cast %mul3A_183 : vector<16xf32> to vector<1x16xf32>
        tpu.vector_store %arg10[%swap3A_186, %swap3A_187], %swap3A_190 {strides = array<i32>} : memref<160x64xf32, #tpu.memory_space<vmem>>, vector<1x16xf32>,
        %add3A_191 = arith.constant 1 : i32
        %add3A_192 = arith.addi %mul3A_96, %add3A_191 : i32
        %get3A_193 = arith.index_cast %add3A_192 : i32 to index
        %get3A_194 = arith.constant 32 : index
        %get3A_195 = tpu.vector_load %arg8[%get3A_193, %get3A_194] {strides = array<i32>} : memref<160x128xf32, #tpu.memory_space<vmem>>, vector<1x16xf32>,
        %get3A_196 = vector.shape_cast %get3A_195 : vector<1x16xf32> to vector<16xf32>
        %mul3A_197 = arith.constant 8.000000e+00 : f32
        %mul3A_198 = vector.broadcast %mul3A_197 : f32 to vector<16xf32>
        %mul3A_199 = arith.mulf %get3A_196, %mul3A_198 : vector<16xf32>
        %add3A_200 = arith.constant 1 : i32
        %add3A_201 = arith.addi %mul3A_96, %add3A_200 : i32
        %swap3A_202 = arith.index_cast %add3A_201 : i32 to index
        %swap3A_203 = arith.constant 32 : index
        %swap3A_204 = tpu.vector_load %arg10[%swap3A_202, %swap3A_203] {strides = array<i32>} : memref<160x64xf32, #tpu.memory_space<vmem>>, vector<1x16xf32>,
        %swap3A_205 = vector.shape_cast %swap3A_204 : vector<1x16xf32> to vector<16xf32>
        %swap3A_206 = vector.shape_cast %mul3A_199 : vector<16xf32> to vector<1x16xf32>
        tpu.vector_store %arg10[%swap3A_202, %swap3A_203], %swap3A_206 {strides = array<i32>} : memref<160x64xf32, #tpu.memory_space<vmem>>, vector<1x16xf32>,
        %add3A_207 = arith.constant 1 : i32
        %add3A_208 = arith.addi %mul3A_96, %add3A_207 : i32
        %get3A_209 = arith.index_cast %add3A_208 : i32 to index
        %get3A_210 = arith.constant 48 : index
        %get3A_211 = tpu.vector_load %arg8[%get3A_209, %get3A_210] {strides = array<i32>} : memref<160x128xf32, #tpu.memory_space<vmem>>, vector<1x16xf32>,
        %get3A_212 = vector.shape_cast %get3A_211 : vector<1x16xf32> to vector<16xf32>
        %mul3A_213 = arith.constant 8.000000e+00 : f32
        %mul3A_214 = vector.broadcast %mul3A_213 : f32 to vector<16xf32>
        %mul3A_215 = arith.mulf %get3A_212, %mul3A_214 : vector<16xf32>
        %add3A_216 = arith.constant 1 : i32
        %add3A_217 = arith.addi %mul3A_96, %add3A_216 : i32
        %swap3A_218 = arith.index_cast %add3A_217 : i32 to index
        %swap3A_219 = arith.constant 48 : index
        %swap3A_220 = tpu.vector_load %arg10[%swap3A_218, %swap3A_219] {strides = array<i32>} : memref<160x64xf32, #tpu.memory_space<vmem>>, vector<1x16xf32>,
        %swap3A_221 = vector.shape_cast %swap3A_220 : vector<1x16xf32> to vector<16xf32>
        %swap3A_222 = vector.shape_cast %mul3A_215 : vector<16xf32> to vector<1x16xf32>
        tpu.vector_store %arg10[%swap3A_218, %swap3A_219], %swap3A_222 {strides = array<i32>} : memref<160x64xf32, #tpu.memory_space<vmem>>, vector<1x16xf32>,
        %add3A_223 = arith.constant 2 : i32
        %add3A_224 = arith.addi %mul3A_96, %add3A_223 : i32
        %get3A_225 = arith.index_cast %add3A_224 : i32 to index
        %get3A_226 = arith.constant 0 : index
        %get3A_227 = tpu.vector_load %arg8[%get3A_225, %get3A_226] {strides = array<i32>} : memref<160x128xf32, #tpu.memory_space<vmem>>, vector<1x16xf32>,
        %get3A_228 = vector.shape_cast %get3A_227 : vector<1x16xf32> to vector<16xf32>
        %mul3A_229 = arith.constant 8.000000e+00 : f32
        %mul3A_230 = vector.broadcast %mul3A_229 : f32 to vector<16xf32>
        %mul3A_231 = arith.mulf %get3A_228, %mul3A_230 : vector<16xf32>
        %add3A_232 = arith.constant 2 : i32
        %add3A_233 = arith.addi %mul3A_96, %add3A_232 : i32
        %swap3A_234 = arith.index_cast %add3A_233 : i32 to index
        %swap3A_235 = arith.constant 0 : index
        %swap3A_236 = tpu.vector_load %arg10[%swap3A_234, %swap3A_235] {strides = array<i32>} : memref<160x64xf32, #tpu.memory_space<vmem>>, vector<1x16xf32>,
        %swap3A_237 = vector.shape_cast %swap3A_236 : vector<1x16xf32> to vector<16xf32>
        %swap3A_238 = vector.shape_cast %mul3A_231 : vector<16xf32> to vector<1x16xf32>
        tpu.vector_store %arg10[%swap3A_234, %swap3A_235], %swap3A_238 {strides = array<i32>} : memref<160x64xf32, #tpu.memory_space<vmem>>, vector<1x16xf32>,
        %add3A_239 = arith.constant 2 : i32
        %add3A_240 = arith.addi %mul3A_96, %add3A_239 : i32
        %get3A_241 = arith.index_cast %add3A_240 : i32 to index
        %get3A_242 = arith.constant 16 : index
        %get3A_243 = tpu.vector_load %arg8[%get3A_241, %get3A_242] {strides = array<i32>} : memref<160x128xf32, #tpu.memory_space<vmem>>, vector<1x16xf32>,
        %get3A_244 = vector.shape_cast %get3A_243 : vector<1x16xf32> to vector<16xf32>
        %mul3A_245 = arith.constant 8.000000e+00 : f32
        %mul3A_246 = vector.broadcast %mul3A_245 : f32 to vector<16xf32>
        %mul3A_247 = arith.mulf %get3A_244, %mul3A_246 : vector<16xf32>
        %add3A_248 = arith.constant 2 : i32
        %add3A_249 = arith.addi %mul3A_96, %add3A_248 : i32
        %swap3A_250 = arith.index_cast %add3A_249 : i32 to index
        %swap3A_251 = arith.constant 16 : index
        %swap3A_252 = tpu.vector_load %arg10[%swap3A_250, %swap3A_251] {strides = array<i32>} : memref<160x64xf32, #tpu.memory_space<vmem>>, vector<1x16xf32>,
        %swap3A_253 = vector.shape_cast %swap3A_252 : vector<1x16xf32> to vector<16xf32>
        %swap3A_254 = vector.shape_cast %mul3A_247 : vector<16xf32> to vector<1x16xf32>
        tpu.vector_store %arg10[%swap3A_250, %swap3A_251], %swap3A_254 {strides = array<i32>} : memref<160x64xf32, #tpu.memory_space<vmem>>, vector<1x16xf32>,
        %add3A_255 = arith.constant 2 : i32
        %add3A_256 = arith.addi %mul3A_96, %add3A_255 : i32
        %get3A_257 = arith.index_cast %add3A_256 : i32 to index
        %get3A_258 = arith.constant 32 : index
        %get3A_259 = tpu.vector_load %arg8[%get3A_257, %get3A_258] {strides = array<i32>} : memref<160x128xf32, #tpu.memory_space<vmem>>, vector<1x16xf32>,
        %get3A_260 = vector.shape_cast %get3A_259 : vector<1x16xf32> to vector<16xf32>
        %mul3A_261 = arith.constant 8.000000e+00 : f32
        %mul3A_262 = vector.broadcast %mul3A_261 : f32 to vector<16xf32>
        %mul3A_263 = arith.mulf %get3A_260, %mul3A_262 : vector<16xf32>
        %add3A_264 = arith.constant 2 : i32
        %add3A_265 = arith.addi %mul3A_96, %add3A_264 : i32
        %swap3A_266 = arith.index_cast %add3A_265 : i32 to index
        %swap3A_267 = arith.constant 32 : index
        %swap3A_268 = tpu.vector_load %arg10[%swap3A_266, %swap3A_267] {strides = array<i32>} : memref<160x64xf32, #tpu.memory_space<vmem>>, vector<1x16xf32>,
        %swap3A_269 = vector.shape_cast %swap3A_268 : vector<1x16xf32> to vector<16xf32>
        %swap3A_270 = vector.shape_cast %mul3A_263 : vector<16xf32> to vector<1x16xf32>
        tpu.vector_store %arg10[%swap3A_266, %swap3A_267], %swap3A_270 {strides = array<i32>} : memref<160x64xf32, #tpu.memory_space<vmem>>, vector<1x16xf32>,
        %add3A_271 = arith.constant 2 : i32
        %add3A_272 = arith.addi %mul3A_96, %add3A_271 : i32
        %get3A_273 = arith.index_cast %add3A_272 : i32 to index
        %get3A_274 = arith.constant 48 : index
        %get3A_275 = tpu.vector_load %arg8[%get3A_273, %get3A_274] {strides = array<i32>} : memref<160x128xf32, #tpu.memory_space<vmem>>, vector<1x16xf32>,
        %get3A_276 = vector.shape_cast %get3A_275 : vector<1x16xf32> to vector<16xf32>
        %mul3A_277 = arith.constant 8.000000e+00 : f32
        %mul3A_278 = vector.broadcast %mul3A_277 : f32 to vector<16xf32>
        %mul3A_279 = arith.mulf %get3A_276, %mul3A_278 : vector<16xf32>
        %add3A_280 = arith.constant 2 : i32
        %add3A_281 = arith.addi %mul3A_96, %add3A_280 : i32
        %swap3A_282 = arith.index_cast %add3A_281 : i32 to index
        %swap3A_283 = arith.constant 48 : index
        %swap3A_284 = tpu.vector_load %arg10[%swap3A_282, %swap3A_283] {strides = array<i32>} : memref<160x64xf32, #tpu.memory_space<vmem>>, vector<1x16xf32>,
        %swap3A_285 = vector.shape_cast %swap3A_284 : vector<1x16xf32> to vector<16xf32>
        %swap3A_286 = vector.shape_cast %mul3A_279 : vector<16xf32> to vector<1x16xf32>
        tpu.vector_store %arg10[%swap3A_282, %swap3A_283], %swap3A_286 {strides = array<i32>} : memref<160x64xf32, #tpu.memory_space<vmem>>, vector<1x16xf32>,
        %add3A_287 = arith.constant 3 : i32
        %add3A_288 = arith.addi %mul3A_96, %add3A_287 : i32
        %get3A_289 = arith.index_cast %add3A_288 : i32 to index
        %get3A_290 = arith.constant 0 : index
        %get3A_291 = tpu.vector_load %arg8[%get3A_289, %get3A_290] {strides = array<i32>} : memref<160x128xf32, #tpu.memory_space<vmem>>, vector<1x16xf32>,
        %get3A_292 = vector.shape_cast %get3A_291 : vector<1x16xf32> to vector<16xf32>
        %mul3A_293 = arith.constant 8.000000e+00 : f32
        %mul3A_294 = vector.broadcast %mul3A_293 : f32 to vector<16xf32>
        %mul3A_295 = arith.mulf %get3A_292, %mul3A_294 : vector<16xf32>
        %add3A_296 = arith.constant 3 : i32
        %add3A_297 = arith.addi %mul3A_96, %add3A_296 : i32
        %swap3A_298 = arith.index_cast %add3A_297 : i32 to index
        %swap3A_299 = arith.constant 0 : index
        %swap3A_300 = tpu.vector_load %arg10[%swap3A_298, %swap3A_299] {strides = array<i32>} : memref<160x64xf32, #tpu.memory_space<vmem>>, vector<1x16xf32>,
        %swap3A_301 = vector.shape_cast %swap3A_300 : vector<1x16xf32> to vector<16xf32>
        %swap3A_302 = vector.shape_cast %mul3A_295 : vector<16xf32> to vector<1x16xf32>
        tpu.vector_store %arg10[%swap3A_298, %swap3A_299], %swap3A_302 {strides = array<i32>} : memref<160x64xf32, #tpu.memory_space<vmem>>, vector<1x16xf32>,
        %add3A_303 = arith.constant 3 : i32
        %add3A_304 = arith.addi %mul3A_96, %add3A_303 : i32
        %get3A_305 = arith.index_cast %add3A_304 : i32 to index
        %get3A_306 = arith.constant 16 : index
        %get3A_307 = tpu.vector_load %arg8[%get3A_305, %get3A_306] {strides = array<i32>} : memref<160x128xf32, #tpu.memory_space<vmem>>, vector<1x16xf32>,
        %get3A_308 = vector.shape_cast %get3A_307 : vector<1x16xf32> to vector<16xf32>
        %mul3A_309 = arith.constant 8.000000e+00 : f32
        %mul3A_310 = vector.broadcast %mul3A_309 : f32 to vector<16xf32>
        %mul3A_311 = arith.mulf %get3A_308, %mul3A_310 : vector<16xf32>
        %add3A_312 = arith.constant 3 : i32
        %add3A_313 = arith.addi %mul3A_96, %add3A_312 : i32
        %swap3A_314 = arith.index_cast %add3A_313 : i32 to index
        %swap3A_315 = arith.constant 16 : index
        %swap3A_316 = tpu.vector_load %arg10[%swap3A_314, %swap3A_315] {strides = array<i32>} : memref<160x64xf32, #tpu.memory_space<vmem>>, vector<1x16xf32>,
        %swap3A_317 = vector.shape_cast %swap3A_316 : vector<1x16xf32> to vector<16xf32>
        %swap3A_318 = vector.shape_cast %mul3A_311 : vector<16xf32> to vector<1x16xf32>
        tpu.vector_store %arg10[%swap3A_314, %swap3A_315], %swap3A_318 {strides = array<i32>} : memref<160x64xf32, #tpu.memory_space<vmem>>, vector<1x16xf32>,
        %add3A_319 = arith.constant 3 : i32
        %add3A_320 = arith.addi %mul3A_96, %add3A_319 : i32
        %get3A_321 = arith.index_cast %add3A_320 : i32 to index
        %get3A_322 = arith.constant 32 : index
        %get3A_323 = tpu.vector_load %arg8[%get3A_321, %get3A_322] {strides = array<i32>} : memref<160x128xf32, #tpu.memory_space<vmem>>, vector<1x16xf32>,
        %get3A_324 = vector.shape_cast %get3A_323 : vector<1x16xf32> to vector<16xf32>
        %mul3A_325 = arith.constant 8.000000e+00 : f32
        %mul3A_326 = vector.broadcast %mul3A_325 : f32 to vector<16xf32>
        %mul3A_327 = arith.mulf %get3A_324, %mul3A_326 : vector<16xf32>
        %add3A_328 = arith.constant 3 : i32
        %add3A_329 = arith.addi %mul3A_96, %add3A_328 : i32
        %swap3A_330 = arith.index_cast %add3A_329 : i32 to index
        %swap3A_331 = arith.constant 32 : index
        %swap3A_332 = tpu.vector_load %arg10[%swap3A_330, %swap3A_331] {strides = array<i32>} : memref<160x64xf32, #tpu.memory_space<vmem>>, vector<1x16xf32>,
        %swap3A_333 = vector.shape_cast %swap3A_332 : vector<1x16xf32> to vector<16xf32>
        %swap3A_334 = vector.shape_cast %mul3A_327 : vector<16xf32> to vector<1x16xf32>
        tpu.vector_store %arg10[%swap3A_330, %swap3A_331], %swap3A_334 {strides = array<i32>} : memref<160x64xf32, #tpu.memory_space<vmem>>, vector<1x16xf32>,
        %add3A_335 = arith.constant 3 : i32
        %add3A_336 = arith.addi %mul3A_96, %add3A_335 : i32
        %get3A_337 = arith.index_cast %add3A_336 : i32 to index
        %get3A_338 = arith.constant 48 : index
        %get3A_339 = tpu.vector_load %arg8[%get3A_337, %get3A_338] {strides = array<i32>} : memref<160x128xf32, #tpu.memory_space<vmem>>, vector<1x16xf32>,
        %get3A_340 = vector.shape_cast %get3A_339 : vector<1x16xf32> to vector<16xf32>
        %mul3A_341 = arith.constant 8.000000e+00 : f32
        %mul3A_342 = vector.broadcast %mul3A_341 : f32 to vector<16xf32>
        %mul3A_343 = arith.mulf %get3A_340, %mul3A_342 : vector<16xf32>
        %add3A_344 = arith.constant 3 : i32
        %add3A_345 = arith.addi %mul3A_96, %add3A_344 : i32
        %swap3A_346 = arith.index_cast %add3A_345 : i32 to index
        %swap3A_347 = arith.constant 48 : index
        %swap3A_348 = tpu.vector_load %arg10[%swap3A_346, %swap3A_347] {strides = array<i32>} : memref<160x64xf32, #tpu.memory_space<vmem>>, vector<1x16xf32>,
        %swap3A_349 = vector.shape_cast %swap3A_348 : vector<1x16xf32> to vector<16xf32>
        %swap3A_350 = vector.shape_cast %mul3A_343 : vector<16xf32> to vector<1x16xf32>
        tpu.vector_store %arg10[%swap3A_346, %swap3A_347], %swap3A_350 {strides = array<i32>} : memref<160x64xf32, #tpu.memory_space<vmem>>, vector<1x16xf32>,
        %add3A_351 = arith.constant 4 : i32
        %add3A_352 = arith.addi %mul3A_96, %add3A_351 : i32
        %get3A_353 = arith.index_cast %add3A_352 : i32 to index
        %get3A_354 = arith.constant 0 : index
        %get3A_355 = tpu.vector_load %arg8[%get3A_353, %get3A_354] {strides = array<i32>} : memref<160x128xf32, #tpu.memory_space<vmem>>, vector<1x16xf32>,
        %get3A_356 = vector.shape_cast %get3A_355 : vector<1x16xf32> to vector<16xf32>
        %mul3A_357 = arith.constant 8.000000e+00 : f32
        %mul3A_358 = vector.broadcast %mul3A_357 : f32 to vector<16xf32>
        %mul3A_359 = arith.mulf %get3A_356, %mul3A_358 : vector<16xf32>
        %add3A_360 = arith.constant 4 : i32
        %add3A_361 = arith.addi %mul3A_96, %add3A_360 : i32
        %swap3A_362 = arith.index_cast %add3A_361 : i32 to index
        %swap3A_363 = arith.constant 0 : index
        %swap3A_364 = tpu.vector_load %arg10[%swap3A_362, %swap3A_363] {strides = array<i32>} : memref<160x64xf32, #tpu.memory_space<vmem>>, vector<1x16xf32>,
        %swap3A_365 = vector.shape_cast %swap3A_364 : vector<1x16xf32> to vector<16xf32>
        %swap3A_366 = vector.shape_cast %mul3A_359 : vector<16xf32> to vector<1x16xf32>
        tpu.vector_store %arg10[%swap3A_362, %swap3A_363], %swap3A_366 {strides = array<i32>} : memref<160x64xf32, #tpu.memory_space<vmem>>, vector<1x16xf32>,
        %add3A_367 = arith.constant 4 : i32
        %add3A_368 = arith.addi %mul3A_96, %add3A_367 : i32
        %get3A_369 = arith.index_cast %add3A_368 : i32 to index
        %get3A_370 = arith.constant 16 : index
        %get3A_371 = tpu.vector_load %arg8[%get3A_369, %get3A_370] {strides = array<i32>} : memref<160x128xf32, #tpu.memory_space<vmem>>, vector<1x16xf32>,
        %get3A_372 = vector.shape_cast %get3A_371 : vector<1x16xf32> to vector<16xf32>
        %mul3A_373 = arith.constant 8.000000e+00 : f32
        %mul3A_374 = vector.broadcast %mul3A_373 : f32 to vector<16xf32>
        %mul3A_375 = arith.mulf %get3A_372, %mul3A_374 : vector<16xf32>
        %add3A_376 = arith.constant 4 : i32
        %add3A_377 = arith.addi %mul3A_96, %add3A_376 : i32
        %swap3A_378 = arith.index_cast %add3A_377 : i32 to index
        %swap3A_379 = arith.constant 16 : index
        %swap3A_380 = tpu.vector_load %arg10[%swap3A_378, %swap3A_379] {strides = array<i32>} : memref<160x64xf32, #tpu.memory_space<vmem>>, vector<1x16xf32>,
        %swap3A_381 = vector.shape_cast %swap3A_380 : vector<1x16xf32> to vector<16xf32>
        %swap3A_382 = vector.shape_cast %mul3A_375 : vector<16xf32> to vector<1x16xf32>
        tpu.vector_store %arg10[%swap3A_378, %swap3A_379], %swap3A_382 {strides = array<i32>} : memref<160x64xf32, #tpu.memory_space<vmem>>, vector<1x16xf32>,
        %add3A_383 = arith.constant 4 : i32
        %add3A_384 = arith.addi %mul3A_96, %add3A_383 : i32
        %get3A_385 = arith.index_cast %add3A_384 : i32 to index
        %get3A_386 = arith.constant 32 : index
        %get3A_387 = tpu.vector_load %arg8[%get3A_385, %get3A_386] {strides = array<i32>} : memref<160x128xf32, #tpu.memory_space<vmem>>, vector<1x16xf32>,
        %get3A_388 = vector.shape_cast %get3A_387 : vector<1x16xf32> to vector<16xf32>
        %mul3A_389 = arith.constant 8.000000e+00 : f32
        %mul3A_390 = vector.broadcast %mul3A_389 : f32 to vector<16xf32>
        %mul3A_391 = arith.mulf %get3A_388, %mul3A_390 : vector<16xf32>
        %add3A_392 = arith.constant 4 : i32
        %add3A_393 = arith.addi %mul3A_96, %add3A_392 : i32
        %swap3A_394 = arith.index_cast %add3A_393 : i32 to index
        %swap3A_395 = arith.constant 32 : index
        %swap3A_396 = tpu.vector_load %arg10[%swap3A_394, %swap3A_395] {strides = array<i32>} : memref<160x64xf32, #tpu.memory_space<vmem>>, vector<1x16xf32>,
        %swap3A_397 = vector.shape_cast %swap3A_396 : vector<1x16xf32> to vector<16xf32>
        %swap3A_398 = vector.shape_cast %mul3A_391 : vector<16xf32> to vector<1x16xf32>
        tpu.vector_store %arg10[%swap3A_394, %swap3A_395], %swap3A_398 {strides = array<i32>} : memref<160x64xf32, #tpu.memory_space<vmem>>, vector<1x16xf32>,
        %add3A_399 = arith.constant 4 : i32
        %add3A_400 = arith.addi %mul3A_96, %add3A_399 : i32
        %get3A_401 = arith.index_cast %add3A_400 : i32 to index
        %get3A_402 = arith.constant 48 : index
        %get3A_403 = tpu.vector_load %arg8[%get3A_401, %get3A_402] {strides = array<i32>} : memref<160x128xf32, #tpu.memory_space<vmem>>, vector<1x16xf32>,
        %get3A_404 = vector.shape_cast %get3A_403 : vector<1x16xf32> to vector<16xf32>
        %mul3A_405 = arith.constant 8.000000e+00 : f32
        %mul3A_406 = vector.broadcast %mul3A_405 : f32 to vector<16xf32>
        %mul3A_407 = arith.mulf %get3A_404, %mul3A_406 : vector<16xf32>
        %add3A_408 = arith.constant 4 : i32
        %add3A_409 = arith.addi %mul3A_96, %add3A_408 : i32
        %swap3A_410 = arith.index_cast %add3A_409 : i32 to index
        %swap3A_411 = arith.constant 48 : index
        %swap3A_412 = tpu.vector_load %arg10[%swap3A_410, %swap3A_411] {strides = array<i32>} : memref<160x64xf32, #tpu.memory_space<vmem>>, vector<1x16xf32>,
        %swap3A_413 = vector.shape_cast %swap3A_412 : vector<1x16xf32> to vector<16xf32>
        %swap3A_414 = vector.shape_cast %mul3A_407 : vector<16xf32> to vector<1x16xf32>
        tpu.vector_store %arg10[%swap3A_410, %swap3A_411], %swap3A_414 {strides = array<i32>} : memref<160x64xf32, #tpu.memory_space<vmem>>, vector<1x16xf32>,
        %add3A_415 = arith.constant 5 : i32
        %add3A_416 = arith.addi %mul3A_96, %add3A_415 : i32
        %get3A_417 = arith.index_cast %add3A_416 : i32 to index
        %get3A_418 = arith.constant 0 : index
        %get3A_419 = tpu.vector_load %arg8[%get3A_417, %get3A_418] {strides = array<i32>} : memref<160x128xf32, #tpu.memory_space<vmem>>, vector<1x16xf32>,
        %get3A_420 = vector.shape_cast %get3A_419 : vector<1x16xf32> to vector<16xf32>
        %mul3A_421 = arith.constant 8.000000e+00 : f32
        %mul3A_422 = vector.broadcast %mul3A_421 : f32 to vector<16xf32>
        %mul3A_423 = arith.mulf %get3A_420, %mul3A_422 : vector<16xf32>
        %add3A_424 = arith.constant 5 : i32
        %add3A_425 = arith.addi %mul3A_96, %add3A_424 : i32
        %swap3A_426 = arith.index_cast %add3A_425 : i32 to index
        %swap3A_427 = arith.constant 0 : index
        %swap3A_428 = tpu.vector_load %arg10[%swap3A_426, %swap3A_427] {strides = array<i32>} : memref<160x64xf32, #tpu.memory_space<vmem>>, vector<1x16xf32>,
        %swap3A_429 = vector.shape_cast %swap3A_428 : vector<1x16xf32> to vector<16xf32>
        %swap3A_430 = vector.shape_cast %mul3A_423 : vector<16xf32> to vector<1x16xf32>
        tpu.vector_store %arg10[%swap3A_426, %swap3A_427], %swap3A_430 {strides = array<i32>} : memref<160x64xf32, #tpu.memory_space<vmem>>, vector<1x16xf32>,
        %add3A_431 = arith.constant 5 : i32
        %add3A_432 = arith.addi %mul3A_96, %add3A_431 : i32
        %get3A_433 = arith.index_cast %add3A_432 : i32 to index
        %get3A_434 = arith.constant 16 : index
        %get3A_435 = tpu.vector_load %arg8[%get3A_433, %get3A_434] {strides = array<i32>} : memref<160x128xf32, #tpu.memory_space<vmem>>, vector<1x16xf32>,
        %get3A_436 = vector.shape_cast %get3A_435 : vector<1x16xf32> to vector<16xf32>
        %mul3A_437 = arith.constant 8.000000e+00 : f32
        %mul3A_438 = vector.broadcast %mul3A_437 : f32 to vector<16xf32>
        %mul3A_439 = arith.mulf %get3A_436, %mul3A_438 : vector<16xf32>
        %add3A_440 = arith.constant 5 : i32
        %add3A_441 = arith.addi %mul3A_96, %add3A_440 : i32
        %swap3A_442 = arith.index_cast %add3A_441 : i32 to index
        %swap3A_443 = arith.constant 16 : index
        %swap3A_444 = tpu.vector_load %arg10[%swap3A_442, %swap3A_443] {strides = array<i32>} : memref<160x64xf32, #tpu.memory_space<vmem>>, vector<1x16xf32>,
        %swap3A_445 = vector.shape_cast %swap3A_444 : vector<1x16xf32> to vector<16xf32>
        %swap3A_446 = vector.shape_cast %mul3A_439 : vector<16xf32> to vector<1x16xf32>
        tpu.vector_store %arg10[%swap3A_442, %swap3A_443], %swap3A_446 {strides = array<i32>} : memref<160x64xf32, #tpu.memory_space<vmem>>, vector<1x16xf32>,
        %add3A_447 = arith.constant 5 : i32
        %add3A_448 = arith.addi %mul3A_96, %add3A_447 : i32
        %get3A_449 = arith.index_cast %add3A_448 : i32 to index
        %get3A_450 = arith.constant 32 : index
        %get3A_451 = tpu.vector_load %arg8[%get3A_449, %get3A_450] {strides = array<i32>} : memref<160x128xf32, #tpu.memory_space<vmem>>, vector<1x16xf32>,
        %get3A_452 = vector.shape_cast %get3A_451 : vector<1x16xf32> to vector<16xf32>
        %mul3A_453 = arith.constant 8.000000e+00 : f32
        %mul3A_454 = vector.broadcast %mul3A_453 : f32 to vector<16xf32>
        %mul3A_455 = arith.mulf %get3A_452, %mul3A_454 : vector<16xf32>
        %add3A_456 = arith.constant 5 : i32
        %add3A_457 = arith.addi %mul3A_96, %add3A_456 : i32
        %swap3A_458 = arith.index_cast %add3A_457 : i32 to index
        %swap3A_459 = arith.constant 32 : index
        %swap3A_460 = tpu.vector_load %arg10[%swap3A_458, %swap3A_459] {strides = array<i32>} : memref<160x64xf32, #tpu.memory_space<vmem>>, vector<1x16xf32>,
        %swap3A_461 = vector.shape_cast %swap3A_460 : vector<1x16xf32> to vector<16xf32>
        %swap3A_462 = vector.shape_cast %mul3A_455 : vector<16xf32> to vector<1x16xf32>
        tpu.vector_store %arg10[%swap3A_458, %swap3A_459], %swap3A_462 {strides = array<i32>} : memref<160x64xf32, #tpu.memory_space<vmem>>, vector<1x16xf32>,
        %add3A_463 = arith.constant 5 : i32
        %add3A_464 = arith.addi %mul3A_96, %add3A_463 : i32
        %get3A_465 = arith.index_cast %add3A_464 : i32 to index
        %get3A_466 = arith.constant 48 : index
        %get3A_467 = tpu.vector_load %arg8[%get3A_465, %get3A_466] {strides = array<i32>} : memref<160x128xf32, #tpu.memory_space<vmem>>, vector<1x16xf32>,
        %get3A_468 = vector.shape_cast %get3A_467 : vector<1x16xf32> to vector<16xf32>
        %mul3A_469 = arith.constant 8.000000e+00 : f32
        %mul3A_470 = vector.broadcast %mul3A_469 : f32 to vector<16xf32>
        %mul3A_471 = arith.mulf %get3A_468, %mul3A_470 : vector<16xf32>
        %add3A_472 = arith.constant 5 : i32
        %add3A_473 = arith.addi %mul3A_96, %add3A_472 : i32
        %swap3A_474 = arith.index_cast %add3A_473 : i32 to index
        %swap3A_475 = arith.constant 48 : index
        %swap3A_476 = tpu.vector_load %arg10[%swap3A_474, %swap3A_475] {strides = array<i32>} : memref<160x64xf32, #tpu.memory_space<vmem>>, vector<1x16xf32>,
        %swap3A_477 = vector.shape_cast %swap3A_476 : vector<1x16xf32> to vector<16xf32>
        %swap3A_478 = vector.shape_cast %mul3A_471 : vector<16xf32> to vector<1x16xf32>
        tpu.vector_store %arg10[%swap3A_474, %swap3A_475], %swap3A_478 {strides = array<i32>} : memref<160x64xf32, #tpu.memory_space<vmem>>, vector<1x16xf32>,
        %add3A_479 = arith.constant 6 : i32
        %add3A_480 = arith.addi %mul3A_96, %add3A_479 : i32
        %get3A_481 = arith.index_cast %add3A_480 : i32 to index
        %get3A_482 = arith.constant 0 : index
        %get3A_483 = tpu.vector_load %arg8[%get3A_481, %get3A_482] {strides = array<i32>} : memref<160x128xf32, #tpu.memory_space<vmem>>, vector<1x16xf32>,
        %get3A_484 = vector.shape_cast %get3A_483 : vector<1x16xf32> to vector<16xf32>
        %mul3A_485 = arith.constant 8.000000e+00 : f32
        %mul3A_486 = vector.broadcast %mul3A_485 : f32 to vector<16xf32>
        %mul3A_487 = arith.mulf %get3A_484, %mul3A_486 : vector<16xf32>
        %add3A_488 = arith.constant 6 : i32
        %add3A_489 = arith.addi %mul3A_96, %add3A_488 : i32
        %swap3A_490 = arith.index_cast %add3A_489 : i32 to index
        %swap3A_491 = arith.constant 0 : index
        %swap3A_492 = tpu.vector_load %arg10[%swap3A_490, %swap3A_491] {strides = array<i32>} : memref<160x64xf32, #tpu.memory_space<vmem>>, vector<1x16xf32>,
        %swap3A_493 = vector.shape_cast %swap3A_492 : vector<1x16xf32> to vector<16xf32>
        %swap3A_494 = vector.shape_cast %mul3A_487 : vector<16xf32> to vector<1x16xf32>
        tpu.vector_store %arg10[%swap3A_490, %swap3A_491], %swap3A_494 {strides = array<i32>} : memref<160x64xf32, #tpu.memory_space<vmem>>, vector<1x16xf32>,
        %add3A_495 = arith.constant 6 : i32
        %add3A_496 = arith.addi %mul3A_96, %add3A_495 : i32
        %get3A_497 = arith.index_cast %add3A_496 : i32 to index
        %get3A_498 = arith.constant 16 : index
        %get3A_499 = tpu.vector_load %arg8[%get3A_497, %get3A_498] {strides = array<i32>} : memref<160x128xf32, #tpu.memory_space<vmem>>, vector<1x16xf32>,
        %get3A_500 = vector.shape_cast %get3A_499 : vector<1x16xf32> to vector<16xf32>
        %mul3A_501 = arith.constant 8.000000e+00 : f32
        %mul3A_502 = vector.broadcast %mul3A_501 : f32 to vector<16xf32>
        %mul3A_503 = arith.mulf %get3A_500, %mul3A_502 : vector<16xf32>
        %add3A_504 = arith.constant 6 : i32
        %add3A_505 = arith.addi %mul3A_96, %add3A_504 : i32
        %swap3A_506 = arith.index_cast %add3A_505 : i32 to index
        %swap3A_507 = arith.constant 16 : index
        %swap3A_508 = tpu.vector_load %arg10[%swap3A_506, %swap3A_507] {strides = array<i32>} : memref<160x64xf32, #tpu.memory_space<vmem>>, vector<1x16xf32>,
        %swap3A_509 = vector.shape_cast %swap3A_508 : vector<1x16xf32> to vector<16xf32>
        %swap3A_510 = vector.shape_cast %mul3A_503 : vector<16xf32> to vector<1x16xf32>
        tpu.vector_store %arg10[%swap3A_506, %swap3A_507], %swap3A_510 {strides = array<i32>} : memref<160x64xf32, #tpu.memory_space<vmem>>, vector<1x16xf32>,
        %add3A_511 = arith.constant 6 : i32
        %add3A_512 = arith.addi %mul3A_96, %add3A_511 : i32
        %get3A_513 = arith.index_cast %add3A_512 : i32 to index
        %get3A_514 = arith.constant 32 : index
        %get3A_515 = tpu.vector_load %arg8[%get3A_513, %get3A_514] {strides = array<i32>} : memref<160x128xf32, #tpu.memory_space<vmem>>, vector<1x16xf32>,
        %get3A_516 = vector.shape_cast %get3A_515 : vector<1x16xf32> to vector<16xf32>
        %mul3A_517 = arith.constant 8.000000e+00 : f32
        %mul3A_518 = vector.broadcast %mul3A_517 : f32 to vector<16xf32>
        %mul3A_519 = arith.mulf %get3A_516, %mul3A_518 : vector<16xf32>
        %add3A_520 = arith.constant 6 : i32
        %add3A_521 = arith.addi %mul3A_96, %add3A_520 : i32
        %swap3A_522 = arith.index_cast %add3A_521 : i32 to index
        %swap3A_523 = arith.constant 32 : index
        %swap3A_524 = tpu.vector_load %arg10[%swap3A_522, %swap3A_523] {strides = array<i32>} : memref<160x64xf32, #tpu.memory_space<vmem>>, vector<1x16xf32>,
        %swap3A_525 = vector.shape_cast %swap3A_524 : vector<1x16xf32> to vector<16xf32>
        %swap3A_526 = vector.shape_cast %mul3A_519 : vector<16xf32> to vector<1x16xf32>
        tpu.vector_store %arg10[%swap3A_522, %swap3A_523], %swap3A_526 {strides = array<i32>} : memref<160x64xf32, #tpu.memory_space<vmem>>, vector<1x16xf32>,
        %add3A_527 = arith.constant 6 : i32
        %add3A_528 = arith.addi %mul3A_96, %add3A_527 : i32
        %get3A_529 = arith.index_cast %add3A_528 : i32 to index
        %get3A_530 = arith.constant 48 : index
        %get3A_531 = tpu.vector_load %arg8[%get3A_529, %get3A_530] {strides = array<i32>} : memref<160x128xf32, #tpu.memory_space<vmem>>, vector<1x16xf32>,
        %get3A_532 = vector.shape_cast %get3A_531 : vector<1x16xf32> to vector<16xf32>
        %mul3A_533 = arith.constant 8.000000e+00 : f32
        %mul3A_534 = vector.broadcast %mul3A_533 : f32 to vector<16xf32>
        %mul3A_535 = arith.mulf %get3A_532, %mul3A_534 : vector<16xf32>
        %add3A_536 = arith.constant 6 : i32
        %add3A_537 = arith.addi %mul3A_96, %add3A_536 : i32
        %swap3A_538 = arith.index_cast %add3A_537 : i32 to index
        %swap3A_539 = arith.constant 48 : index
        %swap3A_540 = tpu.vector_load %arg10[%swap3A_538, %swap3A_539] {strides = array<i32>} : memref<160x64xf32, #tpu.memory_space<vmem>>, vector<1x16xf32>,
        %swap3A_541 = vector.shape_cast %swap3A_540 : vector<1x16xf32> to vector<16xf32>
        %swap3A_542 = vector.shape_cast %mul3A_535 : vector<16xf32> to vector<1x16xf32>
        tpu.vector_store %arg10[%swap3A_538, %swap3A_539], %swap3A_542 {strides = array<i32>} : memref<160x64xf32, #tpu.memory_space<vmem>>, vector<1x16xf32>,
        %add3A_543 = arith.constant 7 : i32
        %add3A_544 = arith.addi %mul3A_96, %add3A_543 : i32
        %get3A_545 = arith.index_cast %add3A_544 : i32 to index
        %get3A_546 = arith.constant 0 : index
        %get3A_547 = tpu.vector_load %arg8[%get3A_545, %get3A_546] {strides = array<i32>} : memref<160x128xf32, #tpu.memory_space<vmem>>, vector<1x16xf32>,
        %get3A_548 = vector.shape_cast %get3A_547 : vector<1x16xf32> to vector<16xf32>
        %mul3A_549 = arith.constant 8.000000e+00 : f32
        %mul3A_550 = vector.broadcast %mul3A_549 : f32 to vector<16xf32>
        %mul3A_551 = arith.mulf %get3A_548, %mul3A_550 : vector<16xf32>
        %add3A_552 = arith.constant 7 : i32
        %add3A_553 = arith.addi %mul3A_96, %add3A_552 : i32
        %swap3A_554 = arith.index_cast %add3A_553 : i32 to index
        %swap3A_555 = arith.constant 0 : index
        %swap3A_556 = tpu.vector_load %arg10[%swap3A_554, %swap3A_555] {strides = array<i32>} : memref<160x64xf32, #tpu.memory_space<vmem>>, vector<1x16xf32>,
        %swap3A_557 = vector.shape_cast %swap3A_556 : vector<1x16xf32> to vector<16xf32>
        %swap3A_558 = vector.shape_cast %mul3A_551 : vector<16xf32> to vector<1x16xf32>
        tpu.vector_store %arg10[%swap3A_554, %swap3A_555], %swap3A_558 {strides = array<i32>} : memref<160x64xf32, #tpu.memory_space<vmem>>, vector<1x16xf32>,
        %add3A_559 = arith.constant 7 : i32
        %add3A_560 = arith.addi %mul3A_96, %add3A_559 : i32
        %get3A_561 = arith.index_cast %add3A_560 : i32 to index
        %get3A_562 = arith.constant 16 : index
        %get3A_563 = tpu.vector_load %arg8[%get3A_561, %get3A_562] {strides = array<i32>} : memref<160x128xf32, #tpu.memory_space<vmem>>, vector<1x16xf32>,
        %get3A_564 = vector.shape_cast %get3A_563 : vector<1x16xf32> to vector<16xf32>
        %mul3A_565 = arith.constant 8.000000e+00 : f32
        %mul3A_566 = vector.broadcast %mul3A_565 : f32 to vector<16xf32>
        %mul3A_567 = arith.mulf %get3A_564, %mul3A_566 : vector<16xf32>
        %add3A_568 = arith.constant 7 : i32
        %add3A_569 = arith.addi %mul3A_96, %add3A_568 : i32
        %swap3A_570 = arith.index_cast %add3A_569 : i32 to index
        %swap3A_571 = arith.constant 16 : index
        %swap3A_572 = tpu.vector_load %arg10[%swap3A_570, %swap3A_571] {strides = array<i32>} : memref<160x64xf32, #tpu.memory_space<vmem>>, vector<1x16xf32>,
        %swap3A_573 = vector.shape_cast %swap3A_572 : vector<1x16xf32> to vector<16xf32>
        %swap3A_574 = vector.shape_cast %mul3A_567 : vector<16xf32> to vector<1x16xf32>
        tpu.vector_store %arg10[%swap3A_570, %swap3A_571], %swap3A_574 {strides = array<i32>} : memref<160x64xf32, #tpu.memory_space<vmem>>, vector<1x16xf32>,
        %add3A_575 = arith.constant 7 : i32
        %add3A_576 = arith.addi %mul3A_96, %add3A_575 : i32
        %get3A_577 = arith.index_cast %add3A_576 : i32 to index
        %get3A_578 = arith.constant 32 : index
        %get3A_579 = tpu.vector_load %arg8[%get3A_577, %get3A_578] {strides = array<i32>} : memref<160x128xf32, #tpu.memory_space<vmem>>, vector<1x16xf32>,
        %get3A_580 = vector.shape_cast %get3A_579 : vector<1x16xf32> to vector<16xf32>
        %mul3A_581 = arith.constant 8.000000e+00 : f32
        %mul3A_582 = vector.broadcast %mul3A_581 : f32 to vector<16xf32>
        %mul3A_583 = arith.mulf %get3A_580, %mul3A_582 : vector<16xf32>
        %add3A_584 = arith.constant 7 : i32
        %add3A_585 = arith.addi %mul3A_96, %add3A_584 : i32
        %swap3A_586 = arith.index_cast %add3A_585 : i32 to index
        %swap3A_587 = arith.constant 32 : index
        %swap3A_588 = tpu.vector_load %arg10[%swap3A_586, %swap3A_587] {strides = array<i32>} : memref<160x64xf32, #tpu.memory_space<vmem>>, vector<1x16xf32>,
        %swap3A_589 = vector.shape_cast %swap3A_588 : vector<1x16xf32> to vector<16xf32>
        %swap3A_590 = vector.shape_cast %mul3A_583 : vector<16xf32> to vector<1x16xf32>
        tpu.vector_store %arg10[%swap3A_586, %swap3A_587], %swap3A_590 {strides = array<i32>} : memref<160x64xf32, #tpu.memory_space<vmem>>, vector<1x16xf32>,
        %add3A_591 = arith.constant 7 : i32
        %add3A_592 = arith.addi %mul3A_96, %add3A_591 : i32
        %get3A_593 = arith.index_cast %add3A_592 : i32 to index
        %get3A_594 = arith.constant 48 : index
        %get3A_595 = tpu.vector_load %arg8[%get3A_593, %get3A_594] {strides = array<i32>} : memref<160x128xf32, #tpu.memory_space<vmem>>, vector<1x16xf32>,
        %get3A_596 = vector.shape_cast %get3A_595 : vector<1x16xf32> to vector<16xf32>
        %mul3A_597 = arith.constant 8.000000e+00 : f32
        %mul3A_598 = vector.broadcast %mul3A_597 : f32 to vector<16xf32>
        %mul3A_599 = arith.mulf %get3A_596, %mul3A_598 : vector<16xf32>
        %add3A_600 = arith.constant 7 : i32
        %add3A_601 = arith.addi %mul3A_96, %add3A_600 : i32
        %swap3A_602 = arith.index_cast %add3A_601 : i32 to index
        %swap3A_603 = arith.constant 48 : index
        %swap3A_604 = tpu.vector_load %arg10[%swap3A_602, %swap3A_603] {strides = array<i32>} : memref<160x64xf32, #tpu.memory_space<vmem>>, vector<1x16xf32>,
        %swap3A_605 = vector.shape_cast %swap3A_604 : vector<1x16xf32> to vector<16xf32>
        %swap3A_606 = vector.shape_cast %mul3A_599 : vector<16xf32> to vector<1x16xf32>
        tpu.vector_store %arg10[%swap3A_602, %swap3A_603], %swap3A_606 {strides = array<i32>} : memref<160x64xf32, #tpu.memory_space<vmem>>, vector<1x16xf32>,
        %add3A_607 = arith.constant 8 : i32
        %add3A_608 = arith.addi %mul3A_96, %add3A_607 : i32
        %get3A_609 = arith.index_cast %add3A_608 : i32 to index
        %get3A_610 = arith.constant 0 : index
        %get3A_611 = tpu.vector_load %arg8[%get3A_609, %get3A_610] {strides = array<i32>} : memref<160x128xf32, #tpu.memory_space<vmem>>, vector<1x16xf32>,
        %get3A_612 = vector.shape_cast %get3A_611 : vector<1x16xf32> to vector<16xf32>
        %mul3A_613 = arith.constant 8.000000e+00 : f32
        %mul3A_614 = vector.broadcast %mul3A_613 : f32 to vector<16xf32>
        %mul3A_615 = arith.mulf %get3A_612, %mul3A_614 : vector<16xf32>
        %add3A_616 = arith.constant 8 : i32
        %add3A_617 = arith.addi %mul3A_96, %add3A_616 : i32
        %swap3A_618 = arith.index_cast %add3A_617 : i32 to index
        %swap3A_619 = arith.constant 0 : index
        %swap3A_620 = tpu.vector_load %arg10[%swap3A_618, %swap3A_619] {strides = array<i32>} : memref<160x64xf32, #tpu.memory_space<vmem>>, vector<1x16xf32>,
        %swap3A_621 = vector.shape_cast %swap3A_620 : vector<1x16xf32> to vector<16xf32>
        %swap3A_622 = vector.shape_cast %mul3A_615 : vector<16xf32> to vector<1x16xf32>
        tpu.vector_store %arg10[%swap3A_618, %swap3A_619], %swap3A_622 {strides = array<i32>} : memref<160x64xf32, #tpu.memory_space<vmem>>, vector<1x16xf32>,
        %add3A_623 = arith.constant 8 : i32
        %add3A_624 = arith.addi %mul3A_96, %add3A_623 : i32
        %get3A_625 = arith.index_cast %add3A_624 : i32 to index
        %get3A_626 = arith.constant 16 : index
        %get3A_627 = tpu.vector_load %arg8[%get3A_625, %get3A_626] {strides = array<i32>} : memref<160x128xf32, #tpu.memory_space<vmem>>, vector<1x16xf32>,
        %get3A_628 = vector.shape_cast %get3A_627 : vector<1x16xf32> to vector<16xf32>
        %mul3A_629 = arith.constant 8.000000e+00 : f32
        %mul3A_630 = vector.broadcast %mul3A_629 : f32 to vector<16xf32>
        %mul3A_631 = arith.mulf %get3A_628, %mul3A_630 : vector<16xf32>
        %add3A_632 = arith.constant 8 : i32
        %add3A_633 = arith.addi %mul3A_96, %add3A_632 : i32
        %swap3A_634 = arith.index_cast %add3A_633 : i32 to index
        %swap3A_635 = arith.constant 16 : index
        %swap3A_636 = tpu.vector_load %arg10[%swap3A_634, %swap3A_635] {strides = array<i32>} : memref<160x64xf32, #tpu.memory_space<vmem>>, vector<1x16xf32>,
        %swap3A_637 = vector.shape_cast %swap3A_636 : vector<1x16xf32> to vector<16xf32>
        %swap3A_638 = vector.shape_cast %mul3A_631 : vector<16xf32> to vector<1x16xf32>
        tpu.vector_store %arg10[%swap3A_634, %swap3A_635], %swap3A_638 {strides = array<i32>} : memref<160x64xf32, #tpu.memory_space<vmem>>, vector<1x16xf32>,
        %add3A_639 = arith.constant 8 : i32
        %add3A_640 = arith.addi %mul3A_96, %add3A_639 : i32
        %get3A_641 = arith.index_cast %add3A_640 : i32 to index
        %get3A_642 = arith.constant 32 : index
        %get3A_643 = tpu.vector_load %arg8[%get3A_641, %get3A_642] {strides = array<i32>} : memref<160x128xf32, #tpu.memory_space<vmem>>, vector<1x16xf32>,
        %get3A_644 = vector.shape_cast %get3A_643 : vector<1x16xf32> to vector<16xf32>
        %mul3A_645 = arith.constant 8.000000e+00 : f32
        %mul3A_646 = vector.broadcast %mul3A_645 : f32 to vector<16xf32>
        %mul3A_647 = arith.mulf %get3A_644, %mul3A_646 : vector<16xf32>
        %add3A_648 = arith.constant 8 : i32
        %add3A_649 = arith.addi %mul3A_96, %add3A_648 : i32
        %swap3A_650 = arith.index_cast %add3A_649 : i32 to index
        %swap3A_651 = arith.constant 32 : index
        %swap3A_652 = tpu.vector_load %arg10[%swap3A_650, %swap3A_651] {strides = array<i32>} : memref<160x64xf32, #tpu.memory_space<vmem>>, vector<1x16xf32>,
        %swap3A_653 = vector.shape_cast %swap3A_652 : vector<1x16xf32> to vector<16xf32>
        %swap3A_654 = vector.shape_cast %mul3A_647 : vector<16xf32> to vector<1x16xf32>
        tpu.vector_store %arg10[%swap3A_650, %swap3A_651], %swap3A_654 {strides = array<i32>} : memref<160x64xf32, #tpu.memory_space<vmem>>, vector<1x16xf32>,
        %add3A_655 = arith.constant 8 : i32
        %add3A_656 = arith.addi %mul3A_96, %add3A_655 : i32
        %get3A_657 = arith.index_cast %add3A_656 : i32 to index
        %get3A_658 = arith.constant 48 : index
        %get3A_659 = tpu.vector_load %arg8[%get3A_657, %get3A_658] {strides = array<i32>} : memref<160x128xf32, #tpu.memory_space<vmem>>, vector<1x16xf32>,
        %get3A_660 = vector.shape_cast %get3A_659 : vector<1x16xf32> to vector<16xf32>
        %mul3A_661 = arith.constant 8.000000e+00 : f32
        %mul3A_662 = vector.broadcast %mul3A_661 : f32 to vector<16xf32>
        %mul3A_663 = arith.mulf %get3A_660, %mul3A_662 : vector<16xf32>
        %add3A_664 = arith.constant 8 : i32
        %add3A_665 = arith.addi %mul3A_96, %add3A_664 : i32
        %swap3A_666 = arith.index_cast %add3A_665 : i32 to index
        %swap3A_667 = arith.constant 48 : index
        %swap3A_668 = tpu.vector_load %arg10[%swap3A_666, %swap3A_667] {strides = array<i32>} : memref<160x64xf32, #tpu.memory_space<vmem>>, vector<1x16xf32>,
        %swap3A_669 = vector.shape_cast %swap3A_668 : vector<1x16xf32> to vector<16xf32>
        %swap3A_670 = vector.shape_cast %mul3A_663 : vector<16xf32> to vector<1x16xf32>
        tpu.vector_store %arg10[%swap3A_666, %swap3A_667], %swap3A_670 {strides = array<i32>} : memref<160x64xf32, #tpu.memory_space<vmem>>, vector<1x16xf32>,
        %add3A_671 = arith.constant 9 : i32
        %add3A_672 = arith.addi %mul3A_96, %add3A_671 : i32
        %get3A_673 = arith.index_cast %add3A_672 : i32 to index
        %get3A_674 = arith.constant 0 : index
        %get3A_675 = tpu.vector_load %arg8[%get3A_673, %get3A_674] {strides = array<i32>} : memref<160x128xf32, #tpu.memory_space<vmem>>, vector<1x16xf32>,
        %get3A_676 = vector.shape_cast %get3A_675 : vector<1x16xf32> to vector<16xf32>
        %mul3A_677 = arith.constant 8.000000e+00 : f32
        %mul3A_678 = vector.broadcast %mul3A_677 : f32 to vector<16xf32>
        %mul3A_679 = arith.mulf %get3A_676, %mul3A_678 : vector<16xf32>
        %add3A_680 = arith.constant 9 : i32
        %add3A_681 = arith.addi %mul3A_96, %add3A_680 : i32
        %swap3A_682 = arith.index_cast %add3A_681 : i32 to index
        %swap3A_683 = arith.constant 0 : index
        %swap3A_684 = tpu.vector_load %arg10[%swap3A_682, %swap3A_683] {strides = array<i32>} : memref<160x64xf32, #tpu.memory_space<vmem>>, vector<1x16xf32>,
        %swap3A_685 = vector.shape_cast %swap3A_684 : vector<1x16xf32> to vector<16xf32>
        %swap3A_686 = vector.shape_cast %mul3A_679 : vector<16xf32> to vector<1x16xf32>
        tpu.vector_store %arg10[%swap3A_682, %swap3A_683], %swap3A_686 {strides = array<i32>} : memref<160x64xf32, #tpu.memory_space<vmem>>, vector<1x16xf32>,
        %add3A_687 = arith.constant 9 : i32
        %add3A_688 = arith.addi %mul3A_96, %add3A_687 : i32
        %get3A_689 = arith.index_cast %add3A_688 : i32 to index
        %get3A_690 = arith.constant 16 : index
        %get3A_691 = tpu.vector_load %arg8[%get3A_689, %get3A_690] {strides = array<i32>} : memref<160x128xf32, #tpu.memory_space<vmem>>, vector<1x16xf32>,
        %get3A_692 = vector.shape_cast %get3A_691 : vector<1x16xf32> to vector<16xf32>
        %mul3A_693 = arith.constant 8.000000e+00 : f32
        %mul3A_694 = vector.broadcast %mul3A_693 : f32 to vector<16xf32>
        %mul3A_695 = arith.mulf %get3A_692, %mul3A_694 : vector<16xf32>
        %add3A_696 = arith.constant 9 : i32
        %add3A_697 = arith.addi %mul3A_96, %add3A_696 : i32
        %swap3A_698 = arith.index_cast %add3A_697 : i32 to index
        %swap3A_699 = arith.constant 16 : index
        %swap3A_700 = tpu.vector_load %arg10[%swap3A_698, %swap3A_699] {strides = array<i32>} : memref<160x64xf32, #tpu.memory_space<vmem>>, vector<1x16xf32>,
        %swap3A_701 = vector.shape_cast %swap3A_700 : vector<1x16xf32> to vector<16xf32>
        %swap3A_702 = vector.shape_cast %mul3A_695 : vector<16xf32> to vector<1x16xf32>
        tpu.vector_store %arg10[%swap3A_698, %swap3A_699], %swap3A_702 {strides = array<i32>} : memref<160x64xf32, #tpu.memory_space<vmem>>, vector<1x16xf32>,
        %add3A_703 = arith.constant 9 : i32
        %add3A_704 = arith.addi %mul3A_96, %add3A_703 : i32
        %get3A_705 = arith.index_cast %add3A_704 : i32 to index
        %get3A_706 = arith.constant 32 : index
        %get3A_707 = tpu.vector_load %arg8[%get3A_705, %get3A_706] {strides = array<i32>} : memref<160x128xf32, #tpu.memory_space<vmem>>, vector<1x16xf32>,
        %get3A_708 = vector.shape_cast %get3A_707 : vector<1x16xf32> to vector<16xf32>
        %mul3A_709 = arith.constant 8.000000e+00 : f32
        %mul3A_710 = vector.broadcast %mul3A_709 : f32 to vector<16xf32>
        %mul3A_711 = arith.mulf %get3A_708, %mul3A_710 : vector<16xf32>
        %add3A_712 = arith.constant 9 : i32
        %add3A_713 = arith.addi %mul3A_96, %add3A_712 : i32
        %swap3A_714 = arith.index_cast %add3A_713 : i32 to index
        %swap3A_715 = arith.constant 32 : index
        %swap3A_716 = tpu.vector_load %arg10[%swap3A_714, %swap3A_715] {strides = array<i32>} : memref<160x64xf32, #tpu.memory_space<vmem>>, vector<1x16xf32>,
        %swap3A_717 = vector.shape_cast %swap3A_716 : vector<1x16xf32> to vector<16xf32>
        %swap3A_718 = vector.shape_cast %mul3A_711 : vector<16xf32> to vector<1x16xf32>
        tpu.vector_store %arg10[%swap3A_714, %swap3A_715], %swap3A_718 {strides = array<i32>} : memref<160x64xf32, #tpu.memory_space<vmem>>, vector<1x16xf32>,
        %add3A_719 = arith.constant 9 : i32
        %add3A_720 = arith.addi %mul3A_96, %add3A_719 : i32
        %get3A_721 = arith.index_cast %add3A_720 : i32 to index
        %get3A_722 = arith.constant 48 : index
        %get3A_723 = tpu.vector_load %arg8[%get3A_721, %get3A_722] {strides = array<i32>} : memref<160x128xf32, #tpu.memory_space<vmem>>, vector<1x16xf32>,
        %get3A_724 = vector.shape_cast %get3A_723 : vector<1x16xf32> to vector<16xf32>
        %mul3A_725 = arith.constant 8.000000e+00 : f32
        %mul3A_726 = vector.broadcast %mul3A_725 : f32 to vector<16xf32>
        %mul3A_727 = arith.mulf %get3A_724, %mul3A_726 : vector<16xf32>
        %add3A_728 = arith.constant 9 : i32
        %add3A_729 = arith.addi %mul3A_96, %add3A_728 : i32
        %swap3A_730 = arith.index_cast %add3A_729 : i32 to index
        %swap3A_731 = arith.constant 48 : index
        %swap3A_732 = tpu.vector_load %arg10[%swap3A_730, %swap3A_731] {strides = array<i32>} : memref<160x64xf32, #tpu.memory_space<vmem>>, vector<1x16xf32>,
        %swap3A_733 = vector.shape_cast %swap3A_732 : vector<1x16xf32> to vector<16xf32>
        %swap3A_734 = vector.shape_cast %mul3A_727 : vector<16xf32> to vector<1x16xf32>
        tpu.vector_store %arg10[%swap3A_730, %swap3A_731], %swap3A_734 {strides = array<i32>} : memref<160x64xf32, #tpu.memory_space<vmem>>, vector<1x16xf32>,
        %add3A_735 = arith.constant 10 : i32
        %add3A_736 = arith.addi %mul3A_96, %add3A_735 : i32
        %get3A_737 = arith.index_cast %add3A_736 : i32 to index
        %get3A_738 = arith.constant 0 : index
        %get3A_739 = tpu.vector_load %arg8[%get3A_737, %get3A_738] {strides = array<i32>} : memref<160x128xf32, #tpu.memory_space<vmem>>, vector<1x16xf32>,
        %get3A_740 = vector.shape_cast %get3A_739 : vector<1x16xf32> to vector<16xf32>
        %mul3A_741 = arith.constant 8.000000e+00 : f32
        %mul3A_742 = vector.broadcast %mul3A_741 : f32 to vector<16xf32>
        %mul3A_743 = arith.mulf %get3A_740, %mul3A_742 : vector<16xf32>
        %add3A_744 = arith.constant 10 : i32
        %add3A_745 = arith.addi %mul3A_96, %add3A_744 : i32
        %swap3A_746 = arith.index_cast %add3A_745 : i32 to index
        %swap3A_747 = arith.constant 0 : index
        %swap3A_748 = tpu.vector_load %arg10[%swap3A_746, %swap3A_747] {strides = array<i32>} : memref<160x64xf32, #tpu.memory_space<vmem>>, vector<1x16xf32>,
        %swap3A_749 = vector.shape_cast %swap3A_748 : vector<1x16xf32> to vector<16xf32>
        %swap3A_750 = vector.shape_cast %mul3A_743 : vector<16xf32> to vector<1x16xf32>
        tpu.vector_store %arg10[%swap3A_746, %swap3A_747], %swap3A_750 {strides = array<i32>} : memref<160x64xf32, #tpu.memory_space<vmem>>, vector<1x16xf32>,
        %add3A_751 = arith.constant 10 : i32
        %add3A_752 = arith.addi %mul3A_96, %add3A_751 : i32
        %get3A_753 = arith.index_cast %add3A_752 : i32 to index
        %get3A_754 = arith.constant 16 : index
        %get3A_755 = tpu.vector_load %arg8[%get3A_753, %get3A_754] {strides = array<i32>} : memref<160x128xf32, #tpu.memory_space<vmem>>, vector<1x16xf32>,
        %get3A_756 = vector.shape_cast %get3A_755 : vector<1x16xf32> to vector<16xf32>
        %mul3A_757 = arith.constant 8.000000e+00 : f32
        %mul3A_758 = vector.broadcast %mul3A_757 : f32 to vector<16xf32>
        %mul3A_759 = arith.mulf %get3A_756, %mul3A_758 : vector<16xf32>
        %add3A_760 = arith.constant 10 : i32
        %add3A_761 = arith.addi %mul3A_96, %add3A_760 : i32
        %swap3A_762 = arith.index_cast %add3A_761 : i32 to index
        %swap3A_763 = arith.constant 16 : index
        %swap3A_764 = tpu.vector_load %arg10[%swap3A_762, %swap3A_763] {strides = array<i32>} : memref<160x64xf32, #tpu.memory_space<vmem>>, vector<1x16xf32>,
        %swap3A_765 = vector.shape_cast %swap3A_764 : vector<1x16xf32> to vector<16xf32>
        %swap3A_766 = vector.shape_cast %mul3A_759 : vector<16xf32> to vector<1x16xf32>
        tpu.vector_store %arg10[%swap3A_762, %swap3A_763], %swap3A_766 {strides = array<i32>} : memref<160x64xf32, #tpu.memory_space<vmem>>, vector<1x16xf32>,
        %add3A_767 = arith.constant 10 : i32
        %add3A_768 = arith.addi %mul3A_96, %add3A_767 : i32
        %get3A_769 = arith.index_cast %add3A_768 : i32 to index
        %get3A_770 = arith.constant 32 : index
        %get3A_771 = tpu.vector_load %arg8[%get3A_769, %get3A_770] {strides = array<i32>} : memref<160x128xf32, #tpu.memory_space<vmem>>, vector<1x16xf32>,
        %get3A_772 = vector.shape_cast %get3A_771 : vector<1x16xf32> to vector<16xf32>
        %mul3A_773 = arith.constant 8.000000e+00 : f32
        %mul3A_774 = vector.broadcast %mul3A_773 : f32 to vector<16xf32>
        %mul3A_775 = arith.mulf %get3A_772, %mul3A_774 : vector<16xf32>
        %add3A_776 = arith.constant 10 : i32
        %add3A_777 = arith.addi %mul3A_96, %add3A_776 : i32
        %swap3A_778 = arith.index_cast %add3A_777 : i32 to index
        %swap3A_779 = arith.constant 32 : index
        %swap3A_780 = tpu.vector_load %arg10[%swap3A_778, %swap3A_779] {strides = array<i32>} : memref<160x64xf32, #tpu.memory_space<vmem>>, vector<1x16xf32>,
        %swap3A_781 = vector.shape_cast %swap3A_780 : vector<1x16xf32> to vector<16xf32>
        %swap3A_782 = vector.shape_cast %mul3A_775 : vector<16xf32> to vector<1x16xf32>
        tpu.vector_store %arg10[%swap3A_778, %swap3A_779], %swap3A_782 {strides = array<i32>} : memref<160x64xf32, #tpu.memory_space<vmem>>, vector<1x16xf32>,
        %add3A_783 = arith.constant 10 : i32
        %add3A_784 = arith.addi %mul3A_96, %add3A_783 : i32
        %get3A_785 = arith.index_cast %add3A_784 : i32 to index
        %get3A_786 = arith.constant 48 : index
        %get3A_787 = tpu.vector_load %arg8[%get3A_785, %get3A_786] {strides = array<i32>} : memref<160x128xf32, #tpu.memory_space<vmem>>, vector<1x16xf32>,
        %get3A_788 = vector.shape_cast %get3A_787 : vector<1x16xf32> to vector<16xf32>
        %mul3A_789 = arith.constant 8.000000e+00 : f32
        %mul3A_790 = vector.broadcast %mul3A_789 : f32 to vector<16xf32>
        %mul3A_791 = arith.mulf %get3A_788, %mul3A_790 : vector<16xf32>
        %add3A_792 = arith.constant 10 : i32
        %add3A_793 = arith.addi %mul3A_96, %add3A_792 : i32
        %swap3A_794 = arith.index_cast %add3A_793 : i32 to index
        %swap3A_795 = arith.constant 48 : index
        %swap3A_796 = tpu.vector_load %arg10[%swap3A_794, %swap3A_795] {strides = array<i32>} : memref<160x64xf32, #tpu.memory_space<vmem>>, vector<1x16xf32>,
        %swap3A_797 = vector.shape_cast %swap3A_796 : vector<1x16xf32> to vector<16xf32>
        %swap3A_798 = vector.shape_cast %mul3A_791 : vector<16xf32> to vector<1x16xf32>
        tpu.vector_store %arg10[%swap3A_794, %swap3A_795], %swap3A_798 {strides = array<i32>} : memref<160x64xf32, #tpu.memory_space<vmem>>, vector<1x16xf32>,
        %add3A_799 = arith.constant 11 : i32
        %add3A_800 = arith.addi %mul3A_96, %add3A_799 : i32
        %get3A_801 = arith.index_cast %add3A_800 : i32 to index
        %get3A_802 = arith.constant 0 : index
        %get3A_803 = tpu.vector_load %arg8[%get3A_801, %get3A_802] {strides = array<i32>} : memref<160x128xf32, #tpu.memory_space<vmem>>, vector<1x16xf32>,
        %get3A_804 = vector.shape_cast %get3A_803 : vector<1x16xf32> to vector<16xf32>
        %mul3A_805 = arith.constant 8.000000e+00 : f32
        %mul3A_806 = vector.broadcast %mul3A_805 : f32 to vector<16xf32>
        %mul3A_807 = arith.mulf %get3A_804, %mul3A_806 : vector<16xf32>
        %add3A_808 = arith.constant 11 : i32
        %add3A_809 = arith.addi %mul3A_96, %add3A_808 : i32
        %swap3A_810 = arith.index_cast %add3A_809 : i32 to index
        %swap3A_811 = arith.constant 0 : index
        %swap3A_812 = tpu.vector_load %arg10[%swap3A_810, %swap3A_811] {strides = array<i32>} : memref<160x64xf32, #tpu.memory_space<vmem>>, vector<1x16xf32>,
        %swap3A_813 = vector.shape_cast %swap3A_812 : vector<1x16xf32> to vector<16xf32>
        %swap3A_814 = vector.shape_cast %mul3A_807 : vector<16xf32> to vector<1x16xf32>
        tpu.vector_store %arg10[%swap3A_810, %swap3A_811], %swap3A_814 {strides = array<i32>} : memref<160x64xf32, #tpu.memory_space<vmem>>, vector<1x16xf32>,
        %add3A_815 = arith.constant 11 : i32
        %add3A_816 = arith.addi %mul3A_96, %add3A_815 : i32
        %get3A_817 = arith.index_cast %add3A_816 : i32 to index
        %get3A_818 = arith.constant 16 : index
        %get3A_819 = tpu.vector_load %arg8[%get3A_817, %get3A_818] {strides = array<i32>} : memref<160x128xf32, #tpu.memory_space<vmem>>, vector<1x16xf32>,
        %get3A_820 = vector.shape_cast %get3A_819 : vector<1x16xf32> to vector<16xf32>
        %mul3A_821 = arith.constant 8.000000e+00 : f32
        %mul3A_822 = vector.broadcast %mul3A_821 : f32 to vector<16xf32>
        %mul3A_823 = arith.mulf %get3A_820, %mul3A_822 : vector<16xf32>
        %add3A_824 = arith.constant 11 : i32
        %add3A_825 = arith.addi %mul3A_96, %add3A_824 : i32
        %swap3A_826 = arith.index_cast %add3A_825 : i32 to index
        %swap3A_827 = arith.constant 16 : index
        %swap3A_828 = tpu.vector_load %arg10[%swap3A_826, %swap3A_827] {strides = array<i32>} : memref<160x64xf32, #tpu.memory_space<vmem>>, vector<1x16xf32>,
        %swap3A_829 = vector.shape_cast %swap3A_828 : vector<1x16xf32> to vector<16xf32>
        %swap3A_830 = vector.shape_cast %mul3A_823 : vector<16xf32> to vector<1x16xf32>
        tpu.vector_store %arg10[%swap3A_826, %swap3A_827], %swap3A_830 {strides = array<i32>} : memref<160x64xf32, #tpu.memory_space<vmem>>, vector<1x16xf32>,
        %add3A_831 = arith.constant 11 : i32
        %add3A_832 = arith.addi %mul3A_96, %add3A_831 : i32
        %get3A_833 = arith.index_cast %add3A_832 : i32 to index
        %get3A_834 = arith.constant 32 : index
        %get3A_835 = tpu.vector_load %arg8[%get3A_833, %get3A_834] {strides = array<i32>} : memref<160x128xf32, #tpu.memory_space<vmem>>, vector<1x16xf32>,
        %get3A_836 = vector.shape_cast %get3A_835 : vector<1x16xf32> to vector<16xf32>
        %mul3A_837 = arith.constant 8.000000e+00 : f32
        %mul3A_838 = vector.broadcast %mul3A_837 : f32 to vector<16xf32>
        %mul3A_839 = arith.mulf %get3A_836, %mul3A_838 : vector<16xf32>
        %add3A_840 = arith.constant 11 : i32
        %add3A_841 = arith.addi %mul3A_96, %add3A_840 : i32
        %swap3A_842 = arith.index_cast %add3A_841 : i32 to index
        %swap3A_843 = arith.constant 32 : index
        %swap3A_844 = tpu.vector_load %arg10[%swap3A_842, %swap3A_843] {strides = array<i32>} : memref<160x64xf32, #tpu.memory_space<vmem>>, vector<1x16xf32>,
        %swap3A_845 = vector.shape_cast %swap3A_844 : vector<1x16xf32> to vector<16xf32>
        %swap3A_846 = vector.shape_cast %mul3A_839 : vector<16xf32> to vector<1x16xf32>
        tpu.vector_store %arg10[%swap3A_842, %swap3A_843], %swap3A_846 {strides = array<i32>} : memref<160x64xf32, #tpu.memory_space<vmem>>, vector<1x16xf32>,
        %add3A_847 = arith.constant 11 : i32
        %add3A_848 = arith.addi %mul3A_96, %add3A_847 : i32
        %get3A_849 = arith.index_cast %add3A_848 : i32 to index
        %get3A_850 = arith.constant 48 : index
        %get3A_851 = tpu.vector_load %arg8[%get3A_849, %get3A_850] {strides = array<i32>} : memref<160x128xf32, #tpu.memory_space<vmem>>, vector<1x16xf32>,
        %get3A_852 = vector.shape_cast %get3A_851 : vector<1x16xf32> to vector<16xf32>
        %mul3A_853 = arith.constant 8.000000e+00 : f32
        %mul3A_854 = vector.broadcast %mul3A_853 : f32 to vector<16xf32>
        %mul3A_855 = arith.mulf %get3A_852, %mul3A_854 : vector<16xf32>
        %add3A_856 = arith.constant 11 : i32
        %add3A_857 = arith.addi %mul3A_96, %add3A_856 : i32
        %swap3A_858 = arith.index_cast %add3A_857 : i32 to index
        %swap3A_859 = arith.constant 48 : index
        %swap3A_860 = tpu.vector_load %arg10[%swap3A_858, %swap3A_859] {strides = array<i32>} : memref<160x64xf32, #tpu.memory_space<vmem>>, vector<1x16xf32>,
        %swap3A_861 = vector.shape_cast %swap3A_860 : vector<1x16xf32> to vector<16xf32>
        %swap3A_862 = vector.shape_cast %mul3A_855 : vector<16xf32> to vector<1x16xf32>
        tpu.vector_store %arg10[%swap3A_858, %swap3A_859], %swap3A_862 {strides = array<i32>} : memref<160x64xf32, #tpu.memory_space<vmem>>, vector<1x16xf32>,
        %add3A_863 = arith.constant 12 : i32
        %add3A_864 = arith.addi %mul3A_96, %add3A_863 : i32
        %get3A_865 = arith.index_cast %add3A_864 : i32 to index
        %get3A_866 = arith.constant 0 : index
        %get3A_867 = tpu.vector_load %arg8[%get3A_865, %get3A_866] {strides = array<i32>} : memref<160x128xf32, #tpu.memory_space<vmem>>, vector<1x16xf32>,
        %get3A_868 = vector.shape_cast %get3A_867 : vector<1x16xf32> to vector<16xf32>
        %mul3A_869 = arith.constant 8.000000e+00 : f32
        %mul3A_870 = vector.broadcast %mul3A_869 : f32 to vector<16xf32>
        %mul3A_871 = arith.mulf %get3A_868, %mul3A_870 : vector<16xf32>
        %add3A_872 = arith.constant 12 : i32
        %add3A_873 = arith.addi %mul3A_96, %add3A_872 : i32
        %swap3A_874 = arith.index_cast %add3A_873 : i32 to index
        %swap3A_875 = arith.constant 0 : index
        %swap3A_876 = tpu.vector_load %arg10[%swap3A_874, %swap3A_875] {strides = array<i32>} : memref<160x64xf32, #tpu.memory_space<vmem>>, vector<1x16xf32>,
        %swap3A_877 = vector.shape_cast %swap3A_876 : vector<1x16xf32> to vector<16xf32>
        %swap3A_878 = vector.shape_cast %mul3A_871 : vector<16xf32> to vector<1x16xf32>
        tpu.vector_store %arg10[%swap3A_874, %swap3A_875], %swap3A_878 {strides = array<i32>} : memref<160x64xf32, #tpu.memory_space<vmem>>, vector<1x16xf32>,
        %add3A_879 = arith.constant 12 : i32
        %add3A_880 = arith.addi %mul3A_96, %add3A_879 : i32
        %get3A_881 = arith.index_cast %add3A_880 : i32 to index
        %get3A_882 = arith.constant 16 : index
        %get3A_883 = tpu.vector_load %arg8[%get3A_881, %get3A_882] {strides = array<i32>} : memref<160x128xf32, #tpu.memory_space<vmem>>, vector<1x16xf32>,
        %get3A_884 = vector.shape_cast %get3A_883 : vector<1x16xf32> to vector<16xf32>
        %mul3A_885 = arith.constant 8.000000e+00 : f32
        %mul3A_886 = vector.broadcast %mul3A_885 : f32 to vector<16xf32>
        %mul3A_887 = arith.mulf %get3A_884, %mul3A_886 : vector<16xf32>
        %add3A_888 = arith.constant 12 : i32
        %add3A_889 = arith.addi %mul3A_96, %add3A_888 : i32
        %swap3A_890 = arith.index_cast %add3A_889 : i32 to index
        %swap3A_891 = arith.constant 16 : index
        %swap3A_892 = tpu.vector_load %arg10[%swap3A_890, %swap3A_891] {strides = array<i32>} : memref<160x64xf32, #tpu.memory_space<vmem>>, vector<1x16xf32>,
        %swap3A_893 = vector.shape_cast %swap3A_892 : vector<1x16xf32> to vector<16xf32>
        %swap3A_894 = vector.shape_cast %mul3A_887 : vector<16xf32> to vector<1x16xf32>
        tpu.vector_store %arg10[%swap3A_890, %swap3A_891], %swap3A_894 {strides = array<i32>} : memref<160x64xf32, #tpu.memory_space<vmem>>, vector<1x16xf32>,
        %add3A_895 = arith.constant 12 : i32
        %add3A_896 = arith.addi %mul3A_96, %add3A_895 : i32
        %get3A_897 = arith.index_cast %add3A_896 : i32 to index
        %get3A_898 = arith.constant 32 : index
        %get3A_899 = tpu.vector_load %arg8[%get3A_897, %get3A_898] {strides = array<i32>} : memref<160x128xf32, #tpu.memory_space<vmem>>, vector<1x16xf32>,
        %get3A_900 = vector.shape_cast %get3A_899 : vector<1x16xf32> to vector<16xf32>
        %mul3A_901 = arith.constant 8.000000e+00 : f32
        %mul3A_902 = vector.broadcast %mul3A_901 : f32 to vector<16xf32>
        %mul3A_903 = arith.mulf %get3A_900, %mul3A_902 : vector<16xf32>
        %add3A_904 = arith.constant 12 : i32
        %add3A_905 = arith.addi %mul3A_96, %add3A_904 : i32
        %swap3A_906 = arith.index_cast %add3A_905 : i32 to index
        %swap3A_907 = arith.constant 32 : index
        %swap3A_908 = tpu.vector_load %arg10[%swap3A_906, %swap3A_907] {strides = array<i32>} : memref<160x64xf32, #tpu.memory_space<vmem>>, vector<1x16xf32>,
        %swap3A_909 = vector.shape_cast %swap3A_908 : vector<1x16xf32> to vector<16xf32>
        %swap3A_910 = vector.shape_cast %mul3A_903 : vector<16xf32> to vector<1x16xf32>
        tpu.vector_store %arg10[%swap3A_906, %swap3A_907], %swap3A_910 {strides = array<i32>} : memref<160x64xf32, #tpu.memory_space<vmem>>, vector<1x16xf32>,
        %add3A_911 = arith.constant 12 : i32
        %add3A_912 = arith.addi %mul3A_96, %add3A_911 : i32
        %get3A_913 = arith.index_cast %add3A_912 : i32 to index
        %get3A_914 = arith.constant 48 : index
        %get3A_915 = tpu.vector_load %arg8[%get3A_913, %get3A_914] {strides = array<i32>} : memref<160x128xf32, #tpu.memory_space<vmem>>, vector<1x16xf32>,
        %get3A_916 = vector.shape_cast %get3A_915 : vector<1x16xf32> to vector<16xf32>
        %mul3A_917 = arith.constant 8.000000e+00 : f32
        %mul3A_918 = vector.broadcast %mul3A_917 : f32 to vector<16xf32>
        %mul3A_919 = arith.mulf %get3A_916, %mul3A_918 : vector<16xf32>
        %add3A_920 = arith.constant 12 : i32
        %add3A_921 = arith.addi %mul3A_96, %add3A_920 : i32
        %swap3A_922 = arith.index_cast %add3A_921 : i32 to index
        %swap3A_923 = arith.constant 48 : index
        %swap3A_924 = tpu.vector_load %arg10[%swap3A_922, %swap3A_923] {strides = array<i32>} : memref<160x64xf32, #tpu.memory_space<vmem>>, vector<1x16xf32>,
        %swap3A_925 = vector.shape_cast %swap3A_924 : vector<1x16xf32> to vector<16xf32>
        %swap3A_926 = vector.shape_cast %mul3A_919 : vector<16xf32> to vector<1x16xf32>
        tpu.vector_store %arg10[%swap3A_922, %swap3A_923], %swap3A_926 {strides = array<i32>} : memref<160x64xf32, #tpu.memory_space<vmem>>, vector<1x16xf32>,
        %add3A_927 = arith.constant 13 : i32
        %add3A_928 = arith.addi %mul3A_96, %add3A_927 : i32
        %get3A_929 = arith.index_cast %add3A_928 : i32 to index
        %get3A_930 = arith.constant 0 : index
        %get3A_931 = tpu.vector_load %arg8[%get3A_929, %get3A_930] {strides = array<i32>} : memref<160x128xf32, #tpu.memory_space<vmem>>, vector<1x16xf32>,
        %get3A_932 = vector.shape_cast %get3A_931 : vector<1x16xf32> to vector<16xf32>
        %mul3A_933 = arith.constant 8.000000e+00 : f32
        %mul3A_934 = vector.broadcast %mul3A_933 : f32 to vector<16xf32>
        %mul3A_935 = arith.mulf %get3A_932, %mul3A_934 : vector<16xf32>
        %add3A_936 = arith.constant 13 : i32
        %add3A_937 = arith.addi %mul3A_96, %add3A_936 : i32
        %swap3A_938 = arith.index_cast %add3A_937 : i32 to index
        %swap3A_939 = arith.constant 0 : index
        %swap3A_940 = tpu.vector_load %arg10[%swap3A_938, %swap3A_939] {strides = array<i32>} : memref<160x64xf32, #tpu.memory_space<vmem>>, vector<1x16xf32>,
        %swap3A_941 = vector.shape_cast %swap3A_940 : vector<1x16xf32> to vector<16xf32>
        %swap3A_942 = vector.shape_cast %mul3A_935 : vector<16xf32> to vector<1x16xf32>
        tpu.vector_store %arg10[%swap3A_938, %swap3A_939], %swap3A_942 {strides = array<i32>} : memref<160x64xf32, #tpu.memory_space<vmem>>, vector<1x16xf32>,
        %add3A_943 = arith.constant 13 : i32
        %add3A_944 = arith.addi %mul3A_96, %add3A_943 : i32
        %get3A_945 = arith.index_cast %add3A_944 : i32 to index
        %get3A_946 = arith.constant 16 : index
        %get3A_947 = tpu.vector_load %arg8[%get3A_945, %get3A_946] {strides = array<i32>} : memref<160x128xf32, #tpu.memory_space<vmem>>, vector<1x16xf32>,
        %get3A_948 = vector.shape_cast %get3A_947 : vector<1x16xf32> to vector<16xf32>
        %mul3A_949 = arith.constant 8.000000e+00 : f32
        %mul3A_950 = vector.broadcast %mul3A_949 : f32 to vector<16xf32>
        %mul3A_951 = arith.mulf %get3A_948, %mul3A_950 : vector<16xf32>
        %add3A_952 = arith.constant 13 : i32
        %add3A_953 = arith.addi %mul3A_96, %add3A_952 : i32
        %swap3A_954 = arith.index_cast %add3A_953 : i32 to index
        %swap3A_955 = arith.constant 16 : index
        %swap3A_956 = tpu.vector_load %arg10[%swap3A_954, %swap3A_955] {strides = array<i32>} : memref<160x64xf32, #tpu.memory_space<vmem>>, vector<1x16xf32>,
        %swap3A_957 = vector.shape_cast %swap3A_956 : vector<1x16xf32> to vector<16xf32>
        %swap3A_958 = vector.shape_cast %mul3A_951 : vector<16xf32> to vector<1x16xf32>
        tpu.vector_store %arg10[%swap3A_954, %swap3A_955], %swap3A_958 {strides = array<i32>} : memref<160x64xf32, #tpu.memory_space<vmem>>, vector<1x16xf32>,
        %add3A_959 = arith.constant 13 : i32
        %add3A_960 = arith.addi %mul3A_96, %add3A_959 : i32
        %get3A_961 = arith.index_cast %add3A_960 : i32 to index
        %get3A_962 = arith.constant 32 : index
        %get3A_963 = tpu.vector_load %arg8[%get3A_961, %get3A_962] {strides = array<i32>} : memref<160x128xf32, #tpu.memory_space<vmem>>, vector<1x16xf32>,
        %get3A_964 = vector.shape_cast %get3A_963 : vector<1x16xf32> to vector<16xf32>
        %mul3A_965 = arith.constant 8.000000e+00 : f32
        %mul3A_966 = vector.broadcast %mul3A_965 : f32 to vector<16xf32>
        %mul3A_967 = arith.mulf %get3A_964, %mul3A_966 : vector<16xf32>
        %add3A_968 = arith.constant 13 : i32
        %add3A_969 = arith.addi %mul3A_96, %add3A_968 : i32
        %swap3A_970 = arith.index_cast %add3A_969 : i32 to index
        %swap3A_971 = arith.constant 32 : index
        %swap3A_972 = tpu.vector_load %arg10[%swap3A_970, %swap3A_971] {strides = array<i32>} : memref<160x64xf32, #tpu.memory_space<vmem>>, vector<1x16xf32>,
        %swap3A_973 = vector.shape_cast %swap3A_972 : vector<1x16xf32> to vector<16xf32>
        %swap3A_974 = vector.shape_cast %mul3A_967 : vector<16xf32> to vector<1x16xf32>
        tpu.vector_store %arg10[%swap3A_970, %swap3A_971], %swap3A_974 {strides = array<i32>} : memref<160x64xf32, #tpu.memory_space<vmem>>, vector<1x16xf32>,
        %add3A_975 = arith.constant 13 : i32
        %add3A_976 = arith.addi %mul3A_96, %add3A_975 : i32
        %get3A_977 = arith.index_cast %add3A_976 : i32 to index
        %get3A_978 = arith.constant 48 : index
        %get3A_979 = tpu.vector_load %arg8[%get3A_977, %get3A_978] {strides = array<i32>} : memref<160x128xf32, #tpu.memory_space<vmem>>, vector<1x16xf32>,
        %get3A_980 = vector.shape_cast %get3A_979 : vector<1x16xf32> to vector<16xf32>
        %mul3A_981 = arith.constant 8.000000e+00 : f32
        %mul3A_982 = vector.broadcast %mul3A_981 : f32 to vector<16xf32>
        %mul3A_983 = arith.mulf %get3A_980, %mul3A_982 : vector<16xf32>
        %add3A_984 = arith.constant 13 : i32
        %add3A_985 = arith.addi %mul3A_96, %add3A_984 : i32
        %swap3A_986 = arith.index_cast %add3A_985 : i32 to index
        %swap3A_987 = arith.constant 48 : index
        %swap3A_988 = tpu.vector_load %arg10[%swap3A_986, %swap3A_987] {strides = array<i32>} : memref<160x64xf32, #tpu.memory_space<vmem>>, vector<1x16xf32>,
        %swap3A_989 = vector.shape_cast %swap3A_988 : vector<1x16xf32> to vector<16xf32>
        %swap3A_990 = vector.shape_cast %mul3A_983 : vector<16xf32> to vector<1x16xf32>
        tpu.vector_store %arg10[%swap3A_986, %swap3A_987], %swap3A_990 {strides = array<i32>} : memref<160x64xf32, #tpu.memory_space<vmem>>, vector<1x16xf32>,
        %add3A_991 = arith.constant 14 : i32
        %add3A_992 = arith.addi %mul3A_96, %add3A_991 : i32
        %get3A_993 = arith.index_cast %add3A_992 : i32 to index
        %get3A_994 = arith.constant 0 : index
        %get3A_995 = tpu.vector_load %arg8[%get3A_993, %get3A_994] {strides = array<i32>} : memref<160x128xf32, #tpu.memory_space<vmem>>, vector<1x16xf32>,
        %get3A_996 = vector.shape_cast %get3A_995 : vector<1x16xf32> to vector<16xf32>
        %mul3A_997 = arith.constant 8.000000e+00 : f32
        %mul3A_998 = vector.broadcast %mul3A_997 : f32 to vector<16xf32>
        %mul3A_999 = arith.mulf %get3A_996, %mul3A_998 : vector<16xf32>
        %add3A_1000 = arith.constant 14 : i32
        %add3A_1001 = arith.addi %mul3A_96, %add3A_1000 : i32
        %swap3A_1002 = arith.index_cast %add3A_1001 : i32 to index
        %swap3A_1003 = arith.constant 0 : index
        %swap3A_1004 = tpu.vector_load %arg10[%swap3A_1002, %swap3A_1003] {strides = array<i32>} : memref<160x64xf32, #tpu.memory_space<vmem>>, vector<1x16xf32>,
        %swap3A_1005 = vector.shape_cast %swap3A_1004 : vector<1x16xf32> to vector<16xf32>
        %swap3A_1006 = vector.shape_cast %mul3A_999 : vector<16xf32> to vector<1x16xf32>
        tpu.vector_store %arg10[%swap3A_1002, %swap3A_1003], %swap3A_1006 {strides = array<i32>} : memref<160x64xf32, #tpu.memory_space<vmem>>, vector<1x16xf32>,
        %add3A_1007 = arith.constant 14 : i32
        %add3A_1008 = arith.addi %mul3A_96, %add3A_1007 : i32
        %get3A_1009 = arith.index_cast %add3A_1008 : i32 to index
        %get3A_1010 = arith.constant 16 : index
        %get3A_1011 = tpu.vector_load %arg8[%get3A_1009, %get3A_1010] {strides = array<i32>} : memref<160x128xf32, #tpu.memory_space<vmem>>, vector<1x16xf32>,
        %get3A_1012 = vector.shape_cast %get3A_1011 : vector<1x16xf32> to vector<16xf32>
        %mul3A_1013 = arith.constant 8.000000e+00 : f32
        %mul3A_1014 = vector.broadcast %mul3A_1013 : f32 to vector<16xf32>
        %mul3A_1015 = arith.mulf %get3A_1012, %mul3A_1014 : vector<16xf32>
        %add3A_1016 = arith.constant 14 : i32
        %add3A_1017 = arith.addi %mul3A_96, %add3A_1016 : i32
        %swap3A_1018 = arith.index_cast %add3A_1017 : i32 to index
        %swap3A_1019 = arith.constant 16 : index
        %swap3A_1020 = tpu.vector_load %arg10[%swap3A_1018, %swap3A_1019] {strides = array<i32>} : memref<160x64xf32, #tpu.memory_space<vmem>>, vector<1x16xf32>,
        %swap3A_1021 = vector.shape_cast %swap3A_1020 : vector<1x16xf32> to vector<16xf32>
        %swap3A_1022 = vector.shape_cast %mul3A_1015 : vector<16xf32> to vector<1x16xf32>
        tpu.vector_store %arg10[%swap3A_1018, %swap3A_1019], %swap3A_1022 {strides = array<i32>} : memref<160x64xf32, #tpu.memory_space<vmem>>, vector<1x16xf32>,
        %add3A_1023 = arith.constant 14 : i32
        %add3A_1024 = arith.addi %mul3A_96, %add3A_1023 : i32
        %get3A_1025 = arith.index_cast %add3A_1024 : i32 to index
        %get3A_1026 = arith.constant 32 : index
        %get3A_1027 = tpu.vector_load %arg8[%get3A_1025, %get3A_1026] {strides = array<i32>} : memref<160x128xf32, #tpu.memory_space<vmem>>, vector<1x16xf32>,
        %get3A_1028 = vector.shape_cast %get3A_1027 : vector<1x16xf32> to vector<16xf32>
        %mul3A_1029 = arith.constant 8.000000e+00 : f32
        %mul3A_1030 = vector.broadcast %mul3A_1029 : f32 to vector<16xf32>
        %mul3A_1031 = arith.mulf %get3A_1028, %mul3A_1030 : vector<16xf32>
        %add3A_1032 = arith.constant 14 : i32
        %add3A_1033 = arith.addi %mul3A_96, %add3A_1032 : i32
        %swap3A_1034 = arith.index_cast %add3A_1033 : i32 to index
        %swap3A_1035 = arith.constant 32 : index
        %swap3A_1036 = tpu.vector_load %arg10[%swap3A_1034, %swap3A_1035] {strides = array<i32>} : memref<160x64xf32, #tpu.memory_space<vmem>>, vector<1x16xf32>,
        %swap3A_1037 = vector.shape_cast %swap3A_1036 : vector<1x16xf32> to vector<16xf32>
        %swap3A_1038 = vector.shape_cast %mul3A_1031 : vector<16xf32> to vector<1x16xf32>
        tpu.vector_store %arg10[%swap3A_1034, %swap3A_1035], %swap3A_1038 {strides = array<i32>} : memref<160x64xf32, #tpu.memory_space<vmem>>, vector<1x16xf32>,
        %add3A_1039 = arith.constant 14 : i32
        %add3A_1040 = arith.addi %mul3A_96, %add3A_1039 : i32
        %get3A_1041 = arith.index_cast %add3A_1040 : i32 to index
        %get3A_1042 = arith.constant 48 : index
        %get3A_1043 = tpu.vector_load %arg8[%get3A_1041, %get3A_1042] {strides = array<i32>} : memref<160x128xf32, #tpu.memory_space<vmem>>, vector<1x16xf32>,
        %get3A_1044 = vector.shape_cast %get3A_1043 : vector<1x16xf32> to vector<16xf32>
        %mul3A_1045 = arith.constant 8.000000e+00 : f32
        %mul3A_1046 = vector.broadcast %mul3A_1045 : f32 to vector<16xf32>
        %mul3A_1047 = arith.mulf %get3A_1044, %mul3A_1046 : vector<16xf32>
        %add3A_1048 = arith.constant 14 : i32
        %add3A_1049 = arith.addi %mul3A_96, %add3A_1048 : i32
        %swap3A_1050 = arith.index_cast %add3A_1049 : i32 to index
        %swap3A_1051 = arith.constant 48 : index
        %swap3A_1052 = tpu.vector_load %arg10[%swap3A_1050, %swap3A_1051] {strides = array<i32>} : memref<160x64xf32, #tpu.memory_space<vmem>>, vector<1x16xf32>,
        %swap3A_1053 = vector.shape_cast %swap3A_1052 : vector<1x16xf32> to vector<16xf32>
        %swap3A_1054 = vector.shape_cast %mul3A_1047 : vector<16xf32> to vector<1x16xf32>
        tpu.vector_store %arg10[%swap3A_1050, %swap3A_1051], %swap3A_1054 {strides = array<i32>} : memref<160x64xf32, #tpu.memory_space<vmem>>, vector<1x16xf32>,
        %add3A_1055 = arith.constant 15 : i32
        %add3A_1056 = arith.addi %mul3A_96, %add3A_1055 : i32
        %get3A_1057 = arith.index_cast %add3A_1056 : i32 to index
        %get3A_1058 = arith.constant 0 : index
        %get3A_1059 = tpu.vector_load %arg8[%get3A_1057, %get3A_1058] {strides = array<i32>} : memref<160x128xf32, #tpu.memory_space<vmem>>, vector<1x16xf32>,
        %get3A_1060 = vector.shape_cast %get3A_1059 : vector<1x16xf32> to vector<16xf32>
        %mul3A_1061 = arith.constant 8.000000e+00 : f32
        %mul3A_1062 = vector.broadcast %mul3A_1061 : f32 to vector<16xf32>
        %mul3A_1063 = arith.mulf %get3A_1060, %mul3A_1062 : vector<16xf32>
        %add3A_1064 = arith.constant 15 : i32
        %add3A_1065 = arith.addi %mul3A_96, %add3A_1064 : i32
        %swap3A_1066 = arith.index_cast %add3A_1065 : i32 to index
        %swap3A_1067 = arith.constant 0 : index
        %swap3A_1068 = tpu.vector_load %arg10[%swap3A_1066, %swap3A_1067] {strides = array<i32>} : memref<160x64xf32, #tpu.memory_space<vmem>>, vector<1x16xf32>,
        %swap3A_1069 = vector.shape_cast %swap3A_1068 : vector<1x16xf32> to vector<16xf32>
        %swap3A_1070 = vector.shape_cast %mul3A_1063 : vector<16xf32> to vector<1x16xf32>
        tpu.vector_store %arg10[%swap3A_1066, %swap3A_1067], %swap3A_1070 {strides = array<i32>} : memref<160x64xf32, #tpu.memory_space<vmem>>, vector<1x16xf32>,
        %add3A_1071 = arith.constant 15 : i32
        %add3A_1072 = arith.addi %mul3A_96, %add3A_1071 : i32
        %get3A_1073 = arith.index_cast %add3A_1072 : i32 to index
        %get3A_1074 = arith.constant 16 : index
        %get3A_1075 = tpu.vector_load %arg8[%get3A_1073, %get3A_1074] {strides = array<i32>} : memref<160x128xf32, #tpu.memory_space<vmem>>, vector<1x16xf32>,
        %get3A_1076 = vector.shape_cast %get3A_1075 : vector<1x16xf32> to vector<16xf32>
        %mul3A_1077 = arith.constant 8.000000e+00 : f32
        %mul3A_1078 = vector.broadcast %mul3A_1077 : f32 to vector<16xf32>
        %mul3A_1079 = arith.mulf %get3A_1076, %mul3A_1078 : vector<16xf32>
        %add3A_1080 = arith.constant 15 : i32
        %add3A_1081 = arith.addi %mul3A_96, %add3A_1080 : i32
        %swap3A_1082 = arith.index_cast %add3A_1081 : i32 to index
        %swap3A_1083 = arith.constant 16 : index
        %swap3A_1084 = tpu.vector_load %arg10[%swap3A_1082, %swap3A_1083] {strides = array<i32>} : memref<160x64xf32, #tpu.memory_space<vmem>>, vector<1x16xf32>,
        %swap3A_1085 = vector.shape_cast %swap3A_1084 : vector<1x16xf32> to vector<16xf32>
        %swap3A_1086 = vector.shape_cast %mul3A_1079 : vector<16xf32> to vector<1x16xf32>
        tpu.vector_store %arg10[%swap3A_1082, %swap3A_1083], %swap3A_1086 {strides = array<i32>} : memref<160x64xf32, #tpu.memory_space<vmem>>, vector<1x16xf32>,
        %add3A_1087 = arith.constant 15 : i32
        %add3A_1088 = arith.addi %mul3A_96, %add3A_1087 : i32
        %get3A_1089 = arith.index_cast %add3A_1088 : i32 to index
        %get3A_1090 = arith.constant 32 : index
        %get3A_1091 = tpu.vector_load %arg8[%get3A_1089, %get3A_1090] {strides = array<i32>} : memref<160x128xf32, #tpu.memory_space<vmem>>, vector<1x16xf32>,
        %get3A_1092 = vector.shape_cast %get3A_1091 : vector<1x16xf32> to vector<16xf32>
        %mul3A_1093 = arith.constant 8.000000e+00 : f32
        %mul3A_1094 = vector.broadcast %mul3A_1093 : f32 to vector<16xf32>
        %mul3A_1095 = arith.mulf %get3A_1092, %mul3A_1094 : vector<16xf32>
        %add3A_1096 = arith.constant 15 : i32
        %add3A_1097 = arith.addi %mul3A_96, %add3A_1096 : i32
        %swap3A_1098 = arith.index_cast %add3A_1097 : i32 to index
        %swap3A_1099 = arith.constant 32 : index
        %swap3A_1100 = tpu.vector_load %arg10[%swap3A_1098, %swap3A_1099] {strides = array<i32>} : memref<160x64xf32, #tpu.memory_space<vmem>>, vector<1x16xf32>,
        %swap3A_1101 = vector.shape_cast %swap3A_1100 : vector<1x16xf32> to vector<16xf32>
        %swap3A_1102 = vector.shape_cast %mul3A_1095 : vector<16xf32> to vector<1x16xf32>
        tpu.vector_store %arg10[%swap3A_1098, %swap3A_1099], %swap3A_1102 {strides = array<i32>} : memref<160x64xf32, #tpu.memory_space<vmem>>, vector<1x16xf32>,
        %add3A_1103 = arith.constant 15 : i32
        %add3A_1104 = arith.addi %mul3A_96, %add3A_1103 : i32
        %get3A_1105 = arith.index_cast %add3A_1104 : i32 to index
        %get3A_1106 = arith.constant 48 : index
        %get3A_1107 = tpu.vector_load %arg8[%get3A_1105, %get3A_1106] {strides = array<i32>} : memref<160x128xf32, #tpu.memory_space<vmem>>, vector<1x16xf32>,
        %get3A_1108 = vector.shape_cast %get3A_1107 : vector<1x16xf32> to vector<16xf32>
        %mul3A_1109 = arith.constant 8.000000e+00 : f32
        %mul3A_1110 = vector.broadcast %mul3A_1109 : f32 to vector<16xf32>
        %mul3A_1111 = arith.mulf %get3A_1108, %mul3A_1110 : vector<16xf32>
        %add3A_1112 = arith.constant 15 : i32
        %add3A_1113 = arith.addi %mul3A_96, %add3A_1112 : i32
        %swap3A_1114 = arith.index_cast %add3A_1113 : i32 to index
        %swap3A_1115 = arith.constant 48 : index
        %swap3A_1116 = tpu.vector_load %arg10[%swap3A_1114, %swap3A_1115] {strides = array<i32>} : memref<160x64xf32, #tpu.memory_space<vmem>>, vector<1x16xf32>,
        %swap3A_1117 = vector.shape_cast %swap3A_1116 : vector<1x16xf32> to vector<16xf32>
        %swap3A_1118 = vector.shape_cast %mul3A_1111 : vector<16xf32> to vector<1x16xf32>
        tpu.vector_store %arg10[%swap3A_1114, %swap3A_1115], %swap3A_1118 {strides = array<i32>} : memref<160x64xf32, #tpu.memory_space<vmem>>, vector<1x16xf32>,
      }
      %scan3A_78 = arith.constant 10 : i32
      %dma_start3A_79 = arith.constant 0 : i32
      %dma_start3A_80 = tpu.memref_slice %arg4[%add3A_65, %dma_start3A_79] : memref<819200x64xf32, #tpu.memory_space<hbm>> -> memref<160x64xf32, #tpu.memory_space<hbm>>
      %dma_start3A_81 = arith.constant 0 : i32
      %dma_start3A_82 = tpu.memref_slice %arg4[%add3A_65, %dma_start3A_81] : memref<819200x64xf32, #tpu.memory_space<hbm>> -> memref<160x64xf32, #tpu.memory_space<hbm>>
      tpu.enqueue_dma source(%arg10 : memref<160x64xf32, #tpu.memory_space<vmem>>) target(%dma_start3A_82 : memref<160x64xf32, #tpu.memory_space<hbm>>) target_semaphore(%arg14 : memref<!tpu.dma_semaphore, #tpu.memory_space<semaphore_mem>>)
      %add3A_83 = arith.constant 2 : i32
      %add3A_84 = arith.addi %add3A_62, %add3A_83 : i32
      %lt3A_85 = arith.constant 160 : i32
      %lt3A_86 = arith.cmpi slt, %add3A_84, %lt3A_85 : i32
      %convert_element_type3A_87 = arith.extui %lt3A_86 : i1 to i32
      %cond3A_88 = arith.constant 0 : i32
      %cond3A_89 = arith.cmpi ne, %convert_element_type3A_87, %cond3A_88 : i32
      scf.if %cond3A_89 {
        %add3A_90 = arith.constant 2 : i32
        %add3A_91 = arith.addi %add3A_62, %add3A_90 : i32
        %mul3A_92 = arith.constant 160 : i32
        %mul3A_93 = arith.muli %add3A_91, %mul3A_92 : i32
        %add3A_94 = arith.addi %mul3A_2, %mul3A_93 : i32
        "tpu.region"() ({
          %run_scoped3A = tpu.sem_alloc : memref<!tpu.dma_semaphore, #tpu.memory_space<semaphore_mem>>
          %dma_start3A_98 = tpu.memref_slice %arg2[%add3A_94] : memref<819200xi32, #tpu.memory_space<hbm>> -> memref<160xi32, #tpu.memory_space<hbm>>
          %dma_start3A_99 = tpu.memref_slice %arg2[%add3A_94] : memref<819200xi32, #tpu.memory_space<hbm>> -> memref<160xi32, #tpu.memory_space<hbm>>
          tpu.enqueue_dma source(%dma_start3A_99 : memref<160xi32, #tpu.memory_space<hbm>>) target(%arg6 : memref<160xi32, #tpu.memory_space<vmem>>) target_semaphore(%run_scoped3A : memref<!tpu.dma_semaphore, #tpu.memory_space<semaphore_mem>>)
          %dma_wait3A_100 = tpu.memref_slice %arg2[%add3A_94] : memref<819200xi32, #tpu.memory_space<hbm>> -> memref<160xi32, #tpu.memory_space<hbm>>
          %dma_wait3A_101 = tpu.memref_slice %arg2[%add3A_94] : memref<819200xi32, #tpu.memory_space<hbm>> -> memref<160xi32, #tpu.memory_space<hbm>>
          tpu.wait_dma2 semaphore(%run_scoped3A : memref<!tpu.dma_semaphore, #tpu.memory_space<semaphore_mem>>) src(%dma_wait3A_101 : memref<160xi32, #tpu.memory_space<hbm>>) dst(%arg6 : memref<160xi32, #tpu.memory_space<vmem>>)
          tpu.yield
        }) : () -> ()
        %dma_start3A_95 = arith.constant 0 : i32
        %dma_start3A_96 = arith.constant 0 : i32
        %dma_start3A_97 = tpu.memref_slice %arg3[%dma_start3A_95, %dma_start3A_96] : memref<1000000x128xf32, #tpu.memory_space<hbm>> -> memref<1000000x128xf32, #tpu.memory_space<hbm>>
        tpu.enqueue_indirect_dma source(%dma_start3A_97 : memref<1000000x128xf32, #tpu.memory_space<hbm>>) target(%arg8 : memref<160x128xf32, #tpu.memory_space<vmem>>) offsets(%arg6 : memref<160xi32, #tpu.memory_space<vmem>>) semaphore(%arg12 : memref<!tpu.dma_semaphore, #tpu.memory_space<semaphore_mem>>)
      } else {
      }
    }
    %scan3A_15 = arith.constant 80 : i32
    %add3A_16 = arith.constant 25280 : i32
    %add3A_17 = arith.addi %mul3A_2, %add3A_16 : i32
    %dma_wait3A = arith.constant 0 : i32
    %dma_wait3A_18 = tpu.memref_slice %arg4[%add3A_17, %dma_wait3A] : memref<819200x64xf32, #tpu.memory_space<hbm>> -> memref<160x64xf32, #tpu.memory_space<hbm>>
    %dma_wait3A_19 = arith.constant 0 : i32
    %dma_wait3A_20 = tpu.memref_slice %arg4[%add3A_17, %dma_wait3A_19] : memref<819200x64xf32, #tpu.memory_space<hbm>> -> memref<160x64xf32, #tpu.memory_space<hbm>>
    tpu.wait_dma2 semaphore(%arg13 : memref<!tpu.dma_semaphore, #tpu.memory_space<semaphore_mem>>) src(%arg9 : memref<160x64xf32, #tpu.memory_space<vmem>>) dst(%dma_wait3A_20 : memref<160x64xf32, #tpu.memory_space<hbm>>)
    %add3A_21 = arith.constant 25440 : i32
    %add3A_22 = arith.addi %mul3A_2, %add3A_21 : i32
    %dma_wait3A_23 = arith.constant 0 : i32
    %dma_wait3A_24 = tpu.memref_slice %arg4[%add3A_22, %dma_wait3A_23] : memref<819200x64xf32, #tpu.memory_space<hbm>> -> memref<160x64xf32, #tpu.memory_space<hbm>>
    %dma_wait3A_25 = arith.constant 0 : i32
    %dma_wait3A_26 = tpu.memref_slice %arg4[%add3A_22, %dma_wait3A_25] : memref<819200x64xf32, #tpu.memory_space<hbm>> -> memref<160x64xf32, #tpu.memory_space<hbm>>
    tpu.wait_dma2 semaphore(%arg14 : memref<!tpu.dma_semaphore, #tpu.memory_space<semaphore_mem>>) src(%arg10 : memref<160x64xf32, #tpu.memory_space<vmem>>) dst(%dma_wait3A_26 : memref<160x64xf32, #tpu.memory_space<hbm>>)
    return
  }
}

</mosaic_0001>

<sc_bundles>
// kernel: kernel.3.cloned.1.call-start
scs
__scs_entry_jumppad:
0x0: {  	(pc) =	sbr.rel $0x88, $3  }
0x1: {  	(tag) =	ssettag $0x0;
	lr =	simm.s32 $0x1  }
0x2: {  	[smem:$0x3F9F] =	sst lr;
	_ =	strace $0xD0000000  }
0x3: {  	_ = 	snop  }
0x4: {  	_ = 	snop  }
0x5: {  	_ = 	snop  }
0x6: {  	_ = 	snop  }
0x7: {  	_ = 	snop  }
__scs_overlays_trampoline_lowered:
0x8: {  	[smem:$0x3FAE] =	sst s0  }
0x9: {  	[smem:$0x3FAF] =	sst s1  }
0xa: {  	[smem:$0x3FB0] =	sst s2  }
0xb: {  	[smem:$0x3FB1] =	sst s3  }
0xc: {  	[smem:$0x3FB2] =	sst s4  }
0xd: {  	[smem:$0x3FB3] =	sst s5  }
0xe: {  	[smem:$0x3FB4] =	sst s6  }
0xf: {  	[smem:$0x3FB5] =	sst s7  }
0x10: {  	[smem:$0x3FB6] =	sst s8  }
0x11: {  	[smem:$0x3FB7] =	sst s9;
	s0 =	simm.s32 @!p0 $0x0  }
0x12: {  	s1 =	sld [smem:$0x3F9D];
	s0 =	simm.s32 @p0 $0x1  }
0x13: {  	[smem:$0x3FB8] =	sst s0;
	s0 =	simm.s32 @!p1 $0x0  }
0x14: {  	s2 =	sld [smem:$0x3F9C];
	s0 =	simm.s32 @p1 $0x1  }
0x15: {  	[smem:$0x3FB9] =	sst s0;
	s0 =	simm.s32 @!p2 $0x0  }
0x16: {  	s3 =	sld [smem:$0x3FDB];
	s0 =	simm.s32 @p2 $0x1  }
0x17: {  	s4 =	simm.s32 $0x1BF5;
	[smem:$0x3FBB] =	sst s0  }
0x18: {  	s0 =	sld [smem:$0x3F9E];
	_ =	swait.ge [sflag:s4], $0x0  }
0x19: {  	s7 =	sld [smem:$0x3F9F]  }
0x1a: {  	s8 =	sadd.s32 $0xFFFFE003, lr  }
0x1b: {  	s9 =	sadd.s32 $0xFFFFFEF7, lr;
	s5 =	simm.s32 $0xFFFFFFFF;
	p2 =	slt.u32 s8, $0xFFFFF086  }
0x1c: {  	p1 =	slt.u32 s9, $0xF7A;
	s5 =	simm.s32 @!p2 $0x0  }
0x1d: {  	s5 =	simm.s32 @p1 $0x1;
	p0 =	seq.s32 s7, s2  }
0x1e: {  	s7 =	smul.u32 @!p0 $0xF7A, s2;
	p2 =	seq.s32 @!p0 s5, $0x0  }
0x1f: {  	s9 =	smul.u32 $0xF7A, s1;
	s8 =	simm.s32 @!p0 $0x1BF5;
	p2 =	por !p2, p0  }
0x20: {  	[sflag:s8] =	ssyncset.s32 @!p0 $0xFFFFF086;
	s6 =	sadd.s32 @!p0 s3, s7;
	s7 =	simm.s32 @!p0 $0x108  }
0x21: {  	s3 =	sadd.s32 s3, s9;
	s6 =	sadd.s32 @!p0 $0x88, s6;
	s7 =	simm.s32 @p2 $0x1082  }
0x22: {  	[simem:s7], [sflag:s8] =	dma.local @!p0 [hbm:s6], $0xF7A  }
0x23: {  	s9 =	sor.u32 $0xD0000000, s2;
	s6 =	simm.s32 $0x108;
	_ =	swait.ge @!p0 [sflag:s8], $0x0  }
0x24: {  	s3 =	sadd.s32 $0x88, s3;
	s6 =	simm.s32 @!p1 $0x1082;
	[sflag:s4] =	ssyncset.s32 $0xFFFFF086  }
0x25: {  	[simem:s6], [sflag:s4] =	dma.local [hbm:s3], $0xF7A  }
0x26: {  	[smem:$0x3F9F] =	sst s1;
	(tag) =	ssettag s2;
	_ =	strace s9  }
0x27: {  	s1 =	sld [smem:$0x3FAF]  }
0x28: {  	s2 =	sld [smem:$0x3FB0]  }
0x29: {  	s4 =	sld [smem:$0x3FB2]  }
0x2a: {  	p0 =	seq.s32 s5, $0x0;
	s5 =	sld [smem:$0x3FB3]  }
0x2b: {  	s6 =	sld [smem:$0x3FB4]  }
0x2c: {  	s7 =	sld [smem:$0x3FB5]  }
0x2d: {  	s3 =	simm.s32 $0x108;
	s8 =	sld [smem:$0x3FB6]  }
0x2e: {  	s3 =	simm.s32 @!p0 $0x1082;
	s9 =	sld [smem:$0x3FB7]  }
0x2f: {  	lr =	sadd.s32 s0, s3;
	s0 =	sld [smem:$0x3FAE]  }
0x30: {  	s3 =	sld [smem:$0x3FB1]  }
0x31: {  	[smem:$0x3FBA] =	sst s10  }
0x32: {  	s10 =	sld [smem:$0x3FB8];
	_ =	sdelay $0x3  }
0x33: {  	p0 =	seq.s32 s10, $0x1;
	s10 =	sld [smem:$0x3FBA];
	_ =	sdelay $0x3  }
0x34: {  	[smem:$0x3FBA] =	sst s10  }
0x35: {  	s10 =	sld [smem:$0x3FB9];
	_ =	sdelay $0x3  }
0x36: {  	p1 =	seq.s32 s10, $0x1;
	s10 =	sld [smem:$0x3FBA];
	_ =	sdelay $0x3  }
0x37: {  	[smem:$0x3FBA] =	sst s10  }
0x38: {  	s10 =	sld [smem:$0x3FBB]  }
0x39: {  	_ = 	snop;
	(pc) =	sbr.ind lr, $3  }
0x3a: {  	_ = 	snop  }
0x3b: {  	_ = 	snop  }
0x3c: {  	p2 =	seq.s32 s10, $0x1;
	s10 =	sld [smem:$0x3FBA]  }
0x3d: {  	_ =	shalt  }
0x3e: {  	_ =	shalt  }
0x3f: {  	_ =	shalt  }
0x40: {  	_ =	shalt  }
0x41: {  	_ =	shalt  }
0x42: {  	_ =	shalt  }
0x43: {  	_ =	shalt  }
0x44: {  	_ =	shalt  }
0x45: {  	_ =	shalt  }
0x46: {  	_ =	shalt  }
0x47: {  	_ =	shalt  }
0x48: {  	_ =	shalt  }
0x49: {  	_ =	shalt  }
0x4a: {  	_ =	shalt  }
0x4b: {  	_ =	shalt  }
0x4c: {  	_ =	shalt  }
0x4d: {  	_ =	shalt  }
0x4e: {  	_ =	shalt  }
0x4f: {  	_ =	shalt  }
0x50: {  	_ =	shalt  }
0x51: {  	_ =	shalt  }
0x52: {  	_ =	shalt  }
0x53: {  	_ =	shalt  }
0x54: {  	_ =	shalt  }
0x55: {  	_ =	shalt  }
0x56: {  	_ =	shalt  }
0x57: {  	_ =	shalt  }
0x58: {  	_ =	shalt  }
0x59: {  	_ =	shalt  }
0x5a: {  	_ =	shalt  }
0x5b: {  	_ =	shalt  }
0x5c: {  	_ =	shalt  }
0x5d: {  	_ =	shalt  }
0x5e: {  	_ =	shalt  }
0x5f: {  	_ =	shalt  }
0x60: {  	_ =	shalt  }
0x61: {  	_ =	shalt  }
0x62: {  	_ =	shalt  }
0x63: {  	_ =	shalt  }
0x64: {  	_ =	shalt  }
0x65: {  	_ =	shalt  }
0x66: {  	_ =	shalt  }
0x67: {  	_ =	shalt  }
0x68: {  	_ =	shalt  }
0x69: {  	_ =	shalt  }
0x6a: {  	_ =	shalt  }
0x6b: {  	_ =	shalt  }
0x6c: {  	_ =	shalt  }
0x6d: {  	_ =	shalt  }
0x6e: {  	_ =	shalt  }
0x6f: {  	_ =	shalt  }
0x70: {  	_ =	shalt  }
0x71: {  	_ =	shalt  }
0x72: {  	_ =	shalt  }
0x73: {  	_ =	shalt  }
0x74: {  	_ =	shalt  }
0x75: {  	_ =	shalt  }
0x76: {  	_ =	shalt  }
0x77: {  	_ =	shalt  }
0x78: {  	_ =	shalt  }
0x79: {  	_ =	shalt  }
0x7a: {  	_ =	shalt  }
0x7b: {  	_ =	shalt  }
0x7c: {  	_ =	shalt  }
0x7d: {  	_ =	shalt  }
0x7e: {  	_ =	shalt  }
0x7f: {  	_ =	shalt  }
0x80: {  	_ =	shalt  }
0x81: {  	_ =	shalt  }
0x82: {  	_ =	shalt  }
0x83: {  	_ =	shalt  }
0x84: {  	_ =	shalt  }
0x85: {  	_ =	shalt  }
0x86: {  	_ =	shalt  }
0x87: {  	_ =	shalt  }
.Lfunc_end0:
.L_simem_size_0:
called_computation.1_lowered:
.L_overlay_start_0:
0x88: {  	s2 =	sld [smem:$0x3FD9]  }
0x89: {  	s3 =	sld [smem:$0x3FFE];
	_ =	sdelay $0x1  }
0x8a: {  	s1 =	srdreg.scid  }
0x8b: {  	s0 =	sand.u32 $0x1, s1  }
0x8c: {  	s17 =	sshll.u32 s0, $0xA;
	s2 =	sadd.s32 s3, s2  }
0x8d: {  	s2 =	sadd.s32 s2, s17  }
0x8e: {  	[smem:$0x3FC6] =	sst s2  }
0x8f: {  	_ = 	snop  }
0x90: {  	s2 =	sld [smem:$0x3FD0];
	(tm) =	ssettm $0x1  }
0x91: {  	s18 =	sld [smem:$0x3FFB];
	_ =	sdelay $0x3  }
0x92: {  	_ =	strace s18  }
0x93: {  	s3 =	sld [smem:$0x3FFC];
	_ =	sdelay $0x3  }
0x94: {  	_ =	strace s3  }
0x95: {  	s3 =	sld [smem:$0x3FFD];
	_ =	sdelay $0x3  }
0x96: {  	_ =	strace s3  }
0x97: {  	_ =	strace $0x8FFFFFFF  }
0x98: {  	s19 =	sld [smem:$0x3FDB];
	_ =	sdelay $0x1  }
0x99: {  	s4 =	simm.s32 $_scs_section_size  }
0x9a: {  	s5 =	simm.s32 $_size__tile_overlayer_lowered;
	s6 =	simm.s32 $_tile_overlayer_lowered  }
0x9b: {  	s22 =	simm.s32 $0x1BFF;
	s21 =	sshll.u32 s6, $0x1;
	s3 =	sadd.s32 s4, s19  }
0x9c: {  	s7 =	simm.s32 $0x0;
	s20 =	sshll.u32 s5, $0x1;
	s5 =	sadd.s32 s21, s3  }
0x9d: {  	[timem:s7], [sflag:s22] =	dma.local [hbm:s5], s20  }
0x9e: {  	_ =	swait.ge [sflag:s22], s20  }
0x9f: {  	s4 =	ssub.s32 $0x0, s20;
	[sflag:s22] =	ssyncset.done $0x0  }
0xa0: {  	[sflag:s22] =	ssyncadd.s32 s4;
	_ =	sdelay $0x1  }
0xa1: {  	s23 =	simm.s32 $0x1B8B  }
0xa2: {  	_ =	swait.ge [sflag:s23], $0x1  }
0xa3: {  	[sflag:s23] =	ssyncset.done $0x0  }
0xa4: {  	s25 =	simm.s32 $0x1B8E;
	s24 =	sld [smem:$0x3FFE];
	[sflag:s23] =	ssyncadd.s32 $0xFFFFFFFF  }
0xa5: {  	s26 =	simm.s32 $execute0_lowered;
	[smem:$0x3FD2] =	sst s25  }
0xa6: {  	s5 =	sshll.u32 s26, $0x1;
	_ =	strace $0x80000046;
	[dreg:$0x1] =	wrdreg $0xFFFFFFFF  }
0xa7: {  	s28 =	simm.s32 $_size_execute0_lowered;
	s3 =	sadd.s32 s3, s5;
	[dreg:$0x0] =	wrdreg $0x0  }
0xa8: {  	s5 =	sshll.u32 s28, $0x1;
	[dreg:$0x2] =	wrdreg s3  }
0xa9: {  	[dreg:$0x3] =	wrdreg s5  }
0xaa: {  	[dreg:$0x4] =	wrdreg $0xC0  }
0xab: {  	_ =	task [dreg:s7], $0x5FFFF  }
0xac: {  	[dreg:$0x1] =	wrdreg $0xFFFFFFFF  }
0xad: {  	[dreg:$0x0] =	wrdreg $0x60  }
0xae: {  	[dreg:$0x2] =	wrdreg s2  }
0xaf: {  	[dreg:$0x3] =	wrdreg s24  }
0xb0: {  	[dreg:$0x4] =	wrdreg $0x9  }
0xb1: {  	_ =	task.clear_ibuf [dreg:s7], $0x5FFFF;
	_ =	strace $0x90000046  }
0xb2: {  	s29 =	simm.s32 $0x9;
	_ =	strace $0x80000048  }
0xb3: {  	_ =	swait.ge [sflag:s29], $0x1  }
0xb4: {  	[sflag:s29] =	ssyncadd.s32 $0xFFFFFFFF  }
0xb5: {  	_ =	strace $0x90000048  }
0xb6: {  	_ =	sfence  }
0xb7: {  	s30 =	sld [smem:$0x0];
	_ =	sdelay $0x2  }
0xb8: {  	s31 =	sshll.u32 s1, $0xD;
	s1 =	sshrl.u32 s1, $0x2  }
0xb9: {  	s3 =	sand.u32 $0x4000, s31;
	s1 =	sadd.s32 s1, s30  }
0xba: {  	s0 =	sor.u32 s3, s0;
	s1 =	sshll.u32 s1, $0x11  }
0xbb: {  	s0 =	sor.u32 s1, s0  }
0xbc: {  	s0 =	sadd.s32 $0x8F2B, s0  }
0xbd: {  	[sflag:s0] =	ssyncadd.remote.s32 $0x1  }
0xbe: {  	_ =	sfence.sel $0xFFFF  }
0xbf: {  	[dreg:$0x0] =	wrdreg $0xFFFFFFFF;
	(pc) =	sbr.abs _section_cstart, $3  }
0xc0: {  	[dreg:$0x1] =	wrdreg $0xFFFFFFFF  }
0xc1: {  	_ =	task.clear_ibuf [dreg:s7], $0x2FFFF;
	_ =	strace $0x9FFFFFFF  }
0xc2: {  	(tm) =	ssettm $0x7FFFFFFF  }
0xc3: {  	_ =	shalt  }
tec
execute0_lowered:
.L_overlay_start_1:
0x0: {  	(tag) =	ssettag $0x1  }
0x1: {  	s2 =	rddreg [dreg:$0x0];
	s1 =	srdreg.scid  }
0x2: {  	s0 =	stileid.u32;
	s6 =	rddreg [dreg:$0x1]  }
0x3: {  	s3 =	simm.s32 $0x0;
	s13 =	simm.s32 $0x5;
	s14 =	simm.s32 $0xA0  }
0x4: {  	s15 =	simm.s32 $0x200;
	s16 =	simm.s32 $0x100;
	s17 =	simm.s32 $0x5200  }
0x5: {  	s18 =	simm.s32 $0x1;
	s19 =	simm.s32 $0xA200;
	s20 =	simm.s32 $0x2  }
0x6: {  	s21 =	simm.s32 $0xF200;
	s7 =	sand.u32 $0x1, s1;
	s4 =	sshll.u32 s0, $0x1  }
0x7: {  	s22 =	simm.s32 $0x3;
	s23 =	simm.s32 $0x4;
	s4 =	sor.u32 s7, s4  }
0x8: {  	s24 =	simm.s32 $0x0;
	s1 =	rddreg [dreg:$0x2];
	s4 =	smul.u32 $0x6400, s4  }
.Ltmp0:
0x9: {  	[smem:$0x7FF] =	sst s3;
	s8 =	ssub.s32 $0x2, s7;
	(pc) =	sbr.rel .LBB2_1-.Ltmp0, $4  }
0xa: {  	s5 =	sadd.s32 $0xF42E00, s6;
	s6 =	sadd.s32 $0xA00, s6;
	s9 =	sshrl.u32 s8, $0x1  }
0xb: {  	_ =	strace $0x80000047;
	s12 =	ssub.s32 s8, s9;
	s31 =	sshrl.u32 s4, $0x3  }
0xc: {  	s9 =	sor.u32 $0x140, s4;
	s10 =	sor.u32 $0xA0, s4;
	s7 =	sadd.s32 s2, s31  }
0xd: {  	s11 =	sor.u32 $0x1E0, s4;
	s12 =	smax.u32 s12, $0x1;
	s8 =	sadd.s32 $0x14, s7  }
.LBB2_8:
0xe: {  	s24 =	sadd.s32 $0x1, s24  }
0xf: {  	_ =	swait.ge [sflag:s22], $0x5000;
	p0 =	sne.s32 s24, s12  }
.Ltmp1:
0x10: {  	[sflag:s22] =	ssyncset.done $0x0;
	(pc) =	sbr.rel @!p0 .LBB2_9-.Ltmp1, $4  }
0x11: {  	[sflag:s22] =	ssyncadd.s32 $0xFFFFB000  }
0x12: {  	_ =	swait.ge [sflag:s23], $0x5000  }
0x13: {  	[sflag:s23] =	ssyncset.done $0x0  }
0x14: {  	[sflag:s23] =	ssyncadd.s32 $0xFFFFB000  }
.LBB2_1:
0x15: {  	[tilespmem:s3], [sflag:$0x5] =	stream.linear.gather [hbm4b:s7+s3], $0xA0, $0x38;
	[tilespmem:$0x14200] =	vst v63  }
0x16: {  	_ =	swait.ge [sflag:s13], $0xA0  }
0x17: {  	[sflag:s13] =	ssyncset.done $0x0  }
0x18: {  	[sflag:s13] =	ssyncadd.s32 $0xFFFFFF60  }
0x19: {  	[tilespmem:s15], [sflag:$0x1] =	stream.indirect.gather [hbm4b:s5+s14], $0x80, s3, s14, $0xb8;
	[tilespmem:$0x14200] =	vst v63  }
0x1a: {  	_ = 	snop  }
0x1b: {  	[tilespmem:s16], [sflag:$0x5] =	stream.linear.gather [hbm4b:s8+s3], $0xA0, $0x38;
	[tilespmem:$0x14200] =	vst v63  }
0x1c: {  	_ =	swait.ge [sflag:s13], $0xA0  }
0x1d: {  	[sflag:s13] =	ssyncset.done $0x0  }
0x1e: {  	s25 =	simm.s32 $0x0;
	[sflag:s13] =	ssyncadd.s32 $0xFFFFFF60  }
0x1f: {  	[tilespmem:s17], [sflag:$0x2] =	stream.indirect.gather [hbm4b:s5+s14], $0x80, s16, s14, $0xb8;
	[tilespmem:$0x14200] =	vst v63  }
.LBB2_2:
0x20: {  	_ =	swait.ge [sflag:s18], $0x5000  }
0x21: {  	p0 =	seq.s32 s25, $0x0;
	[sflag:s18] =	ssyncset.done $0x0  }
0x22: {  	s26 =	simm.s32 @!p0 $0x3;
	[sflag:s18] =	ssyncadd.s32 $0xFFFFB000  }
0x23: {  	_ =	swait.ge @!p0 [sflag:s26], $0x5000  }
0x24: {  	[sflag:s26] =	ssyncset.done @!p0 $0x0  }
0x25: {  	s29 =	simm.s32 $0x0;
	[sflag:s26] =	ssyncadd.s32 @!p0 $0xFFFFB000  }
0x26: {  	v0 =	vld [tilespmem:s29+$0x9B0]  }
0x27: {  	v1 =	vld [tilespmem:s29+$0x200]  }
0x28: {  	v2 =	vld [tilespmem:s29+$0x210]  }
0x29: {  	v3 =	vld [tilespmem:s29+$0x220]  }
0x2a: {  	v4 =	vld [tilespmem:s29+$0x230]  }
0x2b: {  	v5 =	vld [tilespmem:s29+$0x280];
	v0 =	vmul.f32 $8.000000000e+00, v0  }
0x2c: {  	v6 =	vld [tilespmem:s29+$0x290];
	v1 =	vmul.f32 $8.000000000e+00, v1  }
0x2d: {  	v7 =	vld [tilespmem:s29+$0x2A0];
	[tilespmem:s29+$0xA9B0] =	vst v0;
	v0 =	vmul.f32 $8.000000000e+00, v2  }
0x2e: {  	[tilespmem:s29+$0xA200] =	vst v1;
	v1 =	vld [tilespmem:s29+$0x2B0];
	v2 =	vmul.f32 $8.000000000e+00, v3  }
0x2f: {  	v3 =	vmul.f32 $8.000000000e+00, v4;
	[tilespmem:s29+$0xA210] =	vst v0;
	v0 =	vld [tilespmem:s29+$0x300]  }
0x30: {  	v4 =	vmul.f32 $8.000000000e+00, v5;
	[tilespmem:s29+$0xA220] =	vst v2;
	v2 =	vld [tilespmem:s29+$0x310]  }
0x31: {  	v5 =	vmul.f32 $8.000000000e+00, v6;
	[tilespmem:s29+$0xA230] =	vst v3;
	v3 =	vld [tilespmem:s29+$0x320]  }
0x32: {  	v6 =	vmul.f32 $8.000000000e+00, v7;
	[tilespmem:s29+$0xA280] =	vst v4;
	v4 =	vld [tilespmem:s29+$0x330]  }
0x33: {  	[tilespmem:s29+$0xA290] =	vst v5;
	v5 =	vld [tilespmem:s29+$0x380];
	v1 =	vmul.f32 $8.000000000e+00, v1  }
0x34: {  	[tilespmem:s29+$0xA2A0] =	vst v6;
	v6 =	vld [tilespmem:s29+$0x390];
	v0 =	vmul.f32 $8.000000000e+00, v0  }
0x35: {  	[tilespmem:s29+$0xA2B0] =	vst v1;
	v1 =	vld [tilespmem:s29+$0x3A0];
	v2 =	vmul.f32 $8.000000000e+00, v2  }
0x36: {  	v3 =	vmul.f32 $8.000000000e+00, v3;
	[tilespmem:s29+$0xA300] =	vst v0;
	v0 =	vld [tilespmem:s29+$0x3B0]  }
0x37: {  	v4 =	vmul.f32 $8.000000000e+00, v4;
	[tilespmem:s29+$0xA310] =	vst v2;
	v2 =	vld [tilespmem:s29+$0x400]  }
0x38: {  	v5 =	vmul.f32 $8.000000000e+00, v5;
	[tilespmem:s29+$0xA320] =	vst v3;
	v3 =	vld [tilespmem:s29+$0x410]  }
0x39: {  	v6 =	vmul.f32 $8.000000000e+00, v6;
	[tilespmem:s29+$0xA330] =	vst v4;
	v4 =	vld [tilespmem:s29+$0x420]  }
0x3a: {  	[tilespmem:s29+$0xA380] =	vst v5;
	v5 =	vld [tilespmem:s29+$0x430];
	v1 =	vmul.f32 $8.000000000e+00, v1  }
0x3b: {  	[tilespmem:s29+$0xA390] =	vst v6;
	v6 =	vld [tilespmem:s29+$0x480];
	v0 =	vmul.f32 $8.000000000e+00, v0  }
0x3c: {  	[tilespmem:s29+$0xA3A0] =	vst v1;
	v1 =	vld [tilespmem:s29+$0x490];
	v2 =	vmul.f32 $8.000000000e+00, v2  }
0x3d: {  	v3 =	vmul.f32 $8.000000000e+00, v3;
	[tilespmem:s29+$0xA3B0] =	vst v0;
	v0 =	vld [tilespmem:s29+$0x4A0]  }
0x3e: {  	v4 =	vmul.f32 $8.000000000e+00, v4;
	[tilespmem:s29+$0xA400] =	vst v2;
	v2 =	vld [tilespmem:s29+$0x4B0]  }
0x3f: {  	v5 =	vmul.f32 $8.000000000e+00, v5;
	[tilespmem:s29+$0xA410] =	vst v3;
	v3 =	vld [tilespmem:s29+$0x500]  }
0x40: {  	v6 =	vmul.f32 $8.000000000e+00, v6;
	[tilespmem:s29+$0xA420] =	vst v4;
	v4 =	vld [tilespmem:s29+$0x510]  }
0x41: {  	[tilespmem:s29+$0xA430] =	vst v5;
	v5 =	vld [tilespmem:s29+$0x520];
	v1 =	vmul.f32 $8.000000000e+00, v1  }
0x42: {  	[tilespmem:s29+$0xA480] =	vst v6;
	v6 =	vld [tilespmem:s29+$0x530];
	v0 =	vmul.f32 $8.000000000e+00, v0  }
0x43: {  	[tilespmem:s29+$0xA490] =	vst v1;
	v1 =	vld [tilespmem:s29+$0x580];
	v2 =	vmul.f32 $8.000000000e+00, v2  }
0x44: {  	v3 =	vmul.f32 $8.000000000e+00, v3;
	[tilespmem:s29+$0xA4A0] =	vst v0;
	v0 =	vld [tilespmem:s29+$0x590]  }
0x45: {  	v4 =	vmul.f32 $8.000000000e+00, v4;
	[tilespmem:s29+$0xA4B0] =	vst v2;
	v2 =	vld [tilespmem:s29+$0x5A0]  }
0x46: {  	v5 =	vmul.f32 $8.000000000e+00, v5;
	[tilespmem:s29+$0xA500] =	vst v3;
	v3 =	vld [tilespmem:s29+$0x5B0]  }
0x47: {  	v6 =	vmul.f32 $8.000000000e+00, v6;
	[tilespmem:s29+$0xA510] =	vst v4;
	v4 =	vld [tilespmem:s29+$0x600]  }
0x48: {  	[tilespmem:s29+$0xA520] =	vst v5;
	v5 =	vld [tilespmem:s29+$0x610];
	v1 =	vmul.f32 $8.000000000e+00, v1  }
0x49: {  	[tilespmem:s29+$0xA530] =	vst v6;
	v6 =	vld [tilespmem:s29+$0x620];
	v0 =	vmul.f32 $8.000000000e+00, v0  }
0x4a: {  	[tilespmem:s29+$0xA580] =	vst v1;
	v1 =	vld [tilespmem:s29+$0x630];
	v2 =	vmul.f32 $8.000000000e+00, v2  }
0x4b: {  	v3 =	vmul.f32 $8.000000000e+00, v3;
	[tilespmem:s29+$0xA590] =	vst v0;
	v0 =	vld [tilespmem:s29+$0x680]  }
0x4c: {  	v4 =	vmul.f32 $8.000000000e+00, v4;
	[tilespmem:s29+$0xA5A0] =	vst v2;
	v2 =	vld [tilespmem:s29+$0x690]  }
0x4d: {  	v5 =	vmul.f32 $8.000000000e+00, v5;
	[tilespmem:s29+$0xA5B0] =	vst v3;
	v3 =	vld [tilespmem:s29+$0x6A0]  }
0x4e: {  	v6 =	vmul.f32 $8.000000000e+00, v6;
	[tilespmem:s29+$0xA600] =	vst v4;
	v4 =	vld [tilespmem:s29+$0x6B0]  }
0x4f: {  	[tilespmem:s29+$0xA610] =	vst v5;
	v5 =	vld [tilespmem:s29+$0x700];
	v1 =	vmul.f32 $8.000000000e+00, v1  }
0x50: {  	[tilespmem:s29+$0xA620] =	vst v6;
	v6 =	vld [tilespmem:s29+$0x710];
	v0 =	vmul.f32 $8.000000000e+00, v0  }
0x51: {  	[tilespmem:s29+$0xA630] =	vst v1;
	v1 =	vld [tilespmem:s29+$0x720];
	v2 =	vmul.f32 $8.000000000e+00, v2  }
0x52: {  	v3 =	vmul.f32 $8.000000000e+00, v3;
	[tilespmem:s29+$0xA680] =	vst v0;
	v0 =	vld [tilespmem:s29+$0x730]  }
0x53: {  	v4 =	vmul.f32 $8.000000000e+00, v4;
	[tilespmem:s29+$0xA690] =	vst v2;
	v2 =	vld [tilespmem:s29+$0x780]  }
0x54: {  	v5 =	vmul.f32 $8.000000000e+00, v5;
	[tilespmem:s29+$0xA6A0] =	vst v3;
	v3 =	vld [tilespmem:s29+$0x790]  }
0x55: {  	v6 =	vmul.f32 $8.000000000e+00, v6;
	[tilespmem:s29+$0xA6B0] =	vst v4;
	v4 =	vld [tilespmem:s29+$0x7A0]  }
0x56: {  	[tilespmem:s29+$0xA700] =	vst v5;
	v5 =	vld [tilespmem:s29+$0x7B0];
	v1 =	vmul.f32 $8.000000000e+00, v1  }
0x57: {  	[tilespmem:s29+$0xA710] =	vst v6;
	v6 =	vld [tilespmem:s29+$0x800];
	v0 =	vmul.f32 $8.000000000e+00, v0  }
0x58: {  	[tilespmem:s29+$0xA720] =	vst v1;
	v1 =	vld [tilespmem:s29+$0x810];
	v2 =	vmul.f32 $8.000000000e+00, v2  }
0x59: {  	v3 =	vmul.f32 $8.000000000e+00, v3;
	[tilespmem:s29+$0xA730] =	vst v0;
	v0 =	vld [tilespmem:s29+$0x820]  }
0x5a: {  	v4 =	vmul.f32 $8.000000000e+00, v4;
	[tilespmem:s29+$0xA780] =	vst v2;
	v2 =	vld [tilespmem:s29+$0x830]  }
0x5b: {  	v5 =	vmul.f32 $8.000000000e+00, v5;
	[tilespmem:s29+$0xA790] =	vst v3;
	v3 =	vld [tilespmem:s29+$0x880]  }
0x5c: {  	v6 =	vmul.f32 $8.000000000e+00, v6;
	[tilespmem:s29+$0xA7A0] =	vst v4;
	v4 =	vld [tilespmem:s29+$0x890]  }
0x5d: {  	[tilespmem:s29+$0xA7B0] =	vst v5;
	v5 =	vld [tilespmem:s29+$0x8A0]  }
0x5e: {  	[tilespmem:s29+$0xA800] =	vst v6;
	v6 =	vld [tilespmem:s29+$0x8B0];
	v1 =	vmul.f32 $8.000000000e+00, v1  }
0x5f: {  	v0 =	vmul.f32 $8.000000000e+00, v0  }
0x60: {  	v7 =	vld [tilespmem:s29+$0x900];
	[tilespmem:s29+$0xA810] =	vst v1;
	v1 =	vmul.f32 $8.000000000e+00, v2  }
0x61: {  	v8 =	vld [tilespmem:s29+$0x910];
	v2 =	vmul.f32 $8.000000000e+00, v3;
	[tilespmem:s29+$0xA820] =	vst v0  }
0x62: {  	v3 =	vmul.f32 $8.000000000e+00, v4;
	[tilespmem:s29+$0xA830] =	vst v1;
	v0 =	vld [tilespmem:s29+$0x920]  }
0x63: {  	v4 =	vmul.f32 $8.000000000e+00, v5;
	v5 =	vmul.f32 $8.000000000e+00, v6;
	[tilespmem:s29+$0xA880] =	vst v2;
	v1 =	vld [tilespmem:s29+$0x930]  }
0x64: {  	s26 =	smul.u32 $0x140, s25;
	[tilespmem:s29+$0xA890] =	vst v3;
	v2 =	vld [tilespmem:s29+$0x980]  }
0x65: {  	v3 =	vld [tilespmem:s29+$0x990];
	[tilespmem:s29+$0xA8B0] =	vst v5;
	v5 =	vmul.f32 $8.000000000e+00, v7  }
0x66: {  	s31 =	simm.s32 $0x800;
	s30 =	simm.s32 $0x4000;
	s28 =	sadd.s32 s4, s26;
	v6 =	vmul.f32 $8.000000000e+00, v8;
	[tilespmem:s29+$0xA8A0] =	vst v4;
	v4 =	vld [tilespmem:s29+$0x9A0]  }
.LBB2_3:
0x67: {  	p1 =	sne.s32 s30, $0x12000;
	v7 =	vld [tilespmem:s31+$0x9B0];
	[tilespmem:s29+$0xA900] =	vst v5;
	v0 =	vmul.f32 $8.000000000e+00, v0  }
0x68: {  	v5 =	vld [tilespmem:s31+$0x200];
	[tilespmem:s29+$0xA910] =	vst v6;
	v1 =	vmul.f32 $8.000000000e+00, v1  }
0x69: {  	v6 =	vld [tilespmem:s31+$0x210];
	[tilespmem:s29+$0xA920] =	vst v0;
	v0 =	vmul.f32 $8.000000000e+00, v2  }
0x6a: {  	v2 =	vld [tilespmem:s31+$0x220];
	[tilespmem:s29+$0xA930] =	vst v1;
	v1 =	vmul.f32 $8.000000000e+00, v3  }
0x6b: {  	v3 =	vld [tilespmem:s31+$0x230];
	[tilespmem:s29+$0xA980] =	vst v0;
	v0 =	vmul.f32 $8.000000000e+00, v4  }
0x6c: {  	v4 =	vld [tilespmem:s31+$0x280];
	v7 =	vmul.f32 $8.000000000e+00, v7;
	[tilespmem:s29+$0xA990] =	vst v1  }
0x6d: {  	v1 =	vmul.f32 $8.000000000e+00, v5;
	v5 =	vld [tilespmem:s31+$0x290];
	[tilespmem:s29+$0xA9A0] =	vst v0;
	s29 =	smov.u32 s31  }
0x6e: {  	v0 =	vmul.f32 $8.000000000e+00, v6;
	v6 =	vld [tilespmem:s29+$0x2A0];
	[tilespmem:s29+$0xA9B0] =	vst v7  }
0x6f: {  	[tilespmem:s29+$0xA200] =	vst v1;
	v1 =	vmul.f32 $8.000000000e+00, v2;
	v2 =	vld [tilespmem:s29+$0x2B0]  }
0x70: {  	[tilespmem:s29+$0xA210] =	vst v0;
	v0 =	vmul.f32 $8.000000000e+00, v3;
	v3 =	vld [tilespmem:s29+$0x300]  }
0x71: {  	[tilespmem:s29+$0xA220] =	vst v1;
	v1 =	vmul.f32 $8.000000000e+00, v4;
	v4 =	vld [tilespmem:s29+$0x310]  }
0x72: {  	[tilespmem:s29+$0xA230] =	vst v0;
	v0 =	vmul.f32 $8.000000000e+00, v5;
	v5 =	vld [tilespmem:s29+$0x320]  }
0x73: {  	[tilespmem:s29+$0xA280] =	vst v1;
	v1 =	vmul.f32 $8.000000000e+00, v6;
	v6 =	vld [tilespmem:s29+$0x330]  }
0x74: {  	[tilespmem:s29+$0xA290] =	vst v0;
	v0 =	vmul.f32 $8.000000000e+00, v2;
	v2 =	vld [tilespmem:s29+$0x380]  }
0x75: {  	[tilespmem:s29+$0xA2A0] =	vst v1;
	v1 =	vmul.f32 $8.000000000e+00, v3;
	v3 =	vld [tilespmem:s29+$0x390]  }
0x76: {  	[tilespmem:s29+$0xA2B0] =	vst v0;
	v0 =	vmul.f32 $8.000000000e+00, v4;
	v4 =	vld [tilespmem:s29+$0x3A0]  }
0x77: {  	[tilespmem:s29+$0xA300] =	vst v1;
	v1 =	vmul.f32 $8.000000000e+00, v5;
	v5 =	vld [tilespmem:s29+$0x3B0]  }
0x78: {  	[tilespmem:s29+$0xA310] =	vst v0;
	v0 =	vmul.f32 $8.000000000e+00, v6;
	v6 =	vld [tilespmem:s29+$0x400]  }
0x79: {  	[tilespmem:s29+$0xA320] =	vst v1;
	v1 =	vmul.f32 $8.000000000e+00, v2;
	v2 =	vld [tilespmem:s29+$0x410]  }
0x7a: {  	[tilespmem:s29+$0xA330] =	vst v0;
	v0 =	vmul.f32 $8.000000000e+00, v3;
	v3 =	vld [tilespmem:s29+$0x420]  }
0x7b: {  	[tilespmem:s29+$0xA380] =	vst v1;
	v1 =	vmul.f32 $8.000000000e+00, v4;
	v4 =	vld [tilespmem:s29+$0x430]  }
0x7c: {  	[tilespmem:s29+$0xA390] =	vst v0;
	v0 =	vmul.f32 $8.000000000e+00, v5;
	v5 =	vld [tilespmem:s29+$0x480]  }
0x7d: {  	[tilespmem:s29+$0xA3A0] =	vst v1;
	v1 =	vmul.f32 $8.000000000e+00, v6;
	v6 =	vld [tilespmem:s29+$0x490]  }
0x7e: {  	[tilespmem:s29+$0xA3B0] =	vst v0;
	v0 =	vmul.f32 $8.000000000e+00, v2;
	v2 =	vld [tilespmem:s29+$0x4A0]  }
0x7f: {  	[tilespmem:s29+$0xA400] =	vst v1;
	v1 =	vmul.f32 $8.000000000e+00, v3;
	v3 =	vld [tilespmem:s29+$0x4B0]  }
0x80: {  	[tilespmem:s29+$0xA410] =	vst v0;
	v0 =	vmul.f32 $8.000000000e+00, v4;
	v4 =	vld [tilespmem:s29+$0x500]  }
0x81: {  	[tilespmem:s29+$0xA420] =	vst v1;
	v1 =	vmul.f32 $8.000000000e+00, v5;
	v5 =	vld [tilespmem:s29+$0x510]  }
0x82: {  	[tilespmem:s29+$0xA430] =	vst v0;
	v0 =	vmul.f32 $8.000000000e+00, v6;
	v6 =	vld [tilespmem:s29+$0x520]  }
0x83: {  	[tilespmem:s29+$0xA480] =	vst v1;
	v1 =	vmul.f32 $8.000000000e+00, v2;
	v2 =	vld [tilespmem:s29+$0x530]  }
0x84: {  	[tilespmem:s29+$0xA490] =	vst v0;
	v0 =	vmul.f32 $8.000000000e+00, v3;
	v3 =	vld [tilespmem:s29+$0x580]  }
0x85: {  	[tilespmem:s29+$0xA4A0] =	vst v1;
	v1 =	vmul.f32 $8.000000000e+00, v4;
	v4 =	vld [tilespmem:s29+$0x590]  }
0x86: {  	[tilespmem:s29+$0xA4B0] =	vst v0;
	v0 =	vmul.f32 $8.000000000e+00, v5;
	v5 =	vld [tilespmem:s29+$0x5A0]  }
0x87: {  	[tilespmem:s29+$0xA500] =	vst v1;
	v1 =	vmul.f32 $8.000000000e+00, v6;
	v6 =	vld [tilespmem:s29+$0x5B0]  }
0x88: {  	[tilespmem:s29+$0xA510] =	vst v0;
	v0 =	vmul.f32 $8.000000000e+00, v2;
	v2 =	vld [tilespmem:s29+$0x600]  }
0x89: {  	[tilespmem:s29+$0xA520] =	vst v1;
	v1 =	vmul.f32 $8.000000000e+00, v3;
	v3 =	vld [tilespmem:s29+$0x610]  }
0x8a: {  	[tilespmem:s29+$0xA530] =	vst v0;
	v0 =	vmul.f32 $8.000000000e+00, v4;
	v4 =	vld [tilespmem:s29+$0x620]  }
0x8b: {  	[tilespmem:s29+$0xA580] =	vst v1;
	v1 =	vmul.f32 $8.000000000e+00, v5;
	v5 =	vld [tilespmem:s29+$0x630]  }
0x8c: {  	[tilespmem:s29+$0xA590] =	vst v0;
	v0 =	vmul.f32 $8.000000000e+00, v6;
	v6 =	vld [tilespmem:s29+$0x680]  }
0x8d: {  	[tilespmem:s29+$0xA5A0] =	vst v1;
	v1 =	vmul.f32 $8.000000000e+00, v2;
	v2 =	vld [tilespmem:s29+$0x690]  }
0x8e: {  	[tilespmem:s29+$0xA5B0] =	vst v0;
	v0 =	vmul.f32 $8.000000000e+00, v3;
	v3 =	vld [tilespmem:s29+$0x6A0]  }
0x8f: {  	[tilespmem:s29+$0xA600] =	vst v1;
	v1 =	vmul.f32 $8.000000000e+00, v4;
	v4 =	vld [tilespmem:s29+$0x6B0]  }
0x90: {  	[tilespmem:s29+$0xA610] =	vst v0;
	v0 =	vmul.f32 $8.000000000e+00, v5;
	v5 =	vld [tilespmem:s29+$0x700]  }
0x91: {  	[tilespmem:s29+$0xA620] =	vst v1;
	v1 =	vmul.f32 $8.000000000e+00, v6;
	v6 =	vld [tilespmem:s29+$0x710]  }
0x92: {  	[tilespmem:s29+$0xA630] =	vst v0;
	v0 =	vmul.f32 $8.000000000e+00, v2;
	v2 =	vld [tilespmem:s29+$0x720]  }
0x93: {  	[tilespmem:s29+$0xA680] =	vst v1;
	v1 =	vmul.f32 $8.000000000e+00, v3;
	v3 =	vld [tilespmem:s29+$0x730]  }
0x94: {  	[tilespmem:s29+$0xA690] =	vst v0;
	v0 =	vmul.f32 $8.000000000e+00, v4;
	v4 =	vld [tilespmem:s29+$0x780]  }
0x95: {  	[tilespmem:s29+$0xA6A0] =	vst v1;
	v1 =	vmul.f32 $8.000000000e+00, v5;
	v5 =	vld [tilespmem:s29+$0x790]  }
0x96: {  	[tilespmem:s29+$0xA6B0] =	vst v0;
	v0 =	vmul.f32 $8.000000000e+00, v6;
	v6 =	vld [tilespmem:s29+$0x7A0]  }
0x97: {  	[tilespmem:s29+$0xA700] =	vst v1;
	v1 =	vmul.f32 $8.000000000e+00, v2;
	v2 =	vld [tilespmem:s29+$0x7B0]  }
0x98: {  	[tilespmem:s29+$0xA710] =	vst v0;
	v0 =	vmul.f32 $8.000000000e+00, v3;
	v3 =	vld [tilespmem:s29+$0x800]  }
0x99: {  	[tilespmem:s29+$0xA720] =	vst v1;
	v1 =	vmul.f32 $8.000000000e+00, v4;
	v4 =	vld [tilespmem:s29+$0x810]  }
0x9a: {  	[tilespmem:s29+$0xA730] =	vst v0;
	v0 =	vmul.f32 $8.000000000e+00, v5;
	v5 =	vld [tilespmem:s29+$0x820]  }
0x9b: {  	[tilespmem:s29+$0xA780] =	vst v1;
	v1 =	vmul.f32 $8.000000000e+00, v6;
	v6 =	vld [tilespmem:s29+$0x830]  }
0x9c: {  	[tilespmem:s29+$0xA790] =	vst v0;
	v0 =	vmul.f32 $8.000000000e+00, v2;
	v2 =	vld [tilespmem:s29+$0x880]  }
0x9d: {  	[tilespmem:s29+$0xA7A0] =	vst v1;
	v1 =	vmul.f32 $8.000000000e+00, v3;
	v3 =	vld [tilespmem:s29+$0x890]  }
0x9e: {  	[tilespmem:s29+$0xA7B0] =	vst v0;
	v0 =	vmul.f32 $8.000000000e+00, v4;
	v4 =	vld [tilespmem:s29+$0x8A0]  }
0x9f: {  	[tilespmem:s29+$0xA800] =	vst v1;
	v1 =	vmul.f32 $8.000000000e+00, v5;
	v5 =	vld [tilespmem:s29+$0x8B0]  }
0xa0: {  	[tilespmem:s29+$0xA810] =	vst v0;
	v0 =	vmul.f32 $8.000000000e+00, v6;
	v6 =	vld [tilespmem:s29+$0x900]  }
0xa1: {  	[tilespmem:s29+$0xA820] =	vst v1;
	v1 =	vmul.f32 $8.000000000e+00, v2;
	v7 =	vld [tilespmem:s29+$0x910]  }
.Ltmp2:
0xa2: {  	[tilespmem:s29+$0xA830] =	vst v0;
	v2 =	vmul.f32 $8.000000000e+00, v3;
	v0 =	vld [tilespmem:s29+$0x920];
	(pc) =	sbr.rel @p1 .LBB2_3-.Ltmp2, $4  }
0xa3: {  	[tilespmem:s29+$0xA880] =	vst v1;
	v3 =	vmul.f32 $8.000000000e+00, v4;
	v1 =	vld [tilespmem:s29+$0x930]  }
0xa4: {  	[tilespmem:s29+$0xA890] =	vst v2;
	v4 =	vmul.f32 $8.000000000e+00, v5;
	v2 =	vld [tilespmem:s29+$0x980]  }
0xa5: {  	[tilespmem:s29+$0xA8A0] =	vst v3;
	v5 =	vmul.f32 $8.000000000e+00, v6;
	v3 =	vld [tilespmem:s29+$0x990]  }
0xa6: {  	s31 =	sshra.s32 s30, $0x2;
	s30 =	sadd.s32 $0x2000, s30;
	[tilespmem:s29+$0xA8B0] =	vst v4;
	v6 =	vmul.f32 $8.000000000e+00, v7;
	v4 =	vld [tilespmem:s29+$0x9A0]  }
0xa7: {  	v7 =	vld [tilespmem:s31+$0x9B0];
	[tilespmem:s29+$0xA900] =	vst v5;
	v0 =	vmul.f32 $8.000000000e+00, v0  }
0xa8: {  	v5 =	vld [tilespmem:s31+$0x200];
	[tilespmem:s29+$0xA910] =	vst v6;
	v1 =	vmul.f32 $8.000000000e+00, v1  }
0xa9: {  	v6 =	vld [tilespmem:s31+$0x210];
	[tilespmem:s29+$0xA920] =	vst v0;
	v2 =	vmul.f32 $8.000000000e+00, v2  }
0xaa: {  	v0 =	vld [tilespmem:s31+$0x220];
	[tilespmem:s29+$0xA930] =	vst v1;
	v3 =	vmul.f32 $8.000000000e+00, v3  }
0xab: {  	v1 =	vld [tilespmem:s31+$0x230];
	[tilespmem:s29+$0xA980] =	vst v2;
	v4 =	vmul.f32 $8.000000000e+00, v4  }
0xac: {  	v2 =	vld [tilespmem:s31+$0x280];
	[tilespmem:s29+$0xA990] =	vst v3;
	v7 =	vmul.f32 $8.000000000e+00, v7  }
0xad: {  	v3 =	vld [tilespmem:s31+$0x290];
	[tilespmem:s29+$0xA9A0] =	vst v4;
	v4 =	vmul.f32 $8.000000000e+00, v5  }
0xae: {  	v5 =	vld [tilespmem:s31+$0x2A0];
	[tilespmem:s31+$0xA9B0] =	vst v7;
	v6 =	vmul.f32 $8.000000000e+00, v6  }
0xaf: {  	[tilespmem:s31+$0xA200] =	vst v4;
	v4 =	vld [tilespmem:s31+$0x2B0];
	v0 =	vmul.f32 $8.000000000e+00, v0  }
0xb0: {  	[tilespmem:s31+$0xA210] =	vst v6;
	v6 =	vld [tilespmem:s31+$0x300];
	v1 =	vmul.f32 $8.000000000e+00, v1  }
0xb1: {  	[tilespmem:s31+$0xA220] =	vst v0;
	v0 =	vld [tilespmem:s31+$0x310];
	v2 =	vmul.f32 $8.000000000e+00, v2  }
0xb2: {  	[tilespmem:s31+$0xA230] =	vst v1;
	v1 =	vld [tilespmem:s31+$0x320];
	v3 =	vmul.f32 $8.000000000e+00, v3  }
0xb3: {  	[tilespmem:s31+$0xA280] =	vst v2;
	v2 =	vld [tilespmem:s31+$0x330];
	v5 =	vmul.f32 $8.000000000e+00, v5  }
0xb4: {  	[tilespmem:s31+$0xA290] =	vst v3;
	v3 =	vld [tilespmem:s31+$0x380];
	v4 =	vmul.f32 $8.000000000e+00, v4  }
0xb5: {  	[tilespmem:s31+$0xA2A0] =	vst v5;
	v5 =	vld [tilespmem:s31+$0x390];
	v6 =	vmul.f32 $8.000000000e+00, v6  }
0xb6: {  	[tilespmem:s31+$0xA2B0] =	vst v4;
	v4 =	vld [tilespmem:s31+$0x3A0];
	v0 =	vmul.f32 $8.000000000e+00, v0  }
0xb7: {  	[tilespmem:s31+$0xA300] =	vst v6;
	v6 =	vld [tilespmem:s31+$0x3B0];
	v1 =	vmul.f32 $8.000000000e+00, v1  }
0xb8: {  	[tilespmem:s31+$0xA310] =	vst v0;
	v0 =	vld [tilespmem:s31+$0x400];
	v2 =	vmul.f32 $8.000000000e+00, v2  }
0xb9: {  	[tilespmem:s31+$0xA320] =	vst v1;
	v1 =	vld [tilespmem:s31+$0x410];
	v3 =	vmul.f32 $8.000000000e+00, v3  }
0xba: {  	[tilespmem:s31+$0xA330] =	vst v2;
	v2 =	vld [tilespmem:s31+$0x420];
	v5 =	vmul.f32 $8.000000000e+00, v5  }
0xbb: {  	[tilespmem:s31+$0xA380] =	vst v3;
	v3 =	vld [tilespmem:s31+$0x430];
	v4 =	vmul.f32 $8.000000000e+00, v4  }
0xbc: {  	[tilespmem:s31+$0xA390] =	vst v5;
	v5 =	vld [tilespmem:s31+$0x480];
	v6 =	vmul.f32 $8.000000000e+00, v6  }
0xbd: {  	[tilespmem:s31+$0xA3A0] =	vst v4;
	v4 =	vld [tilespmem:s31+$0x490];
	v0 =	vmul.f32 $8.000000000e+00, v0  }
0xbe: {  	[tilespmem:s31+$0xA3B0] =	vst v6;
	v6 =	vld [tilespmem:s31+$0x4A0];
	v1 =	vmul.f32 $8.000000000e+00, v1  }
0xbf: {  	[tilespmem:s31+$0xA400] =	vst v0;
	v0 =	vld [tilespmem:s31+$0x4B0];
	v2 =	vmul.f32 $8.000000000e+00, v2  }
0xc0: {  	[tilespmem:s31+$0xA410] =	vst v1;
	v1 =	vld [tilespmem:s31+$0x500];
	v3 =	vmul.f32 $8.000000000e+00, v3  }
0xc1: {  	[tilespmem:s31+$0xA420] =	vst v2;
	v2 =	vld [tilespmem:s31+$0x510];
	v5 =	vmul.f32 $8.000000000e+00, v5  }
0xc2: {  	[tilespmem:s31+$0xA430] =	vst v3;
	v3 =	vld [tilespmem:s31+$0x520];
	v4 =	vmul.f32 $8.000000000e+00, v4  }
0xc3: {  	[tilespmem:s31+$0xA480] =	vst v5;
	v5 =	vld [tilespmem:s31+$0x530];
	v6 =	vmul.f32 $8.000000000e+00, v6  }
0xc4: {  	[tilespmem:s31+$0xA490] =	vst v4;
	v4 =	vld [tilespmem:s31+$0x580];
	v0 =	vmul.f32 $8.000000000e+00, v0  }
0xc5: {  	[tilespmem:s31+$0xA4A0] =	vst v6;
	v6 =	vld [tilespmem:s31+$0x590];
	v1 =	vmul.f32 $8.000000000e+00, v1  }
0xc6: {  	[tilespmem:s31+$0xA4B0] =	vst v0;
	v0 =	vld [tilespmem:s31+$0x5A0];
	v2 =	vmul.f32 $8.000000000e+00, v2  }
0xc7: {  	[tilespmem:s31+$0xA500] =	vst v1;
	v1 =	vld [tilespmem:s31+$0x5B0];
	v3 =	vmul.f32 $8.000000000e+00, v3  }
0xc8: {  	[tilespmem:s31+$0xA510] =	vst v2;
	v2 =	vld [tilespmem:s31+$0x600];
	v5 =	vmul.f32 $8.000000000e+00, v5  }
0xc9: {  	[tilespmem:s31+$0xA520] =	vst v3;
	v3 =	vld [tilespmem:s31+$0x610];
	v4 =	vmul.f32 $8.000000000e+00, v4  }
0xca: {  	[tilespmem:s31+$0xA530] =	vst v5;
	v5 =	vld [tilespmem:s31+$0x620];
	v6 =	vmul.f32 $8.000000000e+00, v6  }
0xcb: {  	[tilespmem:s31+$0xA580] =	vst v4;
	v4 =	vld [tilespmem:s31+$0x630];
	v0 =	vmul.f32 $8.000000000e+00, v0  }
0xcc: {  	[tilespmem:s31+$0xA590] =	vst v6;
	v6 =	vld [tilespmem:s31+$0x680];
	v1 =	vmul.f32 $8.000000000e+00, v1  }
0xcd: {  	[tilespmem:s31+$0xA5A0] =	vst v0;
	v0 =	vld [tilespmem:s31+$0x690];
	v2 =	vmul.f32 $8.000000000e+00, v2  }
0xce: {  	[tilespmem:s31+$0xA5B0] =	vst v1;
	v1 =	vld [tilespmem:s31+$0x6A0];
	v3 =	vmul.f32 $8.000000000e+00, v3  }
0xcf: {  	[tilespmem:s31+$0xA600] =	vst v2;
	v2 =	vld [tilespmem:s31+$0x6B0];
	v5 =	vmul.f32 $8.000000000e+00, v5  }
0xd0: {  	[tilespmem:s31+$0xA610] =	vst v3;
	v3 =	vld [tilespmem:s31+$0x700];
	v4 =	vmul.f32 $8.000000000e+00, v4  }
0xd1: {  	[tilespmem:s31+$0xA620] =	vst v5;
	v5 =	vld [tilespmem:s31+$0x710];
	v6 =	vmul.f32 $8.000000000e+00, v6  }
0xd2: {  	[tilespmem:s31+$0xA630] =	vst v4;
	v4 =	vld [tilespmem:s31+$0x720];
	v0 =	vmul.f32 $8.000000000e+00, v0  }
0xd3: {  	[tilespmem:s31+$0xA680] =	vst v6;
	v6 =	vld [tilespmem:s31+$0x730];
	v1 =	vmul.f32 $8.000000000e+00, v1  }
0xd4: {  	[tilespmem:s31+$0xA690] =	vst v0;
	v0 =	vld [tilespmem:s31+$0x780];
	v2 =	vmul.f32 $8.000000000e+00, v2  }
0xd5: {  	[tilespmem:s31+$0xA6A0] =	vst v1;
	v1 =	vld [tilespmem:s31+$0x790];
	v3 =	vmul.f32 $8.000000000e+00, v3  }
0xd6: {  	[tilespmem:s31+$0xA6B0] =	vst v2;
	v2 =	vld [tilespmem:s31+$0x7A0];
	v5 =	vmul.f32 $8.000000000e+00, v5  }
0xd7: {  	[tilespmem:s31+$0xA700] =	vst v3;
	v3 =	vld [tilespmem:s31+$0x7B0];
	v4 =	vmul.f32 $8.000000000e+00, v4  }
0xd8: {  	[tilespmem:s31+$0xA710] =	vst v5;
	v5 =	vld [tilespmem:s31+$0x800];
	v6 =	vmul.f32 $8.000000000e+00, v6  }
0xd9: {  	[tilespmem:s31+$0xA720] =	vst v4;
	v4 =	vld [tilespmem:s31+$0x810];
	v0 =	vmul.f32 $8.000000000e+00, v0  }
0xda: {  	[tilespmem:s31+$0xA730] =	vst v6;
	v6 =	vld [tilespmem:s31+$0x820];
	v1 =	vmul.f32 $8.000000000e+00, v1  }
0xdb: {  	[tilespmem:s31+$0xA780] =	vst v0;
	v0 =	vld [tilespmem:s31+$0x830];
	v2 =	vmul.f32 $8.000000000e+00, v2  }
0xdc: {  	[tilespmem:s31+$0xA790] =	vst v1;
	v1 =	vld [tilespmem:s31+$0x880];
	v3 =	vmul.f32 $8.000000000e+00, v3  }
0xdd: {  	[tilespmem:s31+$0xA7A0] =	vst v2;
	v2 =	vld [tilespmem:s31+$0x890];
	v5 =	vmul.f32 $8.000000000e+00, v5  }
0xde: {  	[tilespmem:s31+$0xA7B0] =	vst v3;
	v3 =	vld [tilespmem:s31+$0x8A0];
	v4 =	vmul.f32 $8.000000000e+00, v4  }
0xdf: {  	[tilespmem:s31+$0xA800] =	vst v5;
	v5 =	vld [tilespmem:s31+$0x8B0];
	v6 =	vmul.f32 $8.000000000e+00, v6  }
0xe0: {  	[tilespmem:s31+$0xA810] =	vst v4;
	v4 =	vld [tilespmem:s31+$0x900];
	v0 =	vmul.f32 $8.000000000e+00, v0  }
0xe1: {  	[tilespmem:s31+$0xA820] =	vst v6;
	v6 =	vld [tilespmem:s31+$0x910];
	v1 =	vmul.f32 $8.000000000e+00, v1  }
0xe2: {  	[tilespmem:s31+$0xA830] =	vst v0;
	v0 =	vld [tilespmem:s31+$0x920];
	v2 =	vmul.f32 $8.000000000e+00, v2  }
0xe3: {  	[tilespmem:s31+$0xA880] =	vst v1;
	v1 =	vld [tilespmem:s31+$0x930];
	v3 =	vmul.f32 $8.000000000e+00, v3  }
0xe4: {  	[tilespmem:s31+$0xA890] =	vst v2;
	v2 =	vld [tilespmem:s31+$0x980];
	v5 =	vmul.f32 $8.000000000e+00, v5  }
0xe5: {  	[tilespmem:s31+$0xA8A0] =	vst v3;
	v3 =	vld [tilespmem:s31+$0x990];
	v4 =	vmul.f32 $8.000000000e+00, v4  }
0xe6: {  	[tilespmem:s31+$0xA8B0] =	vst v5;
	v5 =	vmul.f32 $8.000000000e+00, v6;
	v6 =	vld [tilespmem:s31+$0x9A0]  }
0xe7: {  	[tilespmem:s31+$0xA900] =	vst v4;
	v0 =	vmul.f32 $8.000000000e+00, v0  }
0xe8: {  	[tilespmem:s31+$0xA910] =	vst v5;
	v1 =	vmul.f32 $8.000000000e+00, v1  }
0xe9: {  	[tilespmem:s31+$0xA920] =	vst v0;
	v0 =	vmul.f32 $8.000000000e+00, v2  }
0xea: {  	[tilespmem:s31+$0xA930] =	vst v1;
	v1 =	vmul.f32 $8.000000000e+00, v3  }
0xeb: {  	[tilespmem:s31+$0xA980] =	vst v0;
	v0 =	vmul.f32 $8.000000000e+00, v6  }
0xec: {  	s28 =	sshll.u32 s28, $0x4;
	[tilespmem:s31+$0xA990] =	vst v1  }
0xed: {  	p1 =	seq.s32 s25, $0x4F;
	s28 =	sadd.s32 s6, s28;
	[tilespmem:s31+$0xA9A0] =	vst v0  }
0xee: {  	[hbm4b:s28+s3] =	stream.linear.scatter [tilespmem:s19], [sflag:$0x3], $0x5000, $0x38;
	[tilespmem:$0x14200] =	vst v63  }
0xef: {  	s28 =	sadd.s32 @!p1 s26, s9  }
0xf0: {  	s28 =	sshrl.u32 @!p1 s28, $0x3  }
0xf1: {  	s29 =	simm.s32 @!p1 $0x0;
	s28 =	sadd.s32 @!p1 s2, s28  }
0xf2: {  	[tilespmem:s29], [sflag:$0x5] =	stream.linear.gather @!p1 [hbm4b:s28+s29], $0xA0, $0x38;
	[tilespmem:$0x14200] =	vst v63  }
0xf3: {  	s28 =	simm.s32 @!p1 $0x5  }
0xf4: {  	_ =	swait.ge @!p1 [sflag:s28], $0xA0  }
0xf5: {  	[sflag:s28] =	ssyncset.done @!p1 $0x0  }
0xf6: {  	s30 =	simm.s32 @!p1 $0x200;
	[sflag:s28] =	ssyncadd.s32 @!p1 $0xFFFFFF60;
	s28 =	simm.s32 @!p1 $0xA0  }
0xf7: {  	[tilespmem:s30], [sflag:$0x1] =	stream.indirect.gather @!p1 [hbm4b:s5+s28], $0x80, s29, s28, $0xb8;
	[tilespmem:$0x14200] =	vst v63  }
0xf8: {  	_ =	swait.ge [sflag:s20], $0x5000  }
0xf9: {  	[sflag:s20] =	ssyncset.done $0x0  }
0xfa: {  	s28 =	simm.s32 @!p0 $0x4;
	[sflag:s20] =	ssyncadd.s32 $0xFFFFB000  }
0xfb: {  	_ =	swait.ge @!p0 [sflag:s28], $0x5000  }
0xfc: {  	[sflag:s28] =	ssyncset.done @!p0 $0x0  }
0xfd: {  	s29 =	simm.s32 $0x0;
	[sflag:s28] =	ssyncadd.s32 @!p0 $0xFFFFB000  }
0xfe: {  	v0 =	vld [tilespmem:s29+$0x59B0]  }
0xff: {  	v1 =	vld [tilespmem:s29+$0x5200]  }
0x100: {  	v2 =	vld [tilespmem:s29+$0x5210]  }
0x101: {  	v3 =	vld [tilespmem:s29+$0x5220]  }
0x102: {  	v4 =	vld [tilespmem:s29+$0x5230]  }
0x103: {  	v5 =	vld [tilespmem:s29+$0x5280];
	v0 =	vmul.f32 $8.000000000e+00, v0  }
0x104: {  	v6 =	vld [tilespmem:s29+$0x5290];
	v1 =	vmul.f32 $8.000000000e+00, v1  }
0x105: {  	v7 =	vld [tilespmem:s29+$0x52A0];
	[tilespmem:s29+$0xF9B0] =	vst v0;
	v0 =	vmul.f32 $8.000000000e+00, v2  }
0x106: {  	[tilespmem:s29+$0xF200] =	vst v1;
	v1 =	vld [tilespmem:s29+$0x52B0];
	v2 =	vmul.f32 $8.000000000e+00, v3  }
0x107: {  	v3 =	vmul.f32 $8.000000000e+00, v4;
	[tilespmem:s29+$0xF210] =	vst v0;
	v0 =	vld [tilespmem:s29+$0x5300]  }
0x108: {  	v4 =	vmul.f32 $8.000000000e+00, v5;
	[tilespmem:s29+$0xF220] =	vst v2;
	v2 =	vld [tilespmem:s29+$0x5310]  }
0x109: {  	v5 =	vmul.f32 $8.000000000e+00, v6;
	[tilespmem:s29+$0xF230] =	vst v3;
	v3 =	vld [tilespmem:s29+$0x5320]  }
0x10a: {  	v6 =	vmul.f32 $8.000000000e+00, v7;
	[tilespmem:s29+$0xF280] =	vst v4;
	v4 =	vld [tilespmem:s29+$0x5330]  }
0x10b: {  	[tilespmem:s29+$0xF290] =	vst v5;
	v5 =	vld [tilespmem:s29+$0x5380];
	v1 =	vmul.f32 $8.000000000e+00, v1  }
0x10c: {  	[tilespmem:s29+$0xF2A0] =	vst v6;
	v6 =	vld [tilespmem:s29+$0x5390];
	v0 =	vmul.f32 $8.000000000e+00, v0  }
0x10d: {  	[tilespmem:s29+$0xF2B0] =	vst v1;
	v1 =	vld [tilespmem:s29+$0x53A0];
	v2 =	vmul.f32 $8.000000000e+00, v2  }
0x10e: {  	v3 =	vmul.f32 $8.000000000e+00, v3;
	[tilespmem:s29+$0xF300] =	vst v0;
	v0 =	vld [tilespmem:s29+$0x53B0]  }
0x10f: {  	v4 =	vmul.f32 $8.000000000e+00, v4;
	[tilespmem:s29+$0xF310] =	vst v2;
	v2 =	vld [tilespmem:s29+$0x5400]  }
0x110: {  	v5 =	vmul.f32 $8.000000000e+00, v5;
	[tilespmem:s29+$0xF320] =	vst v3;
	v3 =	vld [tilespmem:s29+$0x5410]  }
0x111: {  	v6 =	vmul.f32 $8.000000000e+00, v6;
	[tilespmem:s29+$0xF330] =	vst v4;
	v4 =	vld [tilespmem:s29+$0x5420]  }
0x112: {  	[tilespmem:s29+$0xF380] =	vst v5;
	v5 =	vld [tilespmem:s29+$0x5430];
	v1 =	vmul.f32 $8.000000000e+00, v1  }
0x113: {  	[tilespmem:s29+$0xF390] =	vst v6;
	v6 =	vld [tilespmem:s29+$0x5480];
	v0 =	vmul.f32 $8.000000000e+00, v0  }
0x114: {  	[tilespmem:s29+$0xF3A0] =	vst v1;
	v1 =	vld [tilespmem:s29+$0x5490];
	v2 =	vmul.f32 $8.000000000e+00, v2  }
0x115: {  	v3 =	vmul.f32 $8.000000000e+00, v3;
	[tilespmem:s29+$0xF3B0] =	vst v0;
	v0 =	vld [tilespmem:s29+$0x54A0]  }
0x116: {  	v4 =	vmul.f32 $8.000000000e+00, v4;
	[tilespmem:s29+$0xF400] =	vst v2;
	v2 =	vld [tilespmem:s29+$0x54B0]  }
0x117: {  	v5 =	vmul.f32 $8.000000000e+00, v5;
	[tilespmem:s29+$0xF410] =	vst v3;
	v3 =	vld [tilespmem:s29+$0x5500]  }
0x118: {  	v6 =	vmul.f32 $8.000000000e+00, v6;
	[tilespmem:s29+$0xF420] =	vst v4;
	v4 =	vld [tilespmem:s29+$0x5510]  }
0x119: {  	[tilespmem:s29+$0xF430] =	vst v5;
	v5 =	vld [tilespmem:s29+$0x5520];
	v1 =	vmul.f32 $8.000000000e+00, v1  }
0x11a: {  	[tilespmem:s29+$0xF480] =	vst v6;
	v6 =	vld [tilespmem:s29+$0x5530];
	v0 =	vmul.f32 $8.000000000e+00, v0  }
0x11b: {  	[tilespmem:s29+$0xF490] =	vst v1;
	v1 =	vld [tilespmem:s29+$0x5580];
	v2 =	vmul.f32 $8.000000000e+00, v2  }
0x11c: {  	v3 =	vmul.f32 $8.000000000e+00, v3;
	[tilespmem:s29+$0xF4A0] =	vst v0;
	v0 =	vld [tilespmem:s29+$0x5590]  }
0x11d: {  	v4 =	vmul.f32 $8.000000000e+00, v4;
	[tilespmem:s29+$0xF4B0] =	vst v2;
	v2 =	vld [tilespmem:s29+$0x55A0]  }
0x11e: {  	v5 =	vmul.f32 $8.000000000e+00, v5;
	[tilespmem:s29+$0xF500] =	vst v3;
	v3 =	vld [tilespmem:s29+$0x55B0]  }
0x11f: {  	v6 =	vmul.f32 $8.000000000e+00, v6;
	[tilespmem:s29+$0xF510] =	vst v4;
	v4 =	vld [tilespmem:s29+$0x5600]  }
0x120: {  	[tilespmem:s29+$0xF520] =	vst v5;
	v5 =	vld [tilespmem:s29+$0x5610];
	v1 =	vmul.f32 $8.000000000e+00, v1  }
0x121: {  	[tilespmem:s29+$0xF530] =	vst v6;
	v6 =	vld [tilespmem:s29+$0x5620];
	v0 =	vmul.f32 $8.000000000e+00, v0  }
0x122: {  	[tilespmem:s29+$0xF580] =	vst v1;
	v1 =	vld [tilespmem:s29+$0x5630];
	v2 =	vmul.f32 $8.000000000e+00, v2  }
0x123: {  	v3 =	vmul.f32 $8.000000000e+00, v3;
	[tilespmem:s29+$0xF590] =	vst v0;
	v0 =	vld [tilespmem:s29+$0x5680]  }
0x124: {  	v4 =	vmul.f32 $8.000000000e+00, v4;
	[tilespmem:s29+$0xF5A0] =	vst v2;
	v2 =	vld [tilespmem:s29+$0x5690]  }
0x125: {  	v5 =	vmul.f32 $8.000000000e+00, v5;
	[tilespmem:s29+$0xF5B0] =	vst v3;
	v3 =	vld [tilespmem:s29+$0x56A0]  }
0x126: {  	v6 =	vmul.f32 $8.000000000e+00, v6;
	[tilespmem:s29+$0xF600] =	vst v4;
	v4 =	vld [tilespmem:s29+$0x56B0]  }
0x127: {  	[tilespmem:s29+$0xF610] =	vst v5;
	v5 =	vld [tilespmem:s29+$0x5700];
	v1 =	vmul.f32 $8.000000000e+00, v1  }
0x128: {  	[tilespmem:s29+$0xF620] =	vst v6;
	v6 =	vld [tilespmem:s29+$0x5710];
	v0 =	vmul.f32 $8.000000000e+00, v0  }
0x129: {  	[tilespmem:s29+$0xF630] =	vst v1;
	v1 =	vld [tilespmem:s29+$0x5720];
	v2 =	vmul.f32 $8.000000000e+00, v2  }
0x12a: {  	v3 =	vmul.f32 $8.000000000e+00, v3;
	[tilespmem:s29+$0xF680] =	vst v0;
	v0 =	vld [tilespmem:s29+$0x5730]  }
0x12b: {  	v4 =	vmul.f32 $8.000000000e+00, v4;
	[tilespmem:s29+$0xF690] =	vst v2;
	v2 =	vld [tilespmem:s29+$0x5780]  }
0x12c: {  	v5 =	vmul.f32 $8.000000000e+00, v5;
	[tilespmem:s29+$0xF6A0] =	vst v3;
	v3 =	vld [tilespmem:s29+$0x5790]  }
0x12d: {  	v6 =	vmul.f32 $8.000000000e+00, v6;
	[tilespmem:s29+$0xF6B0] =	vst v4;
	v4 =	vld [tilespmem:s29+$0x57A0]  }
0x12e: {  	[tilespmem:s29+$0xF700] =	vst v5;
	v5 =	vld [tilespmem:s29+$0x57B0];
	v1 =	vmul.f32 $8.000000000e+00, v1  }
0x12f: {  	[tilespmem:s29+$0xF710] =	vst v6;
	v6 =	vld [tilespmem:s29+$0x5800];
	v0 =	vmul.f32 $8.000000000e+00, v0  }
0x130: {  	[tilespmem:s29+$0xF720] =	vst v1;
	v1 =	vld [tilespmem:s29+$0x5810];
	v2 =	vmul.f32 $8.000000000e+00, v2  }
0x131: {  	v3 =	vmul.f32 $8.000000000e+00, v3;
	[tilespmem:s29+$0xF730] =	vst v0;
	v0 =	vld [tilespmem:s29+$0x5820]  }
0x132: {  	v4 =	vmul.f32 $8.000000000e+00, v4;
	[tilespmem:s29+$0xF780] =	vst v2;
	v2 =	vld [tilespmem:s29+$0x5830]  }
0x133: {  	v5 =	vmul.f32 $8.000000000e+00, v5;
	[tilespmem:s29+$0xF790] =	vst v3;
	v3 =	vld [tilespmem:s29+$0x5880]  }
0x134: {  	v6 =	vmul.f32 $8.000000000e+00, v6;
	[tilespmem:s29+$0xF7A0] =	vst v4;
	v4 =	vld [tilespmem:s29+$0x5890]  }
0x135: {  	[tilespmem:s29+$0xF7B0] =	vst v5;
	v5 =	vld [tilespmem:s29+$0x58A0]  }
0x136: {  	[tilespmem:s29+$0xF800] =	vst v6;
	v6 =	vld [tilespmem:s29+$0x58B0];
	v1 =	vmul.f32 $8.000000000e+00, v1  }
0x137: {  	v0 =	vmul.f32 $8.000000000e+00, v0  }
0x138: {  	v7 =	vld [tilespmem:s29+$0x5900];
	[tilespmem:s29+$0xF810] =	vst v1;
	v1 =	vmul.f32 $8.000000000e+00, v2  }
0x139: {  	v8 =	vld [tilespmem:s29+$0x5910];
	v2 =	vmul.f32 $8.000000000e+00, v3;
	[tilespmem:s29+$0xF820] =	vst v0  }
0x13a: {  	v3 =	vmul.f32 $8.000000000e+00, v4;
	[tilespmem:s29+$0xF830] =	vst v1;
	v0 =	vld [tilespmem:s29+$0x5920]  }
0x13b: {  	v4 =	vmul.f32 $8.000000000e+00, v5;
	v5 =	vmul.f32 $8.000000000e+00, v6;
	[tilespmem:s29+$0xF880] =	vst v2;
	v1 =	vld [tilespmem:s29+$0x5930]  }
0x13c: {  	[tilespmem:s29+$0xF890] =	vst v3;
	v2 =	vld [tilespmem:s29+$0x5980]  }
0x13d: {  	v3 =	vld [tilespmem:s29+$0x5990];
	[tilespmem:s29+$0xF8B0] =	vst v5;
	v5 =	vmul.f32 $8.000000000e+00, v7  }
0x13e: {  	s31 =	simm.s32 $0x800;
	s30 =	simm.s32 $0x4000;
	s28 =	sadd.s32 s26, s10;
	v6 =	vmul.f32 $8.000000000e+00, v8;
	[tilespmem:s29+$0xF8A0] =	vst v4;
	v4 =	vld [tilespmem:s29+$0x59A0]  }
.LBB2_5:
0x13f: {  	p0 =	sne.s32 s30, $0x12000;
	v7 =	vld [tilespmem:s31+$0x59B0];
	[tilespmem:s29+$0xF900] =	vst v5;
	v0 =	vmul.f32 $8.000000000e+00, v0  }
0x140: {  	v5 =	vld [tilespmem:s31+$0x5200];
	[tilespmem:s29+$0xF910] =	vst v6;
	v1 =	vmul.f32 $8.000000000e+00, v1  }
0x141: {  	v6 =	vld [tilespmem:s31+$0x5210];
	[tilespmem:s29+$0xF920] =	vst v0;
	v0 =	vmul.f32 $8.000000000e+00, v2  }
0x142: {  	v2 =	vld [tilespmem:s31+$0x5220];
	[tilespmem:s29+$0xF930] =	vst v1;
	v1 =	vmul.f32 $8.000000000e+00, v3  }
0x143: {  	v3 =	vld [tilespmem:s31+$0x5230];
	[tilespmem:s29+$0xF980] =	vst v0;
	v0 =	vmul.f32 $8.000000000e+00, v4  }
0x144: {  	v4 =	vld [tilespmem:s31+$0x5280];
	v7 =	vmul.f32 $8.000000000e+00, v7;
	[tilespmem:s29+$0xF990] =	vst v1  }
0x145: {  	v1 =	vmul.f32 $8.000000000e+00, v5;
	v5 =	vld [tilespmem:s31+$0x5290];
	[tilespmem:s29+$0xF9A0] =	vst v0;
	s29 =	smov.u32 s31  }
0x146: {  	v0 =	vmul.f32 $8.000000000e+00, v6;
	v6 =	vld [tilespmem:s29+$0x52A0];
	[tilespmem:s29+$0xF9B0] =	vst v7  }
0x147: {  	[tilespmem:s29+$0xF200] =	vst v1;
	v1 =	vmul.f32 $8.000000000e+00, v2;
	v2 =	vld [tilespmem:s29+$0x52B0]  }
0x148: {  	[tilespmem:s29+$0xF210] =	vst v0;
	v0 =	vmul.f32 $8.000000000e+00, v3;
	v3 =	vld [tilespmem:s29+$0x5300]  }
0x149: {  	[tilespmem:s29+$0xF220] =	vst v1;
	v1 =	vmul.f32 $8.000000000e+00, v4;
	v4 =	vld [tilespmem:s29+$0x5310]  }
0x14a: {  	[tilespmem:s29+$0xF230] =	vst v0;
	v0 =	vmul.f32 $8.000000000e+00, v5;
	v5 =	vld [tilespmem:s29+$0x5320]  }
0x14b: {  	[tilespmem:s29+$0xF280] =	vst v1;
	v1 =	vmul.f32 $8.000000000e+00, v6;
	v6 =	vld [tilespmem:s29+$0x5330]  }
0x14c: {  	[tilespmem:s29+$0xF290] =	vst v0;
	v0 =	vmul.f32 $8.000000000e+00, v2;
	v2 =	vld [tilespmem:s29+$0x5380]  }
0x14d: {  	[tilespmem:s29+$0xF2A0] =	vst v1;
	v1 =	vmul.f32 $8.000000000e+00, v3;
	v3 =	vld [tilespmem:s29+$0x5390]  }
0x14e: {  	[tilespmem:s29+$0xF2B0] =	vst v0;
	v0 =	vmul.f32 $8.000000000e+00, v4;
	v4 =	vld [tilespmem:s29+$0x53A0]  }
0x14f: {  	[tilespmem:s29+$0xF300] =	vst v1;
	v1 =	vmul.f32 $8.000000000e+00, v5;
	v5 =	vld [tilespmem:s29+$0x53B0]  }
0x150: {  	[tilespmem:s29+$0xF310] =	vst v0;
	v0 =	vmul.f32 $8.000000000e+00, v6;
	v6 =	vld [tilespmem:s29+$0x5400]  }
0x151: {  	[tilespmem:s29+$0xF320] =	vst v1;
	v1 =	vmul.f32 $8.000000000e+00, v2;
	v2 =	vld [tilespmem:s29+$0x5410]  }
0x152: {  	[tilespmem:s29+$0xF330] =	vst v0;
	v0 =	vmul.f32 $8.000000000e+00, v3;
	v3 =	vld [tilespmem:s29+$0x5420]  }
0x153: {  	[tilespmem:s29+$0xF380] =	vst v1;
	v1 =	vmul.f32 $8.000000000e+00, v4;
	v4 =	vld [tilespmem:s29+$0x5430]  }
0x154: {  	[tilespmem:s29+$0xF390] =	vst v0;
	v0 =	vmul.f32 $8.000000000e+00, v5;
	v5 =	vld [tilespmem:s29+$0x5480]  }
0x155: {  	[tilespmem:s29+$0xF3A0] =	vst v1;
	v1 =	vmul.f32 $8.000000000e+00, v6;
	v6 =	vld [tilespmem:s29+$0x5490]  }
0x156: {  	[tilespmem:s29+$0xF3B0] =	vst v0;
	v0 =	vmul.f32 $8.000000000e+00, v2;
	v2 =	vld [tilespmem:s29+$0x54A0]  }
0x157: {  	[tilespmem:s29+$0xF400] =	vst v1;
	v1 =	vmul.f32 $8.000000000e+00, v3;
	v3 =	vld [tilespmem:s29+$0x54B0]  }
0x158: {  	[tilespmem:s29+$0xF410] =	vst v0;
	v0 =	vmul.f32 $8.000000000e+00, v4;
	v4 =	vld [tilespmem:s29+$0x5500]  }
0x159: {  	[tilespmem:s29+$0xF420] =	vst v1;
	v1 =	vmul.f32 $8.000000000e+00, v5;
	v5 =	vld [tilespmem:s29+$0x5510]  }
0x15a: {  	[tilespmem:s29+$0xF430] =	vst v0;
	v0 =	vmul.f32 $8.000000000e+00, v6;
	v6 =	vld [tilespmem:s29+$0x5520]  }
0x15b: {  	[tilespmem:s29+$0xF480] =	vst v1;
	v1 =	vmul.f32 $8.000000000e+00, v2;
	v2 =	vld [tilespmem:s29+$0x5530]  }
0x15c: {  	[tilespmem:s29+$0xF490] =	vst v0;
	v0 =	vmul.f32 $8.000000000e+00, v3;
	v3 =	vld [tilespmem:s29+$0x5580]  }
0x15d: {  	[tilespmem:s29+$0xF4A0] =	vst v1;
	v1 =	vmul.f32 $8.000000000e+00, v4;
	v4 =	vld [tilespmem:s29+$0x5590]  }
0x15e: {  	[tilespmem:s29+$0xF4B0] =	vst v0;
	v0 =	vmul.f32 $8.000000000e+00, v5;
	v5 =	vld [tilespmem:s29+$0x55A0]  }
0x15f: {  	[tilespmem:s29+$0xF500] =	vst v1;
	v1 =	vmul.f32 $8.000000000e+00, v6;
	v6 =	vld [tilespmem:s29+$0x55B0]  }
0x160: {  	[tilespmem:s29+$0xF510] =	vst v0;
	v0 =	vmul.f32 $8.000000000e+00, v2;
	v2 =	vld [tilespmem:s29+$0x5600]  }
0x161: {  	[tilespmem:s29+$0xF520] =	vst v1;
	v1 =	vmul.f32 $8.000000000e+00, v3;
	v3 =	vld [tilespmem:s29+$0x5610]  }
0x162: {  	[tilespmem:s29+$0xF530] =	vst v0;
	v0 =	vmul.f32 $8.000000000e+00, v4;
	v4 =	vld [tilespmem:s29+$0x5620]  }
0x163: {  	[tilespmem:s29+$0xF580] =	vst v1;
	v1 =	vmul.f32 $8.000000000e+00, v5;
	v5 =	vld [tilespmem:s29+$0x5630]  }
0x164: {  	[tilespmem:s29+$0xF590] =	vst v0;
	v0 =	vmul.f32 $8.000000000e+00, v6;
	v6 =	vld [tilespmem:s29+$0x5680]  }
0x165: {  	[tilespmem:s29+$0xF5A0] =	vst v1;
	v1 =	vmul.f32 $8.000000000e+00, v2;
	v2 =	vld [tilespmem:s29+$0x5690]  }
0x166: {  	[tilespmem:s29+$0xF5B0] =	vst v0;
	v0 =	vmul.f32 $8.000000000e+00, v3;
	v3 =	vld [tilespmem:s29+$0x56A0]  }
0x167: {  	[tilespmem:s29+$0xF600] =	vst v1;
	v1 =	vmul.f32 $8.000000000e+00, v4;
	v4 =	vld [tilespmem:s29+$0x56B0]  }
0x168: {  	[tilespmem:s29+$0xF610] =	vst v0;
	v0 =	vmul.f32 $8.000000000e+00, v5;
	v5 =	vld [tilespmem:s29+$0x5700]  }
0x169: {  	[tilespmem:s29+$0xF620] =	vst v1;
	v1 =	vmul.f32 $8.000000000e+00, v6;
	v6 =	vld [tilespmem:s29+$0x5710]  }
0x16a: {  	[tilespmem:s29+$0xF630] =	vst v0;
	v0 =	vmul.f32 $8.000000000e+00, v2;
	v2 =	vld [tilespmem:s29+$0x5720]  }
0x16b: {  	[tilespmem:s29+$0xF680] =	vst v1;
	v1 =	vmul.f32 $8.000000000e+00, v3;
	v3 =	vld [tilespmem:s29+$0x5730]  }
0x16c: {  	[tilespmem:s29+$0xF690] =	vst v0;
	v0 =	vmul.f32 $8.000000000e+00, v4;
	v4 =	vld [tilespmem:s29+$0x5780]  }
0x16d: {  	[tilespmem:s29+$0xF6A0] =	vst v1;
	v1 =	vmul.f32 $8.000000000e+00, v5;
	v5 =	vld [tilespmem:s29+$0x5790]  }
0x16e: {  	[tilespmem:s29+$0xF6B0] =	vst v0;
	v0 =	vmul.f32 $8.000000000e+00, v6;
	v6 =	vld [tilespmem:s29+$0x57A0]  }
0x16f: {  	[tilespmem:s29+$0xF700] =	vst v1;
	v1 =	vmul.f32 $8.000000000e+00, v2;
	v2 =	vld [tilespmem:s29+$0x57B0]  }
0x170: {  	[tilespmem:s29+$0xF710] =	vst v0;
	v0 =	vmul.f32 $8.000000000e+00, v3;
	v3 =	vld [tilespmem:s29+$0x5800]  }
0x171: {  	[tilespmem:s29+$0xF720] =	vst v1;
	v1 =	vmul.f32 $8.000000000e+00, v4;
	v4 =	vld [tilespmem:s29+$0x5810]  }
0x172: {  	[tilespmem:s29+$0xF730] =	vst v0;
	v0 =	vmul.f32 $8.000000000e+00, v5;
	v5 =	vld [tilespmem:s29+$0x5820]  }
0x173: {  	[tilespmem:s29+$0xF780] =	vst v1;
	v1 =	vmul.f32 $8.000000000e+00, v6;
	v6 =	vld [tilespmem:s29+$0x5830]  }
0x174: {  	[tilespmem:s29+$0xF790] =	vst v0;
	v0 =	vmul.f32 $8.000000000e+00, v2;
	v2 =	vld [tilespmem:s29+$0x5880]  }
0x175: {  	[tilespmem:s29+$0xF7A0] =	vst v1;
	v1 =	vmul.f32 $8.000000000e+00, v3;
	v3 =	vld [tilespmem:s29+$0x5890]  }
0x176: {  	[tilespmem:s29+$0xF7B0] =	vst v0;
	v0 =	vmul.f32 $8.000000000e+00, v4;
	v4 =	vld [tilespmem:s29+$0x58A0]  }
0x177: {  	[tilespmem:s29+$0xF800] =	vst v1;
	v1 =	vmul.f32 $8.000000000e+00, v5;
	v5 =	vld [tilespmem:s29+$0x58B0]  }
0x178: {  	[tilespmem:s29+$0xF810] =	vst v0;
	v0 =	vmul.f32 $8.000000000e+00, v6;
	v6 =	vld [tilespmem:s29+$0x5900]  }
0x179: {  	[tilespmem:s29+$0xF820] =	vst v1;
	v1 =	vmul.f32 $8.000000000e+00, v2;
	v7 =	vld [tilespmem:s29+$0x5910]  }
.Ltmp3:
0x17a: {  	[tilespmem:s29+$0xF830] =	vst v0;
	v2 =	vmul.f32 $8.000000000e+00, v3;
	v0 =	vld [tilespmem:s29+$0x5920];
	(pc) =	sbr.rel @p0 .LBB2_5-.Ltmp3, $4  }
0x17b: {  	[tilespmem:s29+$0xF880] =	vst v1;
	v3 =	vmul.f32 $8.000000000e+00, v4;
	v1 =	vld [tilespmem:s29+$0x5930]  }
0x17c: {  	[tilespmem:s29+$0xF890] =	vst v2;
	v4 =	vmul.f32 $8.000000000e+00, v5;
	v2 =	vld [tilespmem:s29+$0x5980]  }
0x17d: {  	[tilespmem:s29+$0xF8A0] =	vst v3;
	v5 =	vmul.f32 $8.000000000e+00, v6;
	v3 =	vld [tilespmem:s29+$0x5990]  }
0x17e: {  	s31 =	sshra.s32 s30, $0x2;
	s30 =	sadd.s32 $0x2000, s30;
	[tilespmem:s29+$0xF8B0] =	vst v4;
	v6 =	vmul.f32 $8.000000000e+00, v7;
	v4 =	vld [tilespmem:s29+$0x59A0]  }
0x17f: {  	v7 =	vld [tilespmem:s31+$0x59B0];
	[tilespmem:s29+$0xF900] =	vst v5;
	v0 =	vmul.f32 $8.000000000e+00, v0  }
0x180: {  	v5 =	vld [tilespmem:s31+$0x5200];
	[tilespmem:s29+$0xF910] =	vst v6;
	v1 =	vmul.f32 $8.000000000e+00, v1  }
0x181: {  	v6 =	vld [tilespmem:s31+$0x5210];
	[tilespmem:s29+$0xF920] =	vst v0;
	v2 =	vmul.f32 $8.000000000e+00, v2  }
0x182: {  	v0 =	vld [tilespmem:s31+$0x5220];
	[tilespmem:s29+$0xF930] =	vst v1;
	v3 =	vmul.f32 $8.000000000e+00, v3  }
0x183: {  	v1 =	vld [tilespmem:s31+$0x5230];
	[tilespmem:s29+$0xF980] =	vst v2;
	v4 =	vmul.f32 $8.000000000e+00, v4  }
0x184: {  	v2 =	vld [tilespmem:s31+$0x5280];
	[tilespmem:s29+$0xF990] =	vst v3;
	v7 =	vmul.f32 $8.000000000e+00, v7  }
0x185: {  	v3 =	vld [tilespmem:s31+$0x5290];
	[tilespmem:s29+$0xF9A0] =	vst v4;
	v57 =	vmul.f32 $8.000000000e+00, v5  }
0x186: {  	v58 =	vld [tilespmem:s31+$0x52A0];
	[tilespmem:s31+$0xF9B0] =	vst v7;
	v6 =	vmul.f32 $8.000000000e+00, v6  }
0x187: {  	v59 =	vld [tilespmem:s31+$0x52B0];
	[tilespmem:s31+$0xF200] =	vst v57;
	v0 =	vmul.f32 $8.000000000e+00, v0  }
0x188: {  	v60 =	vld [tilespmem:s31+$0x5300];
	[tilespmem:s31+$0xF210] =	vst v6;
	v1 =	vmul.f32 $8.000000000e+00, v1  }
0x189: {  	v61 =	vld [tilespmem:s31+$0x5310];
	[tilespmem:s31+$0xF220] =	vst v0;
	v2 =	vmul.f32 $8.000000000e+00, v2  }
0x18a: {  	v62 =	vld [tilespmem:s31+$0x5320];
	[tilespmem:s31+$0xF230] =	vst v1;
	v3 =	vmul.f32 $8.000000000e+00, v3  }
0x18b: {  	v63 =	vld [tilespmem:s31+$0x5330];
	[tilespmem:s31+$0xF280] =	vst v2;
	v5 =	vmul.f32 $8.000000000e+00, v58  }
0x18c: {  	v54 =	vld [tilespmem:s31+$0x5910];
	v4 =	vmul.f32 $8.000000000e+00, v59;
	[tilespmem:s31+$0xF290] =	vst v3  }
0x18d: {  	v9 =	vld [tilespmem:s31+$0x5380];
	v6 =	vmul.f32 $8.000000000e+00, v60;
	[tilespmem:s31+$0xF2A0] =	vst v5  }
0x18e: {  	v57 =	vld [tilespmem:s31+$0x5980];
	v0 =	vmul.f32 $8.000000000e+00, v61;
	[tilespmem:s31+$0xF2B0] =	vst v4  }
0x18f: {  	v10 =	vld [tilespmem:s31+$0x5390];
	v1 =	vmul.f32 $8.000000000e+00, v62;
	[tilespmem:s31+$0xF300] =	vst v6  }
0x190: {  	v11 =	vld [tilespmem:s31+$0x53A0];
	v2 =	vmul.f32 $8.000000000e+00, v63;
	[tilespmem:s31+$0xF310] =	vst v0  }
0x191: {  	v12 =	vld [tilespmem:s31+$0x53B0];
	v59 =	vmul.f32 $8.000000000e+00, v54;
	[tilespmem:s31+$0xF320] =	vst v1  }
0x192: {  	v13 =	vld [tilespmem:s31+$0x5400];
	v3 =	vmul.f32 $8.000000000e+00, v9;
	[tilespmem:s31+$0xF330] =	vst v2  }
0x193: {  	v14 =	vld [tilespmem:s31+$0x5410];
	v61 =	vmul.f32 $8.000000000e+00, v57;
	[tilespmem:s31+$0xF910] =	vst v59  }
0x194: {  	v15 =	vld [tilespmem:s31+$0x5420];
	v5 =	vmul.f32 $8.000000000e+00, v10;
	[tilespmem:s31+$0xF380] =	vst v3  }
0x195: {  	v16 =	vld [tilespmem:s31+$0x5430];
	v4 =	vmul.f32 $8.000000000e+00, v11;
	[tilespmem:s31+$0xF980] =	vst v61  }
0x196: {  	v17 =	vld [tilespmem:s31+$0x5480];
	v6 =	vmul.f32 $8.000000000e+00, v12;
	[tilespmem:s31+$0xF390] =	vst v5  }
0x197: {  	v18 =	vld [tilespmem:s31+$0x5490];
	v0 =	vmul.f32 $8.000000000e+00, v13;
	[tilespmem:s31+$0xF3A0] =	vst v4  }
0x198: {  	v19 =	vld [tilespmem:s31+$0x54A0];
	v1 =	vmul.f32 $8.000000000e+00, v14;
	[tilespmem:s31+$0xF3B0] =	vst v6  }
0x199: {  	v20 =	vld [tilespmem:s31+$0x54B0];
	v2 =	vmul.f32 $8.000000000e+00, v15;
	[tilespmem:s31+$0xF400] =	vst v0  }
0x19a: {  	v21 =	vld [tilespmem:s31+$0x5500];
	v3 =	vmul.f32 $8.000000000e+00, v16;
	[tilespmem:s31+$0xF410] =	vst v1  }
0x19b: {  	v22 =	vld [tilespmem:s31+$0x5510];
	[tilespmem:s31+$0xF420] =	vst v2;
	v5 =	vmul.f32 $8.000000000e+00, v17  }
0x19c: {  	v23 =	vld [tilespmem:s31+$0x5520];
	v4 =	vmul.f32 $8.000000000e+00, v18;
	[tilespmem:s31+$0xF430] =	vst v3  }
0x19d: {  	v58 =	vld [tilespmem:s31+$0x5990];
	v6 =	vmul.f32 $8.000000000e+00, v19;
	[tilespmem:s31+$0xF480] =	vst v5  }
0x19e: {  	v60 =	vld [tilespmem:s31+$0x59A0];
	v0 =	vmul.f32 $8.000000000e+00, v20;
	[tilespmem:s31+$0xF490] =	vst v4  }
0x19f: {  	v24 =	vld [tilespmem:s31+$0x5530];
	v1 =	vmul.f32 $8.000000000e+00, v21;
	[tilespmem:s31+$0xF4A0] =	vst v6  }
0x1a0: {  	v25 =	vld [tilespmem:s31+$0x5580];
	v2 =	vmul.f32 $8.000000000e+00, v22;
	[tilespmem:s31+$0xF4B0] =	vst v0  }
0x1a1: {  	v26 =	vld [tilespmem:s31+$0x5590];
	v3 =	vmul.f32 $8.000000000e+00, v23;
	[tilespmem:s31+$0xF500] =	vst v1  }
0x1a2: {  	v27 =	vld [tilespmem:s31+$0x55A0];
	v62 =	vmul.f32 $8.000000000e+00, v58;
	[tilespmem:s31+$0xF510] =	vst v2  }
0x1a3: {  	v28 =	vld [tilespmem:s31+$0x55B0];
	v63 =	vmul.f32 $8.000000000e+00, v60;
	[tilespmem:s31+$0xF520] =	vst v3  }
0x1a4: {  	v29 =	vld [tilespmem:s31+$0x5600];
	v5 =	vmul.f32 $8.000000000e+00, v24;
	[tilespmem:s31+$0xF990] =	vst v62  }
0x1a5: {  	v30 =	vld [tilespmem:s31+$0x5610];
	v4 =	vmul.f32 $8.000000000e+00, v25;
	[tilespmem:s31+$0xF9A0] =	vst v63  }
0x1a6: {  	v31 =	vld [tilespmem:s31+$0x5620];
	v6 =	vmul.f32 $8.000000000e+00, v26;
	[tilespmem:s31+$0xF530] =	vst v5  }
0x1a7: {  	v32 =	vld [tilespmem:s31+$0x5630];
	v0 =	vmul.f32 $8.000000000e+00, v27;
	[tilespmem:s31+$0xF580] =	vst v4  }
0x1a8: {  	v33 =	vld [tilespmem:s31+$0x5680];
	v1 =	vmul.f32 $8.000000000e+00, v28;
	[tilespmem:s31+$0xF590] =	vst v6  }
0x1a9: {  	v34 =	vld [tilespmem:s31+$0x5690];
	v2 =	vmul.f32 $8.000000000e+00, v29;
	[tilespmem:s31+$0xF5A0] =	vst v0  }
0x1aa: {  	v35 =	vld [tilespmem:s31+$0x56A0];
	v3 =	vmul.f32 $8.000000000e+00, v30;
	[tilespmem:s31+$0xF5B0] =	vst v1  }
0x1ab: {  	v36 =	vld [tilespmem:s31+$0x56B0];
	[tilespmem:s31+$0xF600] =	vst v2;
	v5 =	vmul.f32 $8.000000000e+00, v31  }
0x1ac: {  	v37 =	vld [tilespmem:s31+$0x5700];
	v4 =	vmul.f32 $8.000000000e+00, v32;
	[tilespmem:s31+$0xF610] =	vst v3  }
0x1ad: {  	v38 =	vld [tilespmem:s31+$0x5710];
	v6 =	vmul.f32 $8.000000000e+00, v33;
	[tilespmem:s31+$0xF620] =	vst v5  }
0x1ae: {  	v39 =	vld [tilespmem:s31+$0x5720];
	v0 =	vmul.f32 $8.000000000e+00, v34;
	[tilespmem:s31+$0xF630] =	vst v4  }
0x1af: {  	v40 =	vld [tilespmem:s31+$0x5730];
	v1 =	vmul.f32 $8.000000000e+00, v35;
	[tilespmem:s31+$0xF680] =	vst v6  }
0x1b0: {  	v41 =	vld [tilespmem:s31+$0x5780];
	v2 =	vmul.f32 $8.000000000e+00, v36;
	[tilespmem:s31+$0xF690] =	vst v0  }
0x1b1: {  	v42 =	vld [tilespmem:s31+$0x5790];
	v3 =	vmul.f32 $8.000000000e+00, v37;
	[tilespmem:s31+$0xF6A0] =	vst v1  }
0x1b2: {  	v43 =	vld [tilespmem:s31+$0x57A0];
	[tilespmem:s31+$0xF6B0] =	vst v2;
	v5 =	vmul.f32 $8.000000000e+00, v38  }
0x1b3: {  	v44 =	vld [tilespmem:s31+$0x57B0];
	v4 =	vmul.f32 $8.000000000e+00, v39;
	[tilespmem:s31+$0xF700] =	vst v3  }
0x1b4: {  	v45 =	vld [tilespmem:s31+$0x5800];
	v6 =	vmul.f32 $8.000000000e+00, v40;
	[tilespmem:s31+$0xF710] =	vst v5  }
0x1b5: {  	v46 =	vld [tilespmem:s31+$0x5810];
	v0 =	vmul.f32 $8.000000000e+00, v41;
	[tilespmem:s31+$0xF720] =	vst v4  }
0x1b6: {  	v47 =	vld [tilespmem:s31+$0x5820];
	v1 =	vmul.f32 $8.000000000e+00, v42;
	[tilespmem:s31+$0xF730] =	vst v6  }
0x1b7: {  	v48 =	vld [tilespmem:s31+$0x5830];
	v2 =	vmul.f32 $8.000000000e+00, v43;
	[tilespmem:s31+$0xF780] =	vst v0  }
0x1b8: {  	v49 =	vld [tilespmem:s31+$0x5880];
	v3 =	vmul.f32 $8.000000000e+00, v44;
	[tilespmem:s31+$0xF790] =	vst v1  }
0x1b9: {  	v50 =	vld [tilespmem:s31+$0x5890];
	[tilespmem:s31+$0xF7A0] =	vst v2;
	v5 =	vmul.f32 $8.000000000e+00, v45  }
0x1ba: {  	v51 =	vld [tilespmem:s31+$0x58A0];
	v4 =	vmul.f32 $8.000000000e+00, v46;
	[tilespmem:s31+$0xF7B0] =	vst v3  }
0x1bb: {  	v52 =	vld [tilespmem:s31+$0x58B0];
	v6 =	vmul.f32 $8.000000000e+00, v47;
	[tilespmem:s31+$0xF800] =	vst v5  }
0x1bc: {  	v53 =	vld [tilespmem:s31+$0x5900];
	v0 =	vmul.f32 $8.000000000e+00, v48;
	[tilespmem:s31+$0xF810] =	vst v4  }
0x1bd: {  	v55 =	vld [tilespmem:s31+$0x5920];
	v1 =	vmul.f32 $8.000000000e+00, v49;
	[tilespmem:s31+$0xF820] =	vst v6  }
0x1be: {  	v56 =	vld [tilespmem:s31+$0x5930];
	v2 =	vmul.f32 $8.000000000e+00, v50;
	[tilespmem:s31+$0xF830] =	vst v0  }
0x1bf: {  	v3 =	vmul.f32 $8.000000000e+00, v51;
	[tilespmem:s31+$0xF880] =	vst v1  }
0x1c0: {  	[tilespmem:s31+$0xF890] =	vst v2;
	v5 =	vmul.f32 $8.000000000e+00, v52  }
0x1c1: {  	v4 =	vmul.f32 $8.000000000e+00, v53;
	[tilespmem:s31+$0xF8A0] =	vst v3  }
.Ltmp4:
0x1c2: {  	v0 =	vmul.f32 $8.000000000e+00, v55;
	[tilespmem:s31+$0xF8B0] =	vst v5;
	(pc) =	sbr.rel @p1 .LBB2_8-.Ltmp4, $4  }
0x1c3: {  	v1 =	vmul.f32 $8.000000000e+00, v56;
	[tilespmem:s31+$0xF900] =	vst v4  }
0x1c4: {  	s28 =	sshll.u32 s28, $0x4;
	[tilespmem:s31+$0xF920] =	vst v0  }
0x1c5: {  	s28 =	sadd.s32 s6, s28;
	[tilespmem:s31+$0xF930] =	vst v1  }
0x1c6: {  	[hbm4b:s28+s3] =	stream.linear.scatter [tilespmem:s21], [sflag:$0x4], $0x5000, $0x38;
	[tilespmem:$0x14200] =	vst v63  }
0x1c7: {  	s26 =	sadd.s32 s26, s11  }
0x1c8: {  	s26 =	sshrl.u32 s26, $0x3  }
0x1c9: {  	s26 =	sadd.s32 s2, s26  }
0x1ca: {  	[tilespmem:s16], [sflag:$0x5] =	stream.linear.gather [hbm4b:s26+s3], $0xA0, $0x38;
	[tilespmem:$0x14200] =	vst v63  }
.Ltmp5:
0x1cb: {  	_ = 	snop;
	(pc) =	sbr.rel .LBB2_2-.Ltmp5, $4  }
0x1cc: {  	_ =	swait.ge [sflag:s13], $0xA0  }
0x1cd: {  	[sflag:s13] =	ssyncset.done $0x0  }
0x1ce: {  	s25 =	sadd.s32 $0x1, s25;
	[sflag:s13] =	ssyncadd.s32 $0xFFFFFF60  }
0x1cf: {  	[tilespmem:s17], [sflag:$0x2] =	stream.indirect.gather [hbm4b:s5+s14], $0x80, s16, s14, $0xb8;
	[tilespmem:$0x14200] =	vst v63  }
.LBB2_9:
0x1d0: {  	_ =	sfence.sel $0x180000  }
0x1d1: {  	[bflag:$0x0] =	sbarrier.arrive $0xFFFF  }
0x1d2: {  	p0 =	sne.s32 s0, $0x0;
	_ =	strace $0x90000047  }
0x1d3: {  	s0 =	sadd.s32 @!p0 $0x100000, s1;
	[bflag:$0x2] =	sbarrier.arrive $0xFFFF  }
0x1d4: {  	[sflag:s0] =	ssyncadd.tile.s32 @!p0 $0x1;
	_ =	shalt  }
.Lfunc_end2:
_tile_overlayer_lowered:
.L_overlay_start_2:
0x1d5: {  	(tag) =	ssettag $0x2  }
0x1d6: {  	s0 =	rddreg [dreg:$0x0];
	s2 =	stileid.u32  }
0x1d7: {  	s1 =	rddreg [dreg:$0x1];
	p0 =	sne.s32 s2, $0x0  }
0x1d8: {  	s3 =	rddreg [dreg:$0x2];
	[bflag:$0x3] =	sbarrier.arrive $0xFFFF;
	s2 =	simm.s32 @!p0 $0x1C05  }
0x1d9: {  	[timem:s3], [sflag:s2] =	dma.local @!p0 [hbm:s0], s1  }
0x1da: {  	s0 =	simm.s32 @!p0 $0x5  }
0x1db: {  	_ =	swait.ge @!p0 [sflag:s0], s1  }
0x1dc: {  	s1 =	ssub.s32 @!p0 $0x0, s1;
	[sflag:s0] =	ssyncset.done @!p0 $0x0  }
0x1dd: {  	[sflag:s0] =	ssyncadd.s32 @!p0 s1  }
0x1de: {  	[bflag:$0x3] =	sbarrier.arrive $0xFFFF  }
0x1df: {  	_ =	shalt  }

// kernel: sparse-core-data-format-call.cloned.1.call-start
scs
called_computation_lowered:
.L_overlay_start_0:
0x0: {  	s2 =	sld [smem:$0x3FD9]  }
0x1: {  	s3 =	sld [smem:$0x3FFE];
	_ =	sdelay $0x1  }
0x2: {  	s1 =	srdreg.scid  }
0x3: {  	s0 =	sand.u32 $0x1, s1  }
0x4: {  	s18 =	sshll.u32 s0, $0xA;
	s2 =	sadd.s32 s3, s2  }
0x5: {  	s2 =	sadd.s32 s2, s18  }
0x6: {  	[smem:$0x3FC6] =	sst s2  }
0x7: {  	_ = 	snop  }
0x8: {  	s2 =	sld [smem:$0x3FD0];
	(tm) =	ssettm $0x1  }
0x9: {  	s19 =	sld [smem:$0x3FFB];
	_ =	sdelay $0x3  }
0xa: {  	_ =	strace s19  }
0xb: {  	s3 =	sld [smem:$0x3FFC];
	_ =	sdelay $0x3  }
0xc: {  	_ =	strace s3  }
0xd: {  	s3 =	sld [smem:$0x3FFD];
	_ =	sdelay $0x3  }
0xe: {  	_ =	strace s3  }
0xf: {  	_ =	strace $0x8FFFFFFF  }
0x10: {  	s20 =	sld [smem:$0x3FDB];
	_ =	sdelay $0x1  }
0x11: {  	s4 =	simm.s32 $_scs_section_size  }
0x12: {  	s5 =	simm.s32 $_size__tile_overlayer_lowered;
	s6 =	simm.s32 $_tile_overlayer_lowered  }
0x13: {  	s23 =	simm.s32 $0x1BFF;
	s22 =	sshll.u32 s6, $0x1;
	s3 =	sadd.s32 s4, s20  }
0x14: {  	s7 =	simm.s32 $0x0;
	s21 =	sshll.u32 s5, $0x1;
	s5 =	sadd.s32 s22, s3  }
0x15: {  	[timem:s7], [sflag:s23] =	dma.local [hbm:s5], s21  }
0x16: {  	_ =	swait.ge [sflag:s23], s21  }
0x17: {  	s4 =	ssub.s32 $0x0, s21;
	[sflag:s23] =	ssyncset.done $0x0  }
0x18: {  	[sflag:s23] =	ssyncadd.s32 s4;
	_ =	sdelay $0x1  }
0x19: {  	s24 =	simm.s32 $0x1B8B  }
0x1a: {  	_ =	swait.ge [sflag:s24], $0x1  }
0x1b: {  	[sflag:s24] =	ssyncset.done $0x0  }
0x1c: {  	s26 =	simm.s32 $0x1B8E;
	s25 =	sld [smem:$0x3FFE];
	[sflag:s24] =	ssyncadd.s32 $0xFFFFFFFF  }
0x1d: {  	s27 =	simm.s32 $execute0_lowered;
	[smem:$0x3FD2] =	sst s26  }
0x1e: {  	s5 =	sshll.u32 s27, $0x1;
	_ =	strace $0x80000049;
	[dreg:$0x1] =	wrdreg $0xFFFFFFFF  }
0x1f: {  	s28 =	simm.s32 $_size_execute0_lowered;
	s3 =	sadd.s32 s3, s5;
	[dreg:$0x0] =	wrdreg $0x0  }
0x20: {  	s5 =	sshll.u32 s28, $0x1;
	[dreg:$0x2] =	wrdreg s3  }
0x21: {  	[dreg:$0x3] =	wrdreg s5  }
0x22: {  	[dreg:$0x4] =	wrdreg $0xC0  }
0x23: {  	_ =	task [dreg:s7], $0x5FFFF  }
0x24: {  	[dreg:$0x1] =	wrdreg $0xFFFFFFFF  }
0x25: {  	[dreg:$0x0] =	wrdreg $0x60  }
0x26: {  	[dreg:$0x2] =	wrdreg s25  }
0x27: {  	[dreg:$0x3] =	wrdreg s2  }
0x28: {  	[dreg:$0x4] =	wrdreg $0x9  }
0x29: {  	_ =	task.clear_ibuf [dreg:s7], $0x5FFFF;
	_ =	strace $0x90000049  }
0x2a: {  	s29 =	simm.s32 $0x9;
	_ =	strace $0x8000004B  }
0x2b: {  	_ =	swait.ge [sflag:s29], $0x1  }
0x2c: {  	[sflag:s29] =	ssyncadd.s32 $0xFFFFFFFF  }
0x2d: {  	_ =	strace $0x9000004B  }
0x2e: {  	_ =	sfence  }
0x2f: {  	s30 =	sld [smem:$0x0];
	_ =	sdelay $0x2  }
0x30: {  	s31 =	sshll.u32 s1, $0xD;
	s1 =	sshrl.u32 s1, $0x2  }
0x31: {  	s3 =	sand.u32 $0x4000, s31;
	s1 =	sadd.s32 s1, s30  }
0x32: {  	s0 =	sor.u32 s3, s0;
	s1 =	sshll.u32 s1, $0x11  }
0x33: {  	s0 =	sor.u32 s1, s0  }
0x34: {  	s0 =	sadd.s32 $0x8F2B, s0  }
0x35: {  	[sflag:s0] =	ssyncadd.remote.s32 $0x1  }
0x36: {  	_ =	sfence.sel $0xFFFF  }
0x37: {  	[dreg:$0x0] =	wrdreg $0xFFFFFFFF;
	(pc) =	sbr.abs _section_cstart, $3  }
0x38: {  	[dreg:$0x1] =	wrdreg $0xFFFFFFFF  }
0x39: {  	_ =	task.clear_ibuf [dreg:s7], $0x2FFFF;
	_ =	strace $0x9FFFFFFF  }
0x3a: {  	(tm) =	ssettm $0x7FFFFFFF  }
0x3b: {  	_ =	shalt  }
tec
execute0_lowered:
.L_overlay_start_1:
0x0: {  	(tag) =	ssettag $0x1  }
0x1: {  	s0 =	srdreg.scid  }
0x2: {  	s1 =	sshll.u32 s0, $0x4  }
0x3: {  	s0 =	stileid.u32;
	s1 =	sand.u32 $0x10, s1  }
0x4: {  	s1 =	sor.u32 s0, s1  }
0x5: {  	s6 =	rddreg [dreg:$0x0];
	s4 =	simm.s32 $0x1;
	s2 =	sshll.u32 s1, $0x7  }
0x6: {  	s7 =	simm.s32 $0x2;
	s12 =	simm.s32 $0x0;
	s1 =	ssub.s32 $0x1000, s2  }
0x7: {  	s8 =	simm.s32 $0x8000;
	s13 =	simm.s32 $0x0;
	s3 =	sand.u32 $0xF80, s1  }
0x8: {  	s9 =	simm.s32 $0x0;
	s5 =	sshrl.u32 s1, $0xC;
	p0 =	sne.s32 s3, $0x0  }
.Ltmp0:
0x9: {  	s1 =	rddreg [dreg:$0x2];
	s4 =	simm.s32 @!p0 $0x0;
	(pc) =	sbr.rel .LBB1_1-.Ltmp0, $4  }
0xa: {  	s11 =	simm.s32 $0x0;
	s3 =	rddreg [dreg:$0x1];
	s5 =	sadd.s32 s4, s5  }
0xb: {  	_ =	strace $0x8000004A;
	s4 =	simm.s32 $0x1;
	s5 =	smul.u32 $0xC8, s5  }
0xc: {  	s6 =	sadd.s32 $0xA00, s6;
	s10 =	smov.u32 s2;
	[sflag:s4] =	ssyncpa.u1 $0x0  }
0xd: {  	p0 =	por $0x0, $0x0;
	[sflag:s7] =	ssyncpa.u1 $0x0;
	s7 =	sor.u32 $0x1, s5  }
.LBB1_4:
0xe: {  	s16 =	sshll.u32 s13, $0x3;
	s17 =	sand.u32 $0x78, s13  }
0xf: {  	s30 =	sand.u32 $0x7E00, s13;
	s12 =	sshll.u32 s12, $0xF;
	s16 =	sand.u32 $0xC00, s16  }
0x10: {  	[tilespmem:s15+$0x810 ss:$0x81] =	vst.msk $0xffff, v2;
	s31 =	sand.u32 $0x7, s13;
	s16 =	sor.u32 s17, s16;
	s17 =	sadd.s32 s3, s30  }
0x11: {  	[tilespmem:s15+$0x1020 ss:$0x81] =	vst.msk $0xffff, v0;
	s13 =	sshll.u32 s31, $0x12;
	s12 =	sadd.s32 s12, s17;
	s16 =	sshrl.u32 s16, $0x3  }
0x12: {  	[tilespmem:s15+$0x0 ss:$0x81] =	vst.msk $0xffff, v1;
	s13 =	sor.u32 $0x400, s13;
	s12 =	sadd.s32 s16, s12  }
0x13: {  	[hbm4b:s12+s13] =	stream.strided.scatter [tilespmem:s14], [sflag:$0x2], $0x2000, s8, s13, $0x20;
	[tilespmem:$0x8080] =	vst v63  }
.LBB1_5:
0x14: {  	s14 =	sadd.s32 $0x1, s9  }
0x15: {  	s12 =	sadd.s32 $0x1000, s10;
	s16 =	smov.u32 s10;
	p2 =	sgt.s32 s14, $0xC7  }
0x16: {  	s16 =	smov.u32 @p2 s12  }
0x17: {  	s14 =	simm.s32 @p2 $0x0;
	p2 =	sgt.s32 s16, $0xFFF  }
0x18: {  	s16 =	smov.u32 @p2 s2;
	p2 =	sne.s32 s11, s7  }
.Ltmp1:
0x19: {  	p1 =	slt.u32 s11, $0x2;
	(pc) =	sbr.rel @!p2 .LBB1_6-.Ltmp1, $4  }
0x1a: {  	s15 =	simm.s32 @!p1 $0x2  }
0x1b: {  	s13 =	smov.u32 s10;
	p0 =	por !p0, !p0;
	_ =	swait.ge @!p1 [sflag:s15], $0x2000  }
0x1c: {  	s12 =	smov.u32 s9;
	[sflag:s15] =	ssyncset.done @!p1 $0x0;
	s9 =	smov.u32 s14  }
0x1d: {  	s11 =	sadd.s32 $0x1, s11;
	[sflag:s15] =	ssyncadd.s32 @!p1 $0xFFFFE000;
	s10 =	smov.u32 s16  }
.LBB1_1:
0x1e: {  	p1 =	sge.u32 s11, s5  }
0x1f: {  	s14 =	sand.u32 @!p1 $0x1FFFFFF, s9  }
0x20: {  	s15 =	smulhi.u32 @!p1 $0x147AE15, s14;
	_ =	sdelay $0x1  }
0x21: {  	s15 =	smul.u32 @!p1 $0xC8, s15  }
0x22: {  	s16 =	sxor.u32 @!p1 $0xFFFFFFFF, s11;
	s17 =	smul.u32 @!p1 $0xC80, s10  }
0x23: {  	s31 =	sadd.s32 $0xFFFFFFFF, s11;
	s16 =	sshll.u32 @!p1 s16, $0xD;
	s14 =	ssub.s32 @!p1 s14, s15  }
0x24: {  	s15 =	sand.u32 @!p1 $0x2000, s16;
	s16 =	sadd.s32 @!p1 s6, s17;
	s14 =	sshll.u32 @!p1 s14, $0x4  }
0x25: {  	s17 =	simm.s32 @!p1 $0x6400;
	s14 =	sadd.s32 @!p1 s14, s16;
	s16 =	simm.s32 @!p1 $0x40  }
0x26: {  	[tilespmem:s15], [sflag:$0x1] =	stream.strided.gather @!p1 [hbm4b:s14+s16], $0x2000, s17, s16, $0x38;
	[tilespmem:$0x8080] =	vst v63  }
0x27: {  	p1 =	sge.u32 s31, s5  }
.Ltmp2:
0x28: {  	_ = 	snop;
	(pc) =	sbr.rel @p1 .LBB1_5-.Ltmp2, $1  }
0x29: {  	_ =	sdelay $0x3  }
0x2a: {  	s14 =	simm.s32 $0x1  }
0x2b: {  	_ =	swait.ge [sflag:s4], $0x2000;
	s14 =	simm.s32 @!p0 $0x0  }
0x2c: {  	[sflag:s4] =	ssyncset.done $0x0;
	s15 =	sshll.u32 s14, $0xD  }
0x2d: {  	[sflag:s4] =	ssyncadd.s32 $0xFFFFE000;
	s18 =	sor.u32 $0x20, s15  }
0x2e: {  	s14 =	smul.u32 $0x8100, s14;
	v3 =	vld [tilespmem:s18+$0x10]  }
0x2f: {  	s30 =	sand.u32 $0x1, s11;
	v2 =	vld [tilespmem:s18+$0xFFFFFFF0]  }
0x30: {  	s15 =	smul.u32 $0x8100, s30;
	s14 =	sshrl.u32 s14, $0x2;
	v0 =	vld [tilespmem:s18+$0x0]  }
0x31: {  	v1 =	vld [tilespmem:s18+$0xFFFFFFE0];
	s16 =	sor.u32 $0x4000, s14  }
0x32: {  	s31 =	sshrl.u32 s15, $0x2;
	s15 =	sadd.s32 $0x0, s16  }
0x33: {  	s17 =	simm.s32 $0x4;
	s18 =	sadd.s32 $0x40, s18;
	s14 =	sor.u32 $0x4000, s31;
	[tilespmem:s15+$0x1830 ss:$0x81] =	vst.msk $0xffff, v3  }
.LBB1_3:
0x34: {  	v3 =	vld [tilespmem:s18+$0x10];
	p1 =	sne.s32 s17, $0x1FC;
	[tilespmem:s15+$0x810 ss:$0x81] =	vst.msk $0xffff, v2;
	s19 =	smov.u32 s17;
	s17 =	sadd.s32 $0x4, s17  }
.Ltmp3:
0x35: {  	v2 =	vld [tilespmem:s18+$0xFFFFFFF0];
	[tilespmem:s15+$0x1020 ss:$0x81] =	vst.msk $0xffff, v0;
	(pc) =	sbr.rel @p1 .LBB1_3-.Ltmp3, $4  }
0x36: {  	v0 =	vld [tilespmem:s18+$0x0];
	[tilespmem:s15+$0x0 ss:$0x81] =	vst.msk $0xffff, v1  }
0x37: {  	s15 =	sshra.s32 s19, $0x2;
	v1 =	vld [tilespmem:s18+$0xFFFFFFE0]  }
0x38: {  	s15 =	sadd.s32 s15, s16  }
0x39: {  	s18 =	sadd.s32 $0x40, s18;
	[tilespmem:s15+$0x1830 ss:$0x81] =	vst.msk $0xffff, v3  }
.Ltmp4:
0x3a: {  	_ = 	snop;
	(pc) =	sbr.rel .LBB1_4-.Ltmp4, $1  }
0x3b: {  	_ =	sdelay $0x3  }
.LBB1_6:
0x3c: {  	_ =	sfence.sel $0x180000  }
0x3d: {  	s2 =	simm.s32 $0x1;
	[bflag:$0x0] =	sbarrier.arrive $0xFFFF  }
0x3e: {  	s31 =	simm.s32 $0x2;
	[sflag:s2] =	ssyncpa.u1 $0x1  }
0x3f: {  	[sflag:s31] =	ssyncpa.u1 $0x1  }
0x40: {  	p0 =	sne.s32 s0, $0x0;
	_ =	strace $0x9000004A  }
0x41: {  	s0 =	sadd.s32 @!p0 $0x100000, s1;
	[bflag:$0x2] =	sbarrier.arrive $0xFFFF  }
0x42: {  	[sflag:s0] =	ssyncadd.tile.s32 @!p0 $0x1;
	_ =	shalt  }
.Lfunc_end1:
_tile_overlayer_lowered:
.L_overlay_start_2:
0x43: {  	(tag) =	ssettag $0x2  }
0x44: {  	s0 =	rddreg [dreg:$0x0];
	s2 =	stileid.u32  }
0x45: {  	s1 =	rddreg [dreg:$0x1];
	p0 =	sne.s32 s2, $0x0  }
0x46: {  	s3 =	rddreg [dreg:$0x2];
	[bflag:$0x3] =	sbarrier.arrive $0xFFFF;
	s2 =	simm.s32 @!p0 $0x1C01  }
0x47: {  	[timem:s3], [sflag:s2] =	dma.local @!p0 [hbm:s0], s1  }
0x48: {  	s0 =	simm.s32 @!p0 $0x1  }
0x49: {  	_ =	swait.ge @!p0 [sflag:s0], s1  }
0x4a: {  	s1 =	ssub.s32 @!p0 $0x0, s1;
	[sflag:s0] =	ssyncset.done @!p0 $0x0  }
0x4b: {  	[sflag:s0] =	ssyncadd.s32 @!p0 s1  }
0x4c: {  	[bflag:$0x3] =	sbarrier.arrive $0xFFFF  }
0x4d: {  	_ =	shalt  }

</sc_bundles>
